<compile_context>
chip_gen: v7x
topology: tpu7x:2x2x1
jax: 0.10.2.dev20260603
libtpu: 0.0.44.dev20260713+nightly
codegen_flags: <defaults>
</compile_context>

<pallas_src>
import functools

import jax
import jax.numpy as jnp
from jax import lax
from jax.experimental import pallas as pl
from jax.experimental.pallas import tpu as pltpu
from jax.experimental.pallas import tpu_sc as plsc

NV = 64
NPIX = 512
PIXSCALE = 0.5
VEL0 = 0.0
DV = 10.0
FOV_HALF = 0.5 * (NPIX - 1) * PIXSCALE

NC, NS, L = 2, 16, 16
NW = NC * NS
M = 250000 * 8
CP = 2048
ITERS = CP // L
NCHUNK = 31
P_TILE = CP * NCHUNK
M_PAD = P_TILE * NW
NB = 256
NREC = M_PAD
RECW = 16
CR = 1024
ACC = 129 * 512

_mesh = plsc.VectorSubcoreMesh(core_axis_name="c", subcore_axis_name="s",
                               num_cores=NC, num_subcores=NS)
_sc_params = pltpu.CompilerParams(needs_layout_passes=False,
                                  use_tc_tiling_on_sc=False)


def _point_math(r, d, v, f):
    x = r * (1.0 / PIXSCALE) + (FOV_HALF / PIXSCALE)
    y = d * (1.0 / PIXSCALE) + (FOV_HALF / PIXSCALE)
    vz = v * (1.0 / DV) + (-VEL0 / DV)
    ok = ((x >= 0.0) & (x < NPIX - 1.0) & (y >= 0.0) & (y < NPIX - 1.0)
          & (vz >= 0.0) & (vz < NV - 1.0))
    f = jnp.where(ok, f, 0.0)
    ix = jnp.clip(x.astype(jnp.int32), 0, NPIX - 2)
    iy = jnp.clip(y.astype(jnp.int32), 0, NPIX - 2)
    iv = jnp.clip(vz.astype(jnp.int32), 0, NV - 2)
    fx = jnp.clip(x - ix.astype(jnp.float32), 0.0, 1.0)
    fy = jnp.clip(y - iy.astype(jnp.float32), 0.0, 1.0)
    fv = jnp.clip(vz - iv.astype(jnp.float32), 0.0, 1.0)
    yq = iy >> 7
    ly = iy & 127
    idx = ly * NPIX + ix
    b = iv * 4 + yq
    return b, idx, fx, fy, fv, f


@functools.partial(
    pl.kernel,
    out_type=jax.ShapeDtypeStruct((NB, NW, L), jnp.int32),
    mesh=_mesh,
    compiler_params=_sc_params,
    scratch_types=[
        pltpu.VMEM((2, CP), jnp.float32),
        pltpu.VMEM((2, CP), jnp.float32),
        pltpu.VMEM((2, CP), jnp.float32),
        pltpu.VMEM((2, CP), jnp.float32),
        pltpu.VMEM((NB, L), jnp.int32),
        pltpu.SemaphoreType.DMA,
    ],
)
def _p1a(ra, dec, vel, flx, counts, rb, db, vb, fb, cnt, sem):
    w = lax.axis_index("c") * NS + lax.axis_index("s")
    lane = lax.iota(jnp.int32, L)
    ones = jnp.ones((L,), jnp.int32)

    def zero_body(i, _):
        plsc.store_scatter(cnt, [jnp.full((L,), i, jnp.int32), lane],
                           jnp.zeros((L,), jnp.int32))
        return 0
    lax.fori_loop(0, NB, zero_body, 0)

    def in_copies(ch, pg):
        base = w * P_TILE + ch * CP
        return [pltpu.make_async_copy(src.at[pl.ds(base, CP)], dst.at[pg], sem)
                for src, dst in ((ra, rb), (dec, db), (vel, vb), (flx, fb))]

    for cp in in_copies(0, 0):
        cp.start()

    def chunk_body(ch, _):
        pg = ch & 1
        for cp in in_copies(ch, pg):
            cp.wait()

        @pl.when(ch + 1 < NCHUNK)
        def _():
            for cp in in_copies(ch + 1, 1 - pg):
                cp.start()

        def it_body(i, _):
            sl = pl.ds(i * L, L)
            b, _idx, _fx, _fy, _fv, _f = _point_math(
                rb[pg, sl], db[pg, sl], vb[pg, sl], fb[pg, sl])
            plsc.addupdate_scatter(cnt, [b, lane], ones)
            return 0
        lax.fori_loop(0, ITERS, it_body, 0)
        return 0
    lax.fori_loop(0, NCHUNK, chunk_body, 0)
    pltpu.sync_copy(cnt, counts.at[:, w, :])


_SCAN_CB = 16


@functools.partial(
    pl.kernel,
    out_type=(
        jax.ShapeDtypeStruct((NB, NW, L), jnp.int32),
        jax.ShapeDtypeStruct((2 * NB,), jnp.int32),
    ),
    mesh=_mesh,
    compiler_params=_sc_params,
    scratch_types=[
        pltpu.VMEM((_SCAN_CB, NW, L), jnp.int32),
        pltpu.VMEM((_SCAN_CB, NW, L), jnp.int32),
        pltpu.VMEM((2 * NB,), jnp.int32),
        pltpu.SemaphoreType.DMA,
    ],
)
def _p1b(counts, offsets, binfo, cbuf, obuf, bbuf, sem):
    w = lax.axis_index("c") * NS + lax.axis_index("s")

    @pl.when(w == 0)
    def _():
        lane = lax.iota(jnp.int32, L)

        def chunk_body(cb, carry):
            pltpu.sync_copy(counts.at[pl.ds(cb * _SCAN_CB, _SCAN_CB)], cbuf)

            def bucket_body(bl, carry):
                bglob = cb * _SCAN_CB + bl
                blv = jnp.full((L,), bl, jnp.int32)

                def vec_body(j, run):
                    jv = jnp.full((L,), j, jnp.int32)
                    v = plsc.load_gather(cbuf, [blv, jv, lane])
                    cs = plsc.cumsum(v)
                    off = (carry + run) + cs - v
                    plsc.store_scatter(obuf, [blv, jv, lane], off)
                    return run + cs[L - 1]
                run = lax.fori_loop(0, NW, vec_body, jnp.int32(0))
                bgv = jnp.full((L,), bglob, jnp.int32)
                m0 = lane == 0
                plsc.store_scatter(bbuf, [bgv], jnp.full((L,), carry, jnp.int32),
                                   mask=m0)
                plsc.store_scatter(bbuf, [bgv + NB], jnp.full((L,), run, jnp.int32),
                                   mask=m0)
                return carry + run
            carry = lax.fori_loop(0, _SCAN_CB, bucket_body, carry)
            pltpu.sync_copy(obuf, offsets.at[pl.ds(cb * _SCAN_CB, _SCAN_CB)])
            return carry
        lax.fori_loop(0, NB // _SCAN_CB, chunk_body, jnp.int32(0))
        pltpu.sync_copy(bbuf, binfo)


@functools.partial(
    pl.kernel,
    out_type=jax.ShapeDtypeStruct((NREC + CR, RECW), jnp.float32),
    mesh=_mesh,
    compiler_params=_sc_params,
    scratch_types=[
        pltpu.VMEM((2, CP), jnp.float32),
        pltpu.VMEM((2, CP), jnp.float32),
        pltpu.VMEM((2, CP), jnp.float32),
        pltpu.VMEM((2, CP), jnp.float32),
        pltpu.VMEM((NB, L), jnp.int32),
        pltpu.VMEM((2, ITERS * L, RECW), jnp.float32),
        pltpu.VMEM((2, ITERS * L // 128, 128), jnp.int32),
        pltpu.SemaphoreType.DMA,
        pltpu.SemaphoreType.DMA,
    ],
)
def _p1c(ra, dec, vel, flx, offsets, rec, rb, db, vb, fb, cur, stage, slots,
         sem_in, sem_out):
    w = lax.axis_index("c") * NS + lax.axis_index("s")
    lane = lax.iota(jnp.int32, L)
    pltpu.sync_copy(offsets.at[:, w, :], cur)
    ndma = ITERS * L // 128

    def in_copies(ch, pg):
        base = w * P_TILE + ch * CP
        return [pltpu.make_async_copy(src.at[pl.ds(base, CP)], dst.at[pg],
                                      sem_in)
                for src, dst in ((ra, rb), (dec, db), (vel, vb), (flx, fb))]

    for cp in in_copies(0, 0):
        cp.start()

    def chunk_body(ch, _):
        pg = ch & 1
        for cp in in_copies(ch, pg):
            cp.wait()

        @pl.when(ch + 1 < NCHUNK)
        def _():
            for cp in in_copies(ch + 1, 1 - pg):
                cp.start()

        def it_body(i, _):
            sl = pl.ds(i * L, L)
            b, idx, fx, fy, fv, f = _point_math(
                rb[pg, sl], db[pg, sl], vb[pg, sl], fb[pg, sl])
            slot = plsc.load_gather(cur, [b, lane])
            plsc.store_scatter(cur, [b, lane], slot + 1)
            row = jnp.full((L,), i * L, jnp.int32) + lane
            idxf = plsc.bitcast(idx, jnp.float32)
            pgv = jnp.full((L,), pg, jnp.int32)
            for col, valv in ((0, idxf), (1, fx), (2, fy),
                              (3, f * (1.0 - fv)), (4, f * fv)):
                plsc.store_scatter(stage, [pgv, row, jnp.full((L,), col, jnp.int32)],
                                   valv)
            plsc.store_scatter(slots,
                               [pgv, jnp.full((L,), i >> 3, jnp.int32),
                                jnp.full((L,), (i & 7) * L, jnp.int32) + lane],
                               slot)
            return 0
        lax.fori_loop(0, ITERS, it_body, 0)

        def fire(j, _):
            pltpu.async_copy(stage.at[pg, pl.ds(j * 128, 128)],
                             rec.at[slots.at[pg, j]], sem_out)
            return 0
        lax.fori_loop(0, ndma, fire, 0)

        @pl.when(ch >= 1)
        def _():
            og = 1 - pg
            pltpu.make_async_copy(rec.at[pl.ds(0, ITERS * L)], stage.at[og],
                                  sem_out).wait()
        return 0
    lax.fori_loop(0, NCHUNK, chunk_body, 0)
    pltpu.make_async_copy(rec.at[pl.ds(0, ITERS * L)],
                          stage.at[(NCHUNK - 1) & 1], sem_out).wait()


@functools.partial(
    pl.kernel,
    out_type=(
        jax.ShapeDtypeStruct((NV * NPIX * NPIX,), jnp.float32),
        jax.ShapeDtypeStruct((NB, NPIX), jnp.float32),
    ),
    mesh=_mesh,
    compiler_params=_sc_params,
    scratch_types=[
        pltpu.VMEM((ACC,), jnp.float32),
        pltpu.VMEM((2, CR, RECW), jnp.float32),
        pltpu.VMEM((2 * NB,), jnp.int32),
        pltpu.SemaphoreType.DMA,
    ],
)
def _p2(rec, binfo, cube, halos, acc, buf, bi, sem):
    w = lax.axis_index("c") * NS + lax.axis_index("s")
    lane = lax.iota(jnp.int32, L)
    pltpu.sync_copy(binfo, bi)
    zeros = jnp.zeros((L,), jnp.float32)

    def block_body(blk, _):
        bid = w * 8 + blk
        c = bid >> 2
        q = bid & 3

        def zb(i, _):
            for u in range(4):
                acc[pl.ds(i * (4 * L) + u * L, L)] = zeros
            return 0
        lax.fori_loop(0, ACC // (4 * L), zb, 0)

        def do_half(bucket, valcol, enable):
            bkc = jnp.clip(bucket, 0, NB - 1)
            start = plsc.load_gather(bi, [jnp.full((L,), bkc, jnp.int32)])[0]
            n = plsc.load_gather(bi, [jnp.full((L,), bkc + NB, jnp.int32)])[0]
            n = jnp.where(enable, n, 0)
            nch = (n + (CR - 1)) >> 10

            @pl.when(nch > 0)
            def _():
                pltpu.async_copy(rec.at[pl.ds(start, CR)], buf.at[0], sem)

            def ch_body(ch, _):
                pg = ch & 1
                pltpu.make_async_copy(rec.at[pl.ds(start + ch * CR, CR)],
                                      buf.at[pg], sem).wait()

                @pl.when(ch + 1 < nch)
                def _():
                    pltpu.async_copy(rec.at[pl.ds(start + (ch + 1) * CR, CR)],
                                     buf.at[1 - pg], sem)
                rem0 = n - ch * CR

                def grp(g, _):
                    row = jnp.full((L,), g * L, jnp.int32) + lane
                    gv = lambda col: plsc.load_gather(
                        buf, [jnp.full((L,), pg, jnp.int32), row,
                              jnp.full((L,), col, jnp.int32)])
                    idx = plsc.bitcast(gv(0), jnp.int32)
                    fx = gv(1)
                    fy = gv(2)
                    val = gv(valcol)
                    m = row < rem0
                    wy0 = val * (1.0 - fy)
                    wy1 = val * fy
                    plsc.addupdate_scatter(acc, [idx], wy0 * (1.0 - fx), mask=m)
                    plsc.addupdate_scatter(acc, [idx + 1], wy0 * fx, mask=m)
                    plsc.addupdate_scatter(acc, [idx + NPIX], wy1 * (1.0 - fx),
                                           mask=m)
                    plsc.addupdate_scatter(acc, [idx + NPIX + 1], wy1 * fx,
                                           mask=m)
                    return 0
                lax.fori_loop(0, CR // L, grp, 0)
                return 0
            lax.fori_loop(0, nch, ch_body, 0)

        do_half(c * 4 + q, 3, c <= NV - 2)
        do_half((c - 1) * 4 + q, 4, c >= 1)
        pltpu.sync_copy(acc.at[pl.ds(0, 128 * NPIX)],
                        cube.at[pl.ds((c * NPIX + q * 128) * NPIX, 128 * NPIX)])
        pltpu.sync_copy(acc.at[pl.ds(128 * NPIX, NPIX)], halos.at[bid])
        return 0
    lax.fori_loop(0, 8, block_body, 0)


def _p3_body(c_ref, h_ref, o_ref):
    o_ref[...] = c_ref[...]
    o_ref[0, 128, :] = c_ref[0, 128, :] + h_ref[0, 0, :]
    o_ref[0, 256, :] = c_ref[0, 256, :] + h_ref[0, 1, :]
    o_ref[0, 384, :] = c_ref[0, 384, :] + h_ref[0, 2, :]


def _p3(cube_raw, halos):
    return pl.pallas_call(
        _p3_body,
        grid=(NV,),
        in_specs=[
            pl.BlockSpec((1, NPIX, NPIX), lambda i: (i, 0, 0)),
            pl.BlockSpec((1, 4, NPIX), lambda i: (i, 0, 0)),
        ],
        out_specs=pl.BlockSpec((1, NPIX, NPIX), lambda i: (i, 0, 0)),
        out_shape=jax.ShapeDtypeStruct((NV, NPIX, NPIX), jnp.float32),
    )(cube_raw, halos)


def kernel(pos_img, vel_chan, flux):
    ra = pos_img[..., 0].reshape(M)
    dec = pos_img[..., 1].reshape(M)
    v = vel_chan.reshape(M)
    f = flux.reshape(M)
    pad = M_PAD - M
    ra = jnp.concatenate([ra, jnp.zeros((pad,), jnp.float32)])
    dec = jnp.concatenate([dec, jnp.zeros((pad,), jnp.float32)])
    v = jnp.concatenate([v, jnp.zeros((pad,), jnp.float32)])
    f = jnp.concatenate([f, jnp.zeros((pad,), jnp.float32)])

    counts = _p1a(ra, dec, v, f)
    offsets, binfo = _p1b(counts)
    rec = _p1c(ra, dec, v, f, offsets)
    cube_raw, halos = _p2(rec, binfo)
    cube = _p3(cube_raw.reshape(NV, NPIX, NPIX), halos.reshape(NV, 4, NPIX))
    return cube

# --- scband reference (transcript-rebuilt; emitter-appended) ---
"""Pipeline reference for scband-cloud-rasterizer-49675591745755 (READ-ONLY COPY).

The authoritative reference and input builder live on the scoring server;
editing this copy changes nothing except your own understanding.
"""

import jax, jax.numpy as jnp
import numpy as np

NV = 64
NPIX = 512
PIXSCALE = 0.5
VEL0 = 0.0
DV = 10.0
FOV_HALF = 0.5 * (NPIX - 1) * PIXSCALE


def setup_inputs(seed: int = 0) -> dict:
    key = jax.random.key(seed)
    k1, k2, k3 = jax.random.split(key, 3)
    N, S = 250000, 8
    # positions spread over ~98% of the field of view so scatter hits the whole cube
    pos_img = (jax.random.uniform(k1, (N, S, 2), dtype=jnp.float32) * 2.0 - 1.0) * (FOV_HALF * 0.98)
    # velocities spread over ~98% of the velocity axis
    vel_chan = VEL0 + jax.random.uniform(k2, (N, S), dtype=jnp.float32) * ((NV - 1) * DV * 0.98)
    flux = jax.random.uniform(k3, (N, S), dtype=jnp.float32)
    return {"pos_img": pos_img, "vel_chan": vel_chan, "flux": flux}


def reference(pos_img, vel_chan, flux):
    M = pos_img.shape[0] * pos_img.shape[1]
    ra = pos_img[..., 0].reshape(M)
    dec = pos_img[..., 1].reshape(M)
    v = vel_chan.reshape(M)
    f = flux.reshape(M)

    x = (ra + FOV_HALF) / PIXSCALE
    y = (dec + FOV_HALF) / PIXSCALE
    vz = (v - VEL0) / DV

    ix0 = jnp.floor(x).astype(jnp.int32)
    fx = x - ix0.astype(x.dtype)
    iy0 = jnp.floor(y).astype(jnp.int32)
    fy = y - iy0.astype(y.dtype)
    iv0 = jnp.floor(vz).astype(jnp.int32)
    fv = vz - iv0.astype(vz.dtype)

    mask = (ix0 >= 0) & (ix0 < NPIX - 1) & (iy0 >= 0) & (iy0 < NPIX - 1) & (iv0 >= 0) & (iv0 < NV - 1)
    # zero-out out-of-bounds contributions instead of boolean compaction (same math)
    f = jnp.where(mask, f, 0.0)
    ix0 = jnp.clip(ix0, 0, NPIX - 2)
    iy0 = jnp.clip(iy0, 0, NPIX - 2)
    iv0 = jnp.clip(iv0, 0, NV - 2)

    ix1, iy1, iv1 = ix0 + 1, iy0 + 1, iv0 + 1
    wx0, wy0, wv0 = 1.0 - fx, 1.0 - fy, 1.0 - fv
    wx1, wy1, wv1 = fx, fy, fv

    ix = jnp.stack([ix0, ix0, ix0, ix0, ix1, ix1, ix1, ix1], axis=1)
    iy = jnp.stack([iy0, iy0, iy1, iy1, iy0, iy0, iy1, iy1], axis=1)
    iv = jnp.stack([iv0, iv1, iv0, iv1, iv0, iv1, iv0, iv1], axis=1)
    wx = jnp.stack([wx0, wx0, wx0, wx0, wx1, wx1, wx1, wx1], axis=1)
    wy = jnp.stack([wy0, wy0, wy1, wy1, wy0, wy0, wy1, wy1], axis=1)
    wv = jnp.stack([wv0, wv1, wv0, wv1, wv0, wv1, wv0, wv1], axis=1)

    f_w = f[:, None] * (wx * wy * wv)
    idx_flat = ((iv * NPIX + iy) * NPIX + ix).reshape(-1)
    cube_flat = jnp.zeros(NV * NPIX * NPIX, dtype=f.dtype).at[idx_flat].add(f_w.reshape(-1))
    return cube_flat.reshape(NV, NPIX, NPIX)

if __name__ == "__main__":
    import jax
    _d = setup_inputs()
    print(jax.jit(kernel)(*tuple(_d.values())))

</pallas_src>

<mosaic_0001>
#map = affine_map<(d0, d1) -> (0, 0, 0)>
#map1 = affine_map<(d0, d1) -> (0)>
module attributes {stable_mosaic.version = 14 : i64} {
  func.func @_p1b(%arg0: i32, %arg1: i32, %arg2: memref<256x32x16xi32, #tpu.memory_space<hbm>>, %arg3: memref<256x32x16xi32, #tpu.memory_space<hbm>>, %arg4: memref<512xi32, #tpu.memory_space<hbm>>, %arg5: memref<16x32x16xi32, #tpu.memory_space<vmem>>, %arg6: memref<16x32x16xi32, #tpu.memory_space<vmem>>, %arg7: memref<512xi32, #tpu.memory_space<vmem>>, %arg8: memref<!tpu.dma_semaphore, #tpu.memory_space<semaphore_mem>>) attributes {dimension_semantics = [#tpu.dimension_semantics<core_parallel>, #tpu.dimension_semantics<subcore_parallel>], iteration_bounds = array<i64: 2, 16>, scalar_prefetch = 0 : i64, scratch_operands = 4 : i64, tpu.core_type = #tpu.core_type<sc_vector_subcore>, window_params = [{transform_indices = #map}, {transform_indices = #map}, {transform_indices = #map1}]} {
    %mul3A = arith.constant 16 : i32
    %mul3A_0 = arith.muli %arg0, %mul3A : i32
    %add3A = arith.addi %mul3A_0, %arg1 : i32
    %eq3A = arith.constant 0 : i32
    %eq3A_1 = arith.cmpi eq, %add3A, %eq3A : i32
    %convert_element_type3A = arith.extui %eq3A_1 : i1 to i32
    %cond3A = arith.constant 0 : i32
    %cond3A_2 = arith.cmpi ne, %convert_element_type3A, %cond3A : i32
    scf.if %cond3A_2 {
      %iota3A = tpu.iota {dimensions = array<i32: 0>} : vector<16xi32>
      %scan3A = arith.constant 0 : i32
      %scan3A_3 = arith.constant 0 : i32
      %scan3A_4 = arith.constant 16 : i32
      %scan3A_5 = arith.addi %scan3A_3, %scan3A_4 : i32
      %scan3A_6 = arith.constant 1 : i32
      %scan3A_7 = scf.for %scan3A_9 = %scan3A_3 to %scan3A_5 step %scan3A_6 iter_args(%scan3A_10 = %scan3A) -> (i32)  : i32 {
        %mul3A_11 = arith.constant 16 : i32
        %mul3A_12 = arith.muli %scan3A_9, %mul3A_11 : i32
        "tpu.region"() ({
          %run_scoped3A = tpu.sem_alloc : memref<!tpu.dma_semaphore, #tpu.memory_space<semaphore_mem>>
          %dma_start3A = arith.constant 0 : i32
          %dma_start3A_21 = arith.constant 0 : i32
          %dma_start3A_22 = tpu.memref_slice %arg2[%mul3A_12, %dma_start3A, %dma_start3A_21] : memref<256x32x16xi32, #tpu.memory_space<hbm>> -> memref<16x32x16xi32, #tpu.memory_space<hbm>>
          %dma_start3A_23 = arith.constant 0 : i32
          %dma_start3A_24 = arith.constant 0 : i32
          %dma_start3A_25 = tpu.memref_slice %arg2[%mul3A_12, %dma_start3A_23, %dma_start3A_24] : memref<256x32x16xi32, #tpu.memory_space<hbm>> -> memref<16x32x16xi32, #tpu.memory_space<hbm>>
          tpu.enqueue_dma source(%dma_start3A_25 : memref<16x32x16xi32, #tpu.memory_space<hbm>>) target(%arg5 : memref<16x32x16xi32, #tpu.memory_space<vmem>>) target_semaphore(%run_scoped3A : memref<!tpu.dma_semaphore, #tpu.memory_space<semaphore_mem>>)
          %dma_wait3A = arith.constant 0 : i32
          %dma_wait3A_26 = arith.constant 0 : i32
          %dma_wait3A_27 = tpu.memref_slice %arg2[%mul3A_12, %dma_wait3A, %dma_wait3A_26] : memref<256x32x16xi32, #tpu.memory_space<hbm>> -> memref<16x32x16xi32, #tpu.memory_space<hbm>>
          %dma_wait3A_28 = arith.constant 0 : i32
          %dma_wait3A_29 = arith.constant 0 : i32
          %dma_wait3A_30 = tpu.memref_slice %arg2[%mul3A_12, %dma_wait3A_28, %dma_wait3A_29] : memref<256x32x16xi32, #tpu.memory_space<hbm>> -> memref<16x32x16xi32, #tpu.memory_space<hbm>>
          tpu.wait_dma2 semaphore(%run_scoped3A : memref<!tpu.dma_semaphore, #tpu.memory_space<semaphore_mem>>) src(%dma_wait3A_30 : memref<16x32x16xi32, #tpu.memory_space<hbm>>) dst(%arg5 : memref<16x32x16xi32, #tpu.memory_space<vmem>>)
          tpu.yield
        }) : () -> ()
        %scan3A_13 = arith.constant 0 : i32
        %scan3A_14 = arith.constant 16 : i32
        %scan3A_15 = arith.addi %scan3A_13, %scan3A_14 : i32
        %scan3A_16 = arith.constant 1 : i32
        %scan3A_17 = scf.for %scan3A_21 = %scan3A_13 to %scan3A_15 step %scan3A_16 iter_args(%scan3A_22 = %scan3A_10) -> (i32)  : i32 {
          %mul3A_23 = arith.constant 16 : i32
          %mul3A_24 = arith.muli %scan3A_9, %mul3A_23 : i32
          %add3A_25 = arith.addi %mul3A_24, %scan3A_21 : i32
          %broadcast_in_dim3A = vector.broadcast %scan3A_21 : i32 to vector<16xi32>
          %scan3A_26 = arith.constant 0 : i32
          %scan3A_27 = arith.constant 0 : i32
          %scan3A_28 = arith.constant 32 : i32
          %scan3A_29 = arith.addi %scan3A_27, %scan3A_28 : i32
          %scan3A_30 = arith.constant 1 : i32
          %scan3A_31 = scf.for %scan3A_43 = %scan3A_27 to %scan3A_29 step %scan3A_30 iter_args(%scan3A_44 = %scan3A_26) -> (i32)  : i32 {
            %broadcast_in_dim3A_45 = vector.broadcast %scan3A_43 : i32 to vector<16xi32>
            %gather3A = tpu.vector_load_idx %arg5[%broadcast_in_dim3A, %broadcast_in_dim3A_45, %iota3A] : memref<16x32x16xi32, #tpu.memory_space<vmem>>[vector<16xi32>, vector<16xi32>, vector<16xi32>], vector<16xi32>,
            %broadcast_in_dim3A_46 = arith.constant true
            %broadcast_in_dim3A_47 = vector.broadcast %broadcast_in_dim3A_46 : i1 to vector<16xi1>
            %masked_cumsum3A = tpu.scan <sum>, %gather3A masked %broadcast_in_dim3A_47 : vector<16xi32>, vector<16xi1> -> vector<16xi32>
            %add3A_48 = arith.addi %scan3A_22, %scan3A_44 : i32
            %add3A_49 = vector.broadcast %add3A_48 : i32 to vector<16xi32>
            %add3A_50 = arith.addi %add3A_49, %masked_cumsum3A : vector<16xi32>
            %sub3A = arith.subi %add3A_50, %gather3A : vector<16xi32>
            tpu.vector_store_idx %arg6[%broadcast_in_dim3A, %broadcast_in_dim3A_45, %iota3A], %sub3A : memref<16x32x16xi32, #tpu.memory_space<vmem>>[vector<16xi32>, vector<16xi32>, vector<16xi32>], vector<16xi32>,
            %slice3A = vector.extract_strided_slice %masked_cumsum3A {offsets = [15], sizes = [1], strides = [1]} : vector<16xi32> to vector<1xi32>
            %squeeze3A = vector.extract %slice3A[0] : i32 from vector<1xi32>
            %add3A_51 = arith.addi %scan3A_44, %squeeze3A : i32
            scf.yield %add3A_51 : i32
          }
          %scan3A_32 = arith.constant 32 : i32
          %broadcast_in_dim3A_33 = vector.broadcast %add3A_25 : i32 to vector<16xi32>
          %eq3A_34 = arith.constant 0 : i32
          %eq3A_35 = vector.broadcast %eq3A_34 : i32 to vector<16xi32>
          %eq3A_36 = arith.cmpi eq, %iota3A, %eq3A_35 : vector<16xi32>
          %broadcast_in_dim3A_37 = vector.broadcast %scan3A_22 : i32 to vector<16xi32>
          tpu.vector_store_idx %arg7[%broadcast_in_dim3A_33], %broadcast_in_dim3A_37 masked %eq3A_36 : memref<512xi32, #tpu.memory_space<vmem>>[vector<16xi32>], vector<16xi32>, vector<16xi1>
          %add3A_38 = arith.constant 256 : i32
          %add3A_39 = vector.broadcast %add3A_38 : i32 to vector<16xi32>
          %add3A_40 = arith.addi %broadcast_in_dim3A_33, %add3A_39 : vector<16xi32>
          %broadcast_in_dim3A_41 = vector.broadcast %scan3A_31 : i32 to vector<16xi32>
          tpu.vector_store_idx %arg7[%add3A_40], %broadcast_in_dim3A_41 masked %eq3A_36 : memref<512xi32, #tpu.memory_space<vmem>>[vector<16xi32>], vector<16xi32>, vector<16xi1>
          %add3A_42 = arith.addi %scan3A_22, %scan3A_31 : i32
          scf.yield %add3A_42 : i32
        }
        %scan3A_18 = arith.constant 16 : i32
        %mul3A_19 = arith.constant 16 : i32
        %mul3A_20 = arith.muli %scan3A_9, %mul3A_19 : i32
        "tpu.region"() ({
          %run_scoped3A = tpu.sem_alloc : memref<!tpu.dma_semaphore, #tpu.memory_space<semaphore_mem>>
          %dma_start3A = arith.constant 0 : i32
          %dma_start3A_21 = arith.constant 0 : i32
          %dma_start3A_22 = tpu.memref_slice %arg3[%mul3A_20, %dma_start3A, %dma_start3A_21] : memref<256x32x16xi32, #tpu.memory_space<hbm>> -> memref<16x32x16xi32, #tpu.memory_space<hbm>>
          %dma_start3A_23 = arith.constant 0 : i32
          %dma_start3A_24 = arith.constant 0 : i32
          %dma_start3A_25 = tpu.memref_slice %arg3[%mul3A_20, %dma_start3A_23, %dma_start3A_24] : memref<256x32x16xi32, #tpu.memory_space<hbm>> -> memref<16x32x16xi32, #tpu.memory_space<hbm>>
          tpu.enqueue_dma source(%arg6 : memref<16x32x16xi32, #tpu.memory_space<vmem>>) target(%dma_start3A_25 : memref<16x32x16xi32, #tpu.memory_space<hbm>>) target_semaphore(%run_scoped3A : memref<!tpu.dma_semaphore, #tpu.memory_space<semaphore_mem>>)
          %dma_wait3A = arith.constant 0 : i32
          %dma_wait3A_26 = arith.constant 0 : i32
          %dma_wait3A_27 = tpu.memref_slice %arg3[%mul3A_20, %dma_wait3A, %dma_wait3A_26] : memref<256x32x16xi32, #tpu.memory_space<hbm>> -> memref<16x32x16xi32, #tpu.memory_space<hbm>>
          %dma_wait3A_28 = arith.constant 0 : i32
          %dma_wait3A_29 = arith.constant 0 : i32
          %dma_wait3A_30 = tpu.memref_slice %arg3[%mul3A_20, %dma_wait3A_28, %dma_wait3A_29] : memref<256x32x16xi32, #tpu.memory_space<hbm>> -> memref<16x32x16xi32, #tpu.memory_space<hbm>>
          tpu.wait_dma2 semaphore(%run_scoped3A : memref<!tpu.dma_semaphore, #tpu.memory_space<semaphore_mem>>) src(%arg6 : memref<16x32x16xi32, #tpu.memory_space<vmem>>) dst(%dma_wait3A_30 : memref<16x32x16xi32, #tpu.memory_space<hbm>>)
          tpu.yield
        }) : () -> ()
        scf.yield %scan3A_17 : i32
      }
      %scan3A_8 = arith.constant 16 : i32
      "tpu.region"() ({
        %run_scoped3A = tpu.sem_alloc : memref<!tpu.dma_semaphore, #tpu.memory_space<semaphore_mem>>
        tpu.enqueue_dma source(%arg7 : memref<512xi32, #tpu.memory_space<vmem>>) target(%arg4 : memref<512xi32, #tpu.memory_space<hbm>>) target_semaphore(%run_scoped3A : memref<!tpu.dma_semaphore, #tpu.memory_space<semaphore_mem>>)
        tpu.wait_dma2 semaphore(%run_scoped3A : memref<!tpu.dma_semaphore, #tpu.memory_space<semaphore_mem>>) src(%arg7 : memref<512xi32, #tpu.memory_space<vmem>>) dst(%arg4 : memref<512xi32, #tpu.memory_space<hbm>>)
        tpu.yield
      }) : () -> ()
    } else {
    }
    return
  }
}

#map = affine_map<(d0, d1) -> (0)>
#map1 = affine_map<(d0, d1) -> (0, 0, 0)>
#map2 = affine_map<(d0, d1) -> (0, 0)>
module attributes {stable_mosaic.version = 14 : i64} {
  func.func @_p1c(%arg0: i32, %arg1: i32, %arg2: memref<2031616xf32, #tpu.memory_space<hbm>>, %arg3: memref<2031616xf32, #tpu.memory_space<hbm>>, %arg4: memref<2031616xf32, #tpu.memory_space<hbm>>, %arg5: memref<2031616xf32, #tpu.memory_space<hbm>>, %arg6: memref<256x32x16xi32, #tpu.memory_space<hbm>>, %arg7: memref<2032640x16xf32, #tpu.memory_space<hbm>>, %arg8: memref<2x2048xf32, #tpu.memory_space<vmem>>, %arg9: memref<2x2048xf32, #tpu.memory_space<vmem>>, %arg10: memref<2x2048xf32, #tpu.memory_space<vmem>>, %arg11: memref<2x2048xf32, #tpu.memory_space<vmem>>, %arg12: memref<256x16xi32, #tpu.memory_space<vmem>>, %arg13: memref<2x2048x16xf32, #tpu.memory_space<vmem>>, %arg14: memref<2x16x128xi32, #tpu.memory_space<vmem>>, %arg15: memref<!tpu.dma_semaphore, #tpu.memory_space<semaphore_mem>>, %arg16: memref<!tpu.dma_semaphore, #tpu.memory_space<semaphore_mem>>) attributes {dimension_semantics = [#tpu.dimension_semantics<core_parallel>, #tpu.dimension_semantics<subcore_parallel>], iteration_bounds = array<i64: 2, 16>, scalar_prefetch = 0 : i64, scratch_operands = 9 : i64, tpu.core_type = #tpu.core_type<sc_vector_subcore>, window_params = [{transform_indices = #map}, {transform_indices = #map}, {transform_indices = #map}, {transform_indices = #map}, {transform_indices = #map1}, {transform_indices = #map2}]} {
    %mul3A = arith.constant 16 : i32
    %mul3A_0 = arith.muli %arg0, %mul3A : i32
    %add3A = arith.addi %mul3A_0, %arg1 : i32
    %iota3A = tpu.iota {dimensions = array<i32: 0>} : vector<16xi32>
    "tpu.region"() ({
      %run_scoped3A = tpu.sem_alloc : memref<!tpu.dma_semaphore, #tpu.memory_space<semaphore_mem>>
      %dma_start3A_60 = arith.constant 0 : i32
      %dma_start3A_61 = arith.constant 0 : i32
      %dma_start3A_62 = tpu.memref_slice %arg6[%dma_start3A_60, %add3A, %dma_start3A_61] : memref<256x32x16xi32, #tpu.memory_space<hbm>> -> memref<256x1x16xi32, #tpu.memory_space<hbm>>
      %dma_start3A_63 = tpu.memref_squeeze %dma_start3A_62 : memref<256x1x16xi32, #tpu.memory_space<hbm>> -> memref<256x16xi32, #tpu.memory_space<hbm>>
      %dma_start3A_64 = arith.constant 0 : i32
      %dma_start3A_65 = arith.constant 0 : i32
      %dma_start3A_66 = tpu.memref_slice %arg6[%dma_start3A_64, %add3A, %dma_start3A_65] : memref<256x32x16xi32, #tpu.memory_space<hbm>> -> memref<256x1x16xi32, #tpu.memory_space<hbm>>
      %dma_start3A_67 = tpu.memref_squeeze %dma_start3A_66 : memref<256x1x16xi32, #tpu.memory_space<hbm>> -> memref<256x16xi32, #tpu.memory_space<hbm>>
      tpu.enqueue_dma source(%dma_start3A_67 : memref<256x16xi32, #tpu.memory_space<hbm>>) target(%arg12 : memref<256x16xi32, #tpu.memory_space<vmem>>) target_semaphore(%run_scoped3A : memref<!tpu.dma_semaphore, #tpu.memory_space<semaphore_mem>>)
      %dma_wait3A_68 = arith.constant 0 : i32
      %dma_wait3A_69 = arith.constant 0 : i32
      %dma_wait3A_70 = tpu.memref_slice %arg6[%dma_wait3A_68, %add3A, %dma_wait3A_69] : memref<256x32x16xi32, #tpu.memory_space<hbm>> -> memref<256x1x16xi32, #tpu.memory_space<hbm>>
      %dma_wait3A_71 = tpu.memref_squeeze %dma_wait3A_70 : memref<256x1x16xi32, #tpu.memory_space<hbm>> -> memref<256x16xi32, #tpu.memory_space<hbm>>
      %dma_wait3A_72 = arith.constant 0 : i32
      %dma_wait3A_73 = arith.constant 0 : i32
      %dma_wait3A_74 = tpu.memref_slice %arg6[%dma_wait3A_72, %add3A, %dma_wait3A_73] : memref<256x32x16xi32, #tpu.memory_space<hbm>> -> memref<256x1x16xi32, #tpu.memory_space<hbm>>
      %dma_wait3A_75 = tpu.memref_squeeze %dma_wait3A_74 : memref<256x1x16xi32, #tpu.memory_space<hbm>> -> memref<256x16xi32, #tpu.memory_space<hbm>>
      tpu.wait_dma2 semaphore(%run_scoped3A : memref<!tpu.dma_semaphore, #tpu.memory_space<semaphore_mem>>) src(%dma_wait3A_75 : memref<256x16xi32, #tpu.memory_space<hbm>>) dst(%arg12 : memref<256x16xi32, #tpu.memory_space<vmem>>)
      tpu.yield
    }) : () -> ()
    %mul3A_1 = arith.constant 63488 : i32
    %mul3A_2 = arith.muli %add3A, %mul3A_1 : i32
    %add3A_3 = arith.constant 0 : i32
    %add3A_4 = arith.addi %mul3A_2, %add3A_3 : i32
    %dma_start3A = arith.constant 0 : i32
    %dma_start3A_5 = arith.constant 0 : i32
    %dma_start3A_6 = tpu.memref_slice %arg8[%dma_start3A, %dma_start3A_5] : memref<2x2048xf32, #tpu.memory_space<vmem>> -> memref<1x2048xf32, #tpu.memory_space<vmem>>
    %dma_start3A_7 = tpu.memref_squeeze %dma_start3A_6 : memref<1x2048xf32, #tpu.memory_space<vmem>> -> memref<2048xf32, #tpu.memory_space<vmem>>
    %dma_start3A_8 = tpu.memref_slice %arg2[%add3A_4] : memref<2031616xf32, #tpu.memory_space<hbm>> -> memref<2048xf32, #tpu.memory_space<hbm>>
    %dma_start3A_9 = arith.constant 0 : i32
    %dma_start3A_10 = tpu.memref_slice %arg8[%dma_start3A, %dma_start3A_9] : memref<2x2048xf32, #tpu.memory_space<vmem>> -> memref<1x2048xf32, #tpu.memory_space<vmem>>
    %dma_start3A_11 = tpu.memref_squeeze %dma_start3A_10 : memref<1x2048xf32, #tpu.memory_space<vmem>> -> memref<2048xf32, #tpu.memory_space<vmem>>
    %dma_start3A_12 = tpu.memref_slice %arg2[%add3A_4] : memref<2031616xf32, #tpu.memory_space<hbm>> -> memref<2048xf32, #tpu.memory_space<hbm>>
    tpu.enqueue_dma source(%dma_start3A_12 : memref<2048xf32, #tpu.memory_space<hbm>>) target(%dma_start3A_11 : memref<2048xf32, #tpu.memory_space<vmem>>) target_semaphore(%arg15 : memref<!tpu.dma_semaphore, #tpu.memory_space<semaphore_mem>>)
    %dma_start3A_13 = arith.constant 0 : i32
    %dma_start3A_14 = arith.constant 0 : i32
    %dma_start3A_15 = tpu.memref_slice %arg9[%dma_start3A_13, %dma_start3A_14] : memref<2x2048xf32, #tpu.memory_space<vmem>> -> memref<1x2048xf32, #tpu.memory_space<vmem>>
    %dma_start3A_16 = tpu.memref_squeeze %dma_start3A_15 : memref<1x2048xf32, #tpu.memory_space<vmem>> -> memref<2048xf32, #tpu.memory_space<vmem>>
    %dma_start3A_17 = tpu.memref_slice %arg3[%add3A_4] : memref<2031616xf32, #tpu.memory_space<hbm>> -> memref<2048xf32, #tpu.memory_space<hbm>>
    %dma_start3A_18 = arith.constant 0 : i32
    %dma_start3A_19 = tpu.memref_slice %arg9[%dma_start3A_13, %dma_start3A_18] : memref<2x2048xf32, #tpu.memory_space<vmem>> -> memref<1x2048xf32, #tpu.memory_space<vmem>>
    %dma_start3A_20 = tpu.memref_squeeze %dma_start3A_19 : memref<1x2048xf32, #tpu.memory_space<vmem>> -> memref<2048xf32, #tpu.memory_space<vmem>>
    %dma_start3A_21 = tpu.memref_slice %arg3[%add3A_4] : memref<2031616xf32, #tpu.memory_space<hbm>> -> memref<2048xf32, #tpu.memory_space<hbm>>
    tpu.enqueue_dma source(%dma_start3A_21 : memref<2048xf32, #tpu.memory_space<hbm>>) target(%dma_start3A_20 : memref<2048xf32, #tpu.memory_space<vmem>>) target_semaphore(%arg15 : memref<!tpu.dma_semaphore, #tpu.memory_space<semaphore_mem>>)
    %dma_start3A_22 = arith.constant 0 : i32
    %dma_start3A_23 = arith.constant 0 : i32
    %dma_start3A_24 = tpu.memref_slice %arg10[%dma_start3A_22, %dma_start3A_23] : memref<2x2048xf32, #tpu.memory_space<vmem>> -> memref<1x2048xf32, #tpu.memory_space<vmem>>
    %dma_start3A_25 = tpu.memref_squeeze %dma_start3A_24 : memref<1x2048xf32, #tpu.memory_space<vmem>> -> memref<2048xf32, #tpu.memory_space<vmem>>
    %dma_start3A_26 = tpu.memref_slice %arg4[%add3A_4] : memref<2031616xf32, #tpu.memory_space<hbm>> -> memref<2048xf32, #tpu.memory_space<hbm>>
    %dma_start3A_27 = arith.constant 0 : i32
    %dma_start3A_28 = tpu.memref_slice %arg10[%dma_start3A_22, %dma_start3A_27] : memref<2x2048xf32, #tpu.memory_space<vmem>> -> memref<1x2048xf32, #tpu.memory_space<vmem>>
    %dma_start3A_29 = tpu.memref_squeeze %dma_start3A_28 : memref<1x2048xf32, #tpu.memory_space<vmem>> -> memref<2048xf32, #tpu.memory_space<vmem>>
    %dma_start3A_30 = tpu.memref_slice %arg4[%add3A_4] : memref<2031616xf32, #tpu.memory_space<hbm>> -> memref<2048xf32, #tpu.memory_space<hbm>>
    tpu.enqueue_dma source(%dma_start3A_30 : memref<2048xf32, #tpu.memory_space<hbm>>) target(%dma_start3A_29 : memref<2048xf32, #tpu.memory_space<vmem>>) target_semaphore(%arg15 : memref<!tpu.dma_semaphore, #tpu.memory_space<semaphore_mem>>)
    %dma_start3A_31 = arith.constant 0 : i32
    %dma_start3A_32 = arith.constant 0 : i32
    %dma_start3A_33 = tpu.memref_slice %arg11[%dma_start3A_31, %dma_start3A_32] : memref<2x2048xf32, #tpu.memory_space<vmem>> -> memref<1x2048xf32, #tpu.memory_space<vmem>>
    %dma_start3A_34 = tpu.memref_squeeze %dma_start3A_33 : memref<1x2048xf32, #tpu.memory_space<vmem>> -> memref<2048xf32, #tpu.memory_space<vmem>>
    %dma_start3A_35 = tpu.memref_slice %arg5[%add3A_4] : memref<2031616xf32, #tpu.memory_space<hbm>> -> memref<2048xf32, #tpu.memory_space<hbm>>
    %dma_start3A_36 = arith.constant 0 : i32
    %dma_start3A_37 = tpu.memref_slice %arg11[%dma_start3A_31, %dma_start3A_36] : memref<2x2048xf32, #tpu.memory_space<vmem>> -> memref<1x2048xf32, #tpu.memory_space<vmem>>
    %dma_start3A_38 = tpu.memref_squeeze %dma_start3A_37 : memref<1x2048xf32, #tpu.memory_space<vmem>> -> memref<2048xf32, #tpu.memory_space<vmem>>
    %dma_start3A_39 = tpu.memref_slice %arg5[%add3A_4] : memref<2031616xf32, #tpu.memory_space<hbm>> -> memref<2048xf32, #tpu.memory_space<hbm>>
    tpu.enqueue_dma source(%dma_start3A_39 : memref<2048xf32, #tpu.memory_space<hbm>>) target(%dma_start3A_38 : memref<2048xf32, #tpu.memory_space<vmem>>) target_semaphore(%arg15 : memref<!tpu.dma_semaphore, #tpu.memory_space<semaphore_mem>>)
    %scan3A = arith.constant 0 : i32
    %scan3A_40 = arith.constant 0 : i32
    %scan3A_41 = arith.constant 31 : i32
    %scan3A_42 = arith.addi %scan3A_40, %scan3A_41 : i32
    %scan3A_43 = arith.constant 1 : i32
    %scan3A_44 = scf.for %scan3A_60 = %scan3A_40 to %scan3A_42 step %scan3A_43 iter_args(%scan3A_61 = %scan3A) -> (i32)  : i32 {
      %and3A = arith.constant 1 : i32
      %and3A_62 = arith.andi %scan3A_60, %and3A : i32
      %mul3A_63 = arith.constant 63488 : i32
      %mul3A_64 = arith.muli %add3A, %mul3A_63 : i32
      %mul3A_65 = arith.constant 2048 : i32
      %mul3A_66 = arith.muli %scan3A_60, %mul3A_65 : i32
      %add3A_67 = arith.addi %mul3A_64, %mul3A_66 : i32
      %dma_wait3A_68 = arith.constant 0 : i32
      %dma_wait3A_69 = tpu.memref_slice %arg8[%and3A_62, %dma_wait3A_68] : memref<2x2048xf32, #tpu.memory_space<vmem>> -> memref<1x2048xf32, #tpu.memory_space<vmem>>
      %dma_wait3A_70 = tpu.memref_squeeze %dma_wait3A_69 : memref<1x2048xf32, #tpu.memory_space<vmem>> -> memref<2048xf32, #tpu.memory_space<vmem>>
      %dma_wait3A_71 = tpu.memref_slice %arg2[%add3A_67] : memref<2031616xf32, #tpu.memory_space<hbm>> -> memref<2048xf32, #tpu.memory_space<hbm>>
      %dma_wait3A_72 = arith.constant 0 : i32
      %dma_wait3A_73 = tpu.memref_slice %arg8[%and3A_62, %dma_wait3A_72] : memref<2x2048xf32, #tpu.memory_space<vmem>> -> memref<1x2048xf32, #tpu.memory_space<vmem>>
      %dma_wait3A_74 = tpu.memref_squeeze %dma_wait3A_73 : memref<1x2048xf32, #tpu.memory_space<vmem>> -> memref<2048xf32, #tpu.memory_space<vmem>>
      %dma_wait3A_75 = tpu.memref_slice %arg2[%add3A_67] : memref<2031616xf32, #tpu.memory_space<hbm>> -> memref<2048xf32, #tpu.memory_space<hbm>>
      tpu.wait_dma2 semaphore(%arg15 : memref<!tpu.dma_semaphore, #tpu.memory_space<semaphore_mem>>) src(%dma_wait3A_75 : memref<2048xf32, #tpu.memory_space<hbm>>) dst(%dma_wait3A_74 : memref<2048xf32, #tpu.memory_space<vmem>>)
      %dma_wait3A_76 = arith.constant 0 : i32
      %dma_wait3A_77 = tpu.memref_slice %arg9[%and3A_62, %dma_wait3A_76] : memref<2x2048xf32, #tpu.memory_space<vmem>> -> memref<1x2048xf32, #tpu.memory_space<vmem>>
      %dma_wait3A_78 = tpu.memref_squeeze %dma_wait3A_77 : memref<1x2048xf32, #tpu.memory_space<vmem>> -> memref<2048xf32, #tpu.memory_space<vmem>>
      %dma_wait3A_79 = tpu.memref_slice %arg3[%add3A_67] : memref<2031616xf32, #tpu.memory_space<hbm>> -> memref<2048xf32, #tpu.memory_space<hbm>>
      %dma_wait3A_80 = arith.constant 0 : i32
      %dma_wait3A_81 = tpu.memref_slice %arg9[%and3A_62, %dma_wait3A_80] : memref<2x2048xf32, #tpu.memory_space<vmem>> -> memref<1x2048xf32, #tpu.memory_space<vmem>>
      %dma_wait3A_82 = tpu.memref_squeeze %dma_wait3A_81 : memref<1x2048xf32, #tpu.memory_space<vmem>> -> memref<2048xf32, #tpu.memory_space<vmem>>
      %dma_wait3A_83 = tpu.memref_slice %arg3[%add3A_67] : memref<2031616xf32, #tpu.memory_space<hbm>> -> memref<2048xf32, #tpu.memory_space<hbm>>
      tpu.wait_dma2 semaphore(%arg15 : memref<!tpu.dma_semaphore, #tpu.memory_space<semaphore_mem>>) src(%dma_wait3A_83 : memref<2048xf32, #tpu.memory_space<hbm>>) dst(%dma_wait3A_82 : memref<2048xf32, #tpu.memory_space<vmem>>)
      %dma_wait3A_84 = arith.constant 0 : i32
      %dma_wait3A_85 = tpu.memref_slice %arg10[%and3A_62, %dma_wait3A_84] : memref<2x2048xf32, #tpu.memory_space<vmem>> -> memref<1x2048xf32, #tpu.memory_space<vmem>>
      %dma_wait3A_86 = tpu.memref_squeeze %dma_wait3A_85 : memref<1x2048xf32, #tpu.memory_space<vmem>> -> memref<2048xf32, #tpu.memory_space<vmem>>
      %dma_wait3A_87 = tpu.memref_slice %arg4[%add3A_67] : memref<2031616xf32, #tpu.memory_space<hbm>> -> memref<2048xf32, #tpu.memory_space<hbm>>
      %dma_wait3A_88 = arith.constant 0 : i32
      %dma_wait3A_89 = tpu.memref_slice %arg10[%and3A_62, %dma_wait3A_88] : memref<2x2048xf32, #tpu.memory_space<vmem>> -> memref<1x2048xf32, #tpu.memory_space<vmem>>
      %dma_wait3A_90 = tpu.memref_squeeze %dma_wait3A_89 : memref<1x2048xf32, #tpu.memory_space<vmem>> -> memref<2048xf32, #tpu.memory_space<vmem>>
      %dma_wait3A_91 = tpu.memref_slice %arg4[%add3A_67] : memref<2031616xf32, #tpu.memory_space<hbm>> -> memref<2048xf32, #tpu.memory_space<hbm>>
      tpu.wait_dma2 semaphore(%arg15 : memref<!tpu.dma_semaphore, #tpu.memory_space<semaphore_mem>>) src(%dma_wait3A_91 : memref<2048xf32, #tpu.memory_space<hbm>>) dst(%dma_wait3A_90 : memref<2048xf32, #tpu.memory_space<vmem>>)
      %dma_wait3A_92 = arith.constant 0 : i32
      %dma_wait3A_93 = tpu.memref_slice %arg11[%and3A_62, %dma_wait3A_92] : memref<2x2048xf32, #tpu.memory_space<vmem>> -> memref<1x2048xf32, #tpu.memory_space<vmem>>
      %dma_wait3A_94 = tpu.memref_squeeze %dma_wait3A_93 : memref<1x2048xf32, #tpu.memory_space<vmem>> -> memref<2048xf32, #tpu.memory_space<vmem>>
      %dma_wait3A_95 = tpu.memref_slice %arg5[%add3A_67] : memref<2031616xf32, #tpu.memory_space<hbm>> -> memref<2048xf32, #tpu.memory_space<hbm>>
      %dma_wait3A_96 = arith.constant 0 : i32
      %dma_wait3A_97 = tpu.memref_slice %arg11[%and3A_62, %dma_wait3A_96] : memref<2x2048xf32, #tpu.memory_space<vmem>> -> memref<1x2048xf32, #tpu.memory_space<vmem>>
      %dma_wait3A_98 = tpu.memref_squeeze %dma_wait3A_97 : memref<1x2048xf32, #tpu.memory_space<vmem>> -> memref<2048xf32, #tpu.memory_space<vmem>>
      %dma_wait3A_99 = tpu.memref_slice %arg5[%add3A_67] : memref<2031616xf32, #tpu.memory_space<hbm>> -> memref<2048xf32, #tpu.memory_space<hbm>>
      tpu.wait_dma2 semaphore(%arg15 : memref<!tpu.dma_semaphore, #tpu.memory_space<semaphore_mem>>) src(%dma_wait3A_99 : memref<2048xf32, #tpu.memory_space<hbm>>) dst(%dma_wait3A_98 : memref<2048xf32, #tpu.memory_space<vmem>>)
      %add3A_100 = arith.constant 1 : i32
      %add3A_101 = arith.addi %scan3A_60, %add3A_100 : i32
      %lt3A = arith.constant 31 : i32
      %lt3A_102 = arith.cmpi slt, %add3A_101, %lt3A : i32
      %convert_element_type3A = arith.extui %lt3A_102 : i1 to i32
      %cond3A = arith.constant 0 : i32
      %cond3A_103 = arith.cmpi ne, %convert_element_type3A, %cond3A : i32
      scf.if %cond3A_103 {
        %add3A_123 = arith.constant 1 : i32
        %add3A_124 = arith.addi %scan3A_60, %add3A_123 : i32
        %sub3A = arith.constant 1 : i32
        %sub3A_125 = arith.subi %sub3A, %and3A_62 : i32
        %mul3A_126 = arith.constant 63488 : i32
        %mul3A_127 = arith.muli %add3A, %mul3A_126 : i32
        %mul3A_128 = arith.constant 2048 : i32
        %mul3A_129 = arith.muli %add3A_124, %mul3A_128 : i32
        %add3A_130 = arith.addi %mul3A_127, %mul3A_129 : i32
        %dma_start3A_131 = arith.constant 0 : i32
        %dma_start3A_132 = tpu.memref_slice %arg8[%sub3A_125, %dma_start3A_131] : memref<2x2048xf32, #tpu.memory_space<vmem>> -> memref<1x2048xf32, #tpu.memory_space<vmem>>
        %dma_start3A_133 = tpu.memref_squeeze %dma_start3A_132 : memref<1x2048xf32, #tpu.memory_space<vmem>> -> memref<2048xf32, #tpu.memory_space<vmem>>
        %dma_start3A_134 = tpu.memref_slice %arg2[%add3A_130] : memref<2031616xf32, #tpu.memory_space<hbm>> -> memref<2048xf32, #tpu.memory_space<hbm>>
        %dma_start3A_135 = arith.constant 0 : i32
        %dma_start3A_136 = tpu.memref_slice %arg8[%sub3A_125, %dma_start3A_135] : memref<2x2048xf32, #tpu.memory_space<vmem>> -> memref<1x2048xf32, #tpu.memory_space<vmem>>
        %dma_start3A_137 = tpu.memref_squeeze %dma_start3A_136 : memref<1x2048xf32, #tpu.memory_space<vmem>> -> memref<2048xf32, #tpu.memory_space<vmem>>
        %dma_start3A_138 = tpu.memref_slice %arg2[%add3A_130] : memref<2031616xf32, #tpu.memory_space<hbm>> -> memref<2048xf32, #tpu.memory_space<hbm>>
        tpu.enqueue_dma source(%dma_start3A_138 : memref<2048xf32, #tpu.memory_space<hbm>>) target(%dma_start3A_137 : memref<2048xf32, #tpu.memory_space<vmem>>) target_semaphore(%arg15 : memref<!tpu.dma_semaphore, #tpu.memory_space<semaphore_mem>>)
        %dma_start3A_139 = arith.constant 0 : i32
        %dma_start3A_140 = tpu.memref_slice %arg9[%sub3A_125, %dma_start3A_139] : memref<2x2048xf32, #tpu.memory_space<vmem>> -> memref<1x2048xf32, #tpu.memory_space<vmem>>
        %dma_start3A_141 = tpu.memref_squeeze %dma_start3A_140 : memref<1x2048xf32, #tpu.memory_space<vmem>> -> memref<2048xf32, #tpu.memory_space<vmem>>
        %dma_start3A_142 = tpu.memref_slice %arg3[%add3A_130] : memref<2031616xf32, #tpu.memory_space<hbm>> -> memref<2048xf32, #tpu.memory_space<hbm>>
        %dma_start3A_143 = arith.constant 0 : i32
        %dma_start3A_144 = tpu.memref_slice %arg9[%sub3A_125, %dma_start3A_143] : memref<2x2048xf32, #tpu.memory_space<vmem>> -> memref<1x2048xf32, #tpu.memory_space<vmem>>
        %dma_start3A_145 = tpu.memref_squeeze %dma_start3A_144 : memref<1x2048xf32, #tpu.memory_space<vmem>> -> memref<2048xf32, #tpu.memory_space<vmem>>
        %dma_start3A_146 = tpu.memref_slice %arg3[%add3A_130] : memref<2031616xf32, #tpu.memory_space<hbm>> -> memref<2048xf32, #tpu.memory_space<hbm>>
        tpu.enqueue_dma source(%dma_start3A_146 : memref<2048xf32, #tpu.memory_space<hbm>>) target(%dma_start3A_145 : memref<2048xf32, #tpu.memory_space<vmem>>) target_semaphore(%arg15 : memref<!tpu.dma_semaphore, #tpu.memory_space<semaphore_mem>>)
        %dma_start3A_147 = arith.constant 0 : i32
        %dma_start3A_148 = tpu.memref_slice %arg10[%sub3A_125, %dma_start3A_147] : memref<2x2048xf32, #tpu.memory_space<vmem>> -> memref<1x2048xf32, #tpu.memory_space<vmem>>
        %dma_start3A_149 = tpu.memref_squeeze %dma_start3A_148 : memref<1x2048xf32, #tpu.memory_space<vmem>> -> memref<2048xf32, #tpu.memory_space<vmem>>
        %dma_start3A_150 = tpu.memref_slice %arg4[%add3A_130] : memref<2031616xf32, #tpu.memory_space<hbm>> -> memref<2048xf32, #tpu.memory_space<hbm>>
        %dma_start3A_151 = arith.constant 0 : i32
        %dma_start3A_152 = tpu.memref_slice %arg10[%sub3A_125, %dma_start3A_151] : memref<2x2048xf32, #tpu.memory_space<vmem>> -> memref<1x2048xf32, #tpu.memory_space<vmem>>
        %dma_start3A_153 = tpu.memref_squeeze %dma_start3A_152 : memref<1x2048xf32, #tpu.memory_space<vmem>> -> memref<2048xf32, #tpu.memory_space<vmem>>
        %dma_start3A_154 = tpu.memref_slice %arg4[%add3A_130] : memref<2031616xf32, #tpu.memory_space<hbm>> -> memref<2048xf32, #tpu.memory_space<hbm>>
        tpu.enqueue_dma source(%dma_start3A_154 : memref<2048xf32, #tpu.memory_space<hbm>>) target(%dma_start3A_153 : memref<2048xf32, #tpu.memory_space<vmem>>) target_semaphore(%arg15 : memref<!tpu.dma_semaphore, #tpu.memory_space<semaphore_mem>>)
        %dma_start3A_155 = arith.constant 0 : i32
        %dma_start3A_156 = tpu.memref_slice %arg11[%sub3A_125, %dma_start3A_155] : memref<2x2048xf32, #tpu.memory_space<vmem>> -> memref<1x2048xf32, #tpu.memory_space<vmem>>
        %dma_start3A_157 = tpu.memref_squeeze %dma_start3A_156 : memref<1x2048xf32, #tpu.memory_space<vmem>> -> memref<2048xf32, #tpu.memory_space<vmem>>
        %dma_start3A_158 = tpu.memref_slice %arg5[%add3A_130] : memref<2031616xf32, #tpu.memory_space<hbm>> -> memref<2048xf32, #tpu.memory_space<hbm>>
        %dma_start3A_159 = arith.constant 0 : i32
        %dma_start3A_160 = tpu.memref_slice %arg11[%sub3A_125, %dma_start3A_159] : memref<2x2048xf32, #tpu.memory_space<vmem>> -> memref<1x2048xf32, #tpu.memory_space<vmem>>
        %dma_start3A_161 = tpu.memref_squeeze %dma_start3A_160 : memref<1x2048xf32, #tpu.memory_space<vmem>> -> memref<2048xf32, #tpu.memory_space<vmem>>
        %dma_start3A_162 = tpu.memref_slice %arg5[%add3A_130] : memref<2031616xf32, #tpu.memory_space<hbm>> -> memref<2048xf32, #tpu.memory_space<hbm>>
        tpu.enqueue_dma source(%dma_start3A_162 : memref<2048xf32, #tpu.memory_space<hbm>>) target(%dma_start3A_161 : memref<2048xf32, #tpu.memory_space<vmem>>) target_semaphore(%arg15 : memref<!tpu.dma_semaphore, #tpu.memory_space<semaphore_mem>>)
      } else {
      }
      %scan3A_104 = arith.constant 0 : i32
      %scan3A_105 = arith.constant 0 : i32
      %scan3A_106 = arith.constant 128 : i32
      %scan3A_107 = arith.addi %scan3A_105, %scan3A_106 : i32
      %scan3A_108 = arith.constant 1 : i32
      %scan3A_109 = scf.for %scan3A_123 = %scan3A_105 to %scan3A_107 step %scan3A_108 iter_args(%scan3A_124 = %scan3A_104) -> (i32)  : i32 {
        %mul3A_125 = arith.constant 16 : i32
        %mul3A_126 = arith.muli %scan3A_123, %mul3A_125 : i32
        %get3A = arith.index_cast %and3A_62 : i32 to index
        %get3A_127 = arith.index_cast %mul3A_126 : i32 to index
        %get3A_128 = tpu.vector_load %arg8[%get3A, %get3A_127] {strides = array<i32>} : memref<2x2048xf32, #tpu.memory_space<vmem>>, vector<16xf32>,
        %get3A_129 = arith.index_cast %and3A_62 : i32 to index
        %get3A_130 = arith.index_cast %mul3A_126 : i32 to index
        %get3A_131 = tpu.vector_load %arg9[%get3A_129, %get3A_130] {strides = array<i32>} : memref<2x2048xf32, #tpu.memory_space<vmem>>, vector<16xf32>,
        %get3A_132 = arith.index_cast %and3A_62 : i32 to index
        %get3A_133 = arith.index_cast %mul3A_126 : i32 to index
        %get3A_134 = tpu.vector_load %arg10[%get3A_132, %get3A_133] {strides = array<i32>} : memref<2x2048xf32, #tpu.memory_space<vmem>>, vector<16xf32>,
        %get3A_135 = arith.index_cast %and3A_62 : i32 to index
        %get3A_136 = arith.index_cast %mul3A_126 : i32 to index
        %get3A_137 = tpu.vector_load %arg11[%get3A_135, %get3A_136] {strides = array<i32>} : memref<2x2048xf32, #tpu.memory_space<vmem>>, vector<16xf32>,
        %mul3A_138 = arith.constant 2.000000e+00 : f32
        %mul3A_139 = vector.broadcast %mul3A_138 : f32 to vector<16xf32>
        %mul3A_140 = arith.mulf %get3A_128, %mul3A_139 : vector<16xf32>
        %add3A_141 = arith.constant 2.555000e+02 : f32
        %add3A_142 = vector.broadcast %add3A_141 : f32 to vector<16xf32>
        %add3A_143 = arith.addf %mul3A_140, %add3A_142 : vector<16xf32>
        %mul3A_144 = arith.constant 2.000000e+00 : f32
        %mul3A_145 = vector.broadcast %mul3A_144 : f32 to vector<16xf32>
        %mul3A_146 = arith.mulf %get3A_131, %mul3A_145 : vector<16xf32>
        %add3A_147 = arith.constant 2.555000e+02 : f32
        %add3A_148 = vector.broadcast %add3A_147 : f32 to vector<16xf32>
        %add3A_149 = arith.addf %mul3A_146, %add3A_148 : vector<16xf32>
        %mul3A_150 = arith.constant 1.000000e-01 : f32
        %mul3A_151 = vector.broadcast %mul3A_150 : f32 to vector<16xf32>
        %mul3A_152 = arith.mulf %get3A_134, %mul3A_151 : vector<16xf32>
        %add3A_153 = arith.constant -0.000000e+00 : f32
        %add3A_154 = vector.broadcast %add3A_153 : f32 to vector<16xf32>
        %add3A_155 = arith.addf %mul3A_152, %add3A_154 : vector<16xf32>
        %ge3A_156 = arith.constant 0.000000e+00 : f32
        %ge3A_157 = vector.broadcast %ge3A_156 : f32 to vector<16xf32>
        %ge3A_158 = arith.cmpf oge, %add3A_143, %ge3A_157 : vector<16xf32>
        %lt3A_159 = arith.constant 5.110000e+02 : f32
        %lt3A_160 = vector.broadcast %lt3A_159 : f32 to vector<16xf32>
        %lt3A_161 = arith.cmpf olt, %add3A_143, %lt3A_160 : vector<16xf32>
        %and3A_162 = arith.andi %ge3A_158, %lt3A_161 : vector<16xi1>
        %ge3A_163 = arith.constant 0.000000e+00 : f32
        %ge3A_164 = vector.broadcast %ge3A_163 : f32 to vector<16xf32>
        %ge3A_165 = arith.cmpf oge, %add3A_149, %ge3A_164 : vector<16xf32>
        %and3A_166 = arith.andi %and3A_162, %ge3A_165 : vector<16xi1>
        %lt3A_167 = arith.constant 5.110000e+02 : f32
        %lt3A_168 = vector.broadcast %lt3A_167 : f32 to vector<16xf32>
        %lt3A_169 = arith.cmpf olt, %add3A_149, %lt3A_168 : vector<16xf32>
        %and3A_170 = arith.andi %and3A_166, %lt3A_169 : vector<16xi1>
        %ge3A_171 = arith.constant 0.000000e+00 : f32
        %ge3A_172 = vector.broadcast %ge3A_171 : f32 to vector<16xf32>
        %ge3A_173 = arith.cmpf oge, %add3A_155, %ge3A_172 : vector<16xf32>
        %and3A_174 = arith.andi %and3A_170, %ge3A_173 : vector<16xi1>
        %lt3A_175 = arith.constant 6.300000e+01 : f32
        %lt3A_176 = vector.broadcast %lt3A_175 : f32 to vector<16xf32>
        %lt3A_177 = arith.cmpf olt, %add3A_155, %lt3A_176 : vector<16xf32>
        %and3A_178 = arith.andi %and3A_174, %lt3A_177 : vector<16xi1>
        %jit3A = arith.constant 0.000000e+00 : f32
        %broadcast_in_dim3A = vector.broadcast %jit3A : f32 to vector<16xf32>
        %select_n3A = arith.select %and3A_178, %get3A_137, %broadcast_in_dim3A : vector<16xi1>, vector<16xf32>
        %convert_element_type3A_179 = arith.fptosi %add3A_143 : vector<16xf32> to vector<16xi32>
        %jit3A_180 = arith.constant 0 : i32
        %jit3A_181 = arith.constant 510 : i32
        %max3A = vector.broadcast %jit3A_180 : i32 to vector<16xi32>
        %max3A_182 = arith.maxsi %max3A, %convert_element_type3A_179 : vector<16xi32>
        %min3A = vector.broadcast %jit3A_181 : i32 to vector<16xi32>
        %min3A_183 = arith.minsi %min3A, %max3A_182 : vector<16xi32>
        %convert_element_type3A_184 = arith.fptosi %add3A_149 : vector<16xf32> to vector<16xi32>
        %jit3A_185 = arith.constant 0 : i32
        %jit3A_186 = arith.constant 510 : i32
        %max3A_187 = vector.broadcast %jit3A_185 : i32 to vector<16xi32>
        %max3A_188 = arith.maxsi %max3A_187, %convert_element_type3A_184 : vector<16xi32>
        %min3A_189 = vector.broadcast %jit3A_186 : i32 to vector<16xi32>
        %min3A_190 = arith.minsi %min3A_189, %max3A_188 : vector<16xi32>
        %convert_element_type3A_191 = arith.fptosi %add3A_155 : vector<16xf32> to vector<16xi32>
        %jit3A_192 = arith.constant 0 : i32
        %jit3A_193 = arith.constant 62 : i32
        %max3A_194 = vector.broadcast %jit3A_192 : i32 to vector<16xi32>
        %max3A_195 = arith.maxsi %max3A_194, %convert_element_type3A_191 : vector<16xi32>
        %min3A_196 = vector.broadcast %jit3A_193 : i32 to vector<16xi32>
        %min3A_197 = arith.minsi %min3A_196, %max3A_195 : vector<16xi32>
        %convert_element_type3A_198 = arith.sitofp %min3A_183 : vector<16xi32> to vector<16xf32>
        %sub3A = arith.subf %add3A_143, %convert_element_type3A_198 : vector<16xf32>
        %jit3A_199 = arith.constant 0.000000e+00 : f32
        %jit3A_200 = arith.constant 1.000000e+00 : f32
        %max3A_201 = vector.broadcast %jit3A_199 : f32 to vector<16xf32>
        %max3A_202 = arith.maximumf %max3A_201, %sub3A : vector<16xf32>
        %min3A_203 = vector.broadcast %jit3A_200 : f32 to vector<16xf32>
        %min3A_204 = arith.minimumf %min3A_203, %max3A_202 : vector<16xf32>
        %convert_element_type3A_205 = arith.sitofp %min3A_190 : vector<16xi32> to vector<16xf32>
        %sub3A_206 = arith.subf %add3A_149, %convert_element_type3A_205 : vector<16xf32>
        %jit3A_207 = arith.constant 0.000000e+00 : f32
        %jit3A_208 = arith.constant 1.000000e+00 : f32
        %max3A_209 = vector.broadcast %jit3A_207 : f32 to vector<16xf32>
        %max3A_210 = arith.maximumf %max3A_209, %sub3A_206 : vector<16xf32>
        %min3A_211 = vector.broadcast %jit3A_208 : f32 to vector<16xf32>
        %min3A_212 = arith.minimumf %min3A_211, %max3A_210 : vector<16xf32>
        %convert_element_type3A_213 = arith.sitofp %min3A_197 : vector<16xi32> to vector<16xf32>
        %sub3A_214 = arith.subf %add3A_155, %convert_element_type3A_213 : vector<16xf32>
        %jit3A_215 = arith.constant 0.000000e+00 : f32
        %jit3A_216 = arith.constant 1.000000e+00 : f32
        %max3A_217 = vector.broadcast %jit3A_215 : f32 to vector<16xf32>
        %max3A_218 = arith.maximumf %max3A_217, %sub3A_214 : vector<16xf32>
        %min3A_219 = vector.broadcast %jit3A_216 : f32 to vector<16xf32>
        %min3A_220 = arith.minimumf %min3A_219, %max3A_218 : vector<16xf32>
        %shift_right_arithmetic3A = arith.constant 7 : i32
        %shift_right_arithmetic3A_221 = vector.broadcast %shift_right_arithmetic3A : i32 to vector<16xi32>
        %shift_right_arithmetic3A_222 = arith.shrsi %min3A_190, %shift_right_arithmetic3A_221 : vector<16xi32>
        %and3A_223 = arith.constant 127 : i32
        %and3A_224 = vector.broadcast %and3A_223 : i32 to vector<16xi32>
        %and3A_225 = arith.andi %min3A_190, %and3A_224 : vector<16xi32>
        %mul3A_226 = arith.constant 512 : i32
        %mul3A_227 = vector.broadcast %mul3A_226 : i32 to vector<16xi32>
        %mul3A_228 = arith.muli %and3A_225, %mul3A_227 : vector<16xi32>
        %add3A_229 = arith.addi %mul3A_228, %min3A_183 : vector<16xi32>
        %mul3A_230 = arith.constant 4 : i32
        %mul3A_231 = vector.broadcast %mul3A_230 : i32 to vector<16xi32>
        %mul3A_232 = arith.muli %min3A_197, %mul3A_231 : vector<16xi32>
        %add3A_233 = arith.addi %mul3A_232, %shift_right_arithmetic3A_222 : vector<16xi32>
        %gather3A = tpu.vector_load_idx %arg12[%add3A_233, %iota3A] : memref<256x16xi32, #tpu.memory_space<vmem>>[vector<16xi32>, vector<16xi32>], vector<16xi32>,
        %add3A_234 = arith.constant 1 : i32
        %add3A_235 = vector.broadcast %add3A_234 : i32 to vector<16xi32>
        %add3A_236 = arith.addi %gather3A, %add3A_235 : vector<16xi32>
        tpu.vector_store_idx %arg12[%add3A_233, %iota3A], %add3A_236 : memref<256x16xi32, #tpu.memory_space<vmem>>[vector<16xi32>, vector<16xi32>], vector<16xi32>,
        %mul3A_237 = arith.constant 16 : i32
        %mul3A_238 = arith.muli %scan3A_123, %mul3A_237 : i32
        %broadcast_in_dim3A_239 = vector.broadcast %mul3A_238 : i32 to vector<16xi32>
        %add3A_240 = arith.addi %broadcast_in_dim3A_239, %iota3A : vector<16xi32>
        %bitcast3A = vector.bitcast %add3A_229 : vector<16xi32> to vector<16xf32>
        %broadcast_in_dim3A_241 = vector.broadcast %and3A_62 : i32 to vector<16xi32>
        %sub3A_242 = arith.constant 1.000000e+00 : f32
        %sub3A_243 = vector.broadcast %sub3A_242 : f32 to vector<16xf32>
        %sub3A_244 = arith.subf %sub3A_243, %min3A_220 : vector<16xf32>
        %mul3A_245 = arith.mulf %select_n3A, %sub3A_244 : vector<16xf32>
        %mul3A_246 = arith.mulf %select_n3A, %min3A_220 : vector<16xf32>
        %broadcast_in_dim3A_247 = arith.constant 0 : i32
        %broadcast_in_dim3A_248 = vector.broadcast %broadcast_in_dim3A_247 : i32 to vector<16xi32>
        tpu.vector_store_idx %arg13[%broadcast_in_dim3A_241, %add3A_240, %broadcast_in_dim3A_248], %bitcast3A : memref<2x2048x16xf32, #tpu.memory_space<vmem>>[vector<16xi32>, vector<16xi32>, vector<16xi32>], vector<16xf32>,
        %broadcast_in_dim3A_249 = arith.constant 1 : i32
        %broadcast_in_dim3A_250 = vector.broadcast %broadcast_in_dim3A_249 : i32 to vector<16xi32>
        tpu.vector_store_idx %arg13[%broadcast_in_dim3A_241, %add3A_240, %broadcast_in_dim3A_250], %min3A_204 : memref<2x2048x16xf32, #tpu.memory_space<vmem>>[vector<16xi32>, vector<16xi32>, vector<16xi32>], vector<16xf32>,
        %broadcast_in_dim3A_251 = arith.constant 2 : i32
        %broadcast_in_dim3A_252 = vector.broadcast %broadcast_in_dim3A_251 : i32 to vector<16xi32>
        tpu.vector_store_idx %arg13[%broadcast_in_dim3A_241, %add3A_240, %broadcast_in_dim3A_252], %min3A_212 : memref<2x2048x16xf32, #tpu.memory_space<vmem>>[vector<16xi32>, vector<16xi32>, vector<16xi32>], vector<16xf32>,
        %broadcast_in_dim3A_253 = arith.constant 3 : i32
        %broadcast_in_dim3A_254 = vector.broadcast %broadcast_in_dim3A_253 : i32 to vector<16xi32>
        tpu.vector_store_idx %arg13[%broadcast_in_dim3A_241, %add3A_240, %broadcast_in_dim3A_254], %mul3A_245 : memref<2x2048x16xf32, #tpu.memory_space<vmem>>[vector<16xi32>, vector<16xi32>, vector<16xi32>], vector<16xf32>,
        %broadcast_in_dim3A_255 = arith.constant 4 : i32
        %broadcast_in_dim3A_256 = vector.broadcast %broadcast_in_dim3A_255 : i32 to vector<16xi32>
        tpu.vector_store_idx %arg13[%broadcast_in_dim3A_241, %add3A_240, %broadcast_in_dim3A_256], %mul3A_246 : memref<2x2048x16xf32, #tpu.memory_space<vmem>>[vector<16xi32>, vector<16xi32>, vector<16xi32>], vector<16xf32>,
        %shift_right_arithmetic3A_257 = arith.constant 3 : i32
        %shift_right_arithmetic3A_258 = arith.shrsi %scan3A_123, %shift_right_arithmetic3A_257 : i32
        %broadcast_in_dim3A_259 = vector.broadcast %shift_right_arithmetic3A_258 : i32 to vector<16xi32>
        %and3A_260 = arith.constant 7 : i32
        %and3A_261 = arith.andi %scan3A_123, %and3A_260 : i32
        %mul3A_262 = arith.constant 16 : i32
        %mul3A_263 = arith.muli %and3A_261, %mul3A_262 : i32
        %broadcast_in_dim3A_264 = vector.broadcast %mul3A_263 : i32 to vector<16xi32>
        %add3A_265 = arith.addi %broadcast_in_dim3A_264, %iota3A : vector<16xi32>
        tpu.vector_store_idx %arg14[%broadcast_in_dim3A_241, %broadcast_in_dim3A_259, %add3A_265], %gather3A : memref<2x16x128xi32, #tpu.memory_space<vmem>>[vector<16xi32>, vector<16xi32>, vector<16xi32>], vector<16xi32>,
        %scan3A_266 = arith.constant 0 : i32
        scf.yield %scan3A_266 : i32
      }
      %scan3A_110 = arith.constant 128 : i32
      %scan3A_111 = arith.constant 0 : i32
      %scan3A_112 = arith.constant 0 : i32
      %scan3A_113 = arith.constant 16 : i32
      %scan3A_114 = arith.addi %scan3A_112, %scan3A_113 : i32
      %scan3A_115 = arith.constant 1 : i32
      %scan3A_116 = scf.for %scan3A_123 = %scan3A_112 to %scan3A_114 step %scan3A_115 iter_args(%scan3A_124 = %scan3A_111) -> (i32)  : i32 {
        %mul3A_125 = arith.constant 128 : i32
        %mul3A_126 = arith.muli %scan3A_123, %mul3A_125 : i32
        %dma_start3A_127 = arith.constant 0 : i32
        %dma_start3A_128 = tpu.memref_slice %arg13[%and3A_62, %mul3A_126, %dma_start3A_127] : memref<2x2048x16xf32, #tpu.memory_space<vmem>> -> memref<1x128x16xf32, #tpu.memory_space<vmem>>
        %dma_start3A_129 = tpu.memref_squeeze %dma_start3A_128 : memref<1x128x16xf32, #tpu.memory_space<vmem>> -> memref<128x16xf32, #tpu.memory_space<vmem>>
        %dma_start3A_130 = arith.constant 0 : i32
        %dma_start3A_131 = tpu.memref_slice %arg14[%and3A_62, %scan3A_123, %dma_start3A_130] : memref<2x16x128xi32, #tpu.memory_space<vmem>> -> memref<1x1x128xi32, #tpu.memory_space<vmem>>
        %dma_start3A_132 = tpu.memref_squeeze %dma_start3A_131 : memref<1x1x128xi32, #tpu.memory_space<vmem>> -> memref<128xi32, #tpu.memory_space<vmem>>
        %dma_start3A_133 = arith.constant 0 : i32
        %dma_start3A_134 = arith.constant 0 : i32
        %dma_start3A_135 = tpu.memref_slice %arg7[%dma_start3A_133, %dma_start3A_134] : memref<2032640x16xf32, #tpu.memory_space<hbm>> -> memref<2032640x16xf32, #tpu.memory_space<hbm>>
        tpu.enqueue_indirect_dma source(%dma_start3A_129 : memref<128x16xf32, #tpu.memory_space<vmem>>) target(%dma_start3A_135 : memref<2032640x16xf32, #tpu.memory_space<hbm>>) offsets(%dma_start3A_132 : memref<128xi32, #tpu.memory_space<vmem>>) semaphore(%arg16 : memref<!tpu.dma_semaphore, #tpu.memory_space<semaphore_mem>>)
        %scan3A_136 = arith.constant 0 : i32
        scf.yield %scan3A_136 : i32
      }
      %scan3A_117 = arith.constant 16 : i32
      %ge3A = arith.constant 1 : i32
      %ge3A_118 = arith.cmpi sge, %scan3A_60, %ge3A : i32
      %convert_element_type3A_119 = arith.extui %ge3A_118 : i1 to i32
      %cond3A_120 = arith.constant 0 : i32
      %cond3A_121 = arith.cmpi ne, %convert_element_type3A_119, %cond3A_120 : i32
      scf.if %cond3A_121 {
        %sub3A = arith.constant 1 : i32
        %sub3A_123 = arith.subi %sub3A, %and3A_62 : i32
        %dma_wait3A_124 = arith.constant 0 : i32
        %dma_wait3A_125 = arith.constant 0 : i32
        %dma_wait3A_126 = tpu.memref_slice %arg13[%sub3A_123, %dma_wait3A_124, %dma_wait3A_125] : memref<2x2048x16xf32, #tpu.memory_space<vmem>> -> memref<1x2048x16xf32, #tpu.memory_space<vmem>>
        %dma_wait3A_127 = tpu.memref_squeeze %dma_wait3A_126 : memref<1x2048x16xf32, #tpu.memory_space<vmem>> -> memref<2048x16xf32, #tpu.memory_space<vmem>>
        %dma_wait3A_128 = arith.constant 0 : i32
        %dma_wait3A_129 = arith.constant 0 : i32
        %dma_wait3A_130 = tpu.memref_slice %arg7[%dma_wait3A_128, %dma_wait3A_129] : memref<2032640x16xf32, #tpu.memory_space<hbm>> -> memref<2048x16xf32, #tpu.memory_space<hbm>>
        %dma_wait3A_131 = arith.constant 0 : i32
        %dma_wait3A_132 = arith.constant 0 : i32
        %dma_wait3A_133 = tpu.memref_slice %arg13[%sub3A_123, %dma_wait3A_131, %dma_wait3A_132] : memref<2x2048x16xf32, #tpu.memory_space<vmem>> -> memref<1x2048x16xf32, #tpu.memory_space<vmem>>
        %dma_wait3A_134 = tpu.memref_squeeze %dma_wait3A_133 : memref<1x2048x16xf32, #tpu.memory_space<vmem>> -> memref<2048x16xf32, #tpu.memory_space<vmem>>
        %dma_wait3A_135 = arith.constant 0 : i32
        %dma_wait3A_136 = arith.constant 0 : i32
        %dma_wait3A_137 = tpu.memref_slice %arg7[%dma_wait3A_135, %dma_wait3A_136] : memref<2032640x16xf32, #tpu.memory_space<hbm>> -> memref<2048x16xf32, #tpu.memory_space<hbm>>
        tpu.wait_dma2 semaphore(%arg16 : memref<!tpu.dma_semaphore, #tpu.memory_space<semaphore_mem>>) src(%dma_wait3A_137 : memref<2048x16xf32, #tpu.memory_space<hbm>>) dst(%dma_wait3A_134 : memref<2048x16xf32, #tpu.memory_space<vmem>>)
      } else {
      }
      %scan3A_122 = arith.constant 0 : i32
      scf.yield %scan3A_122 : i32
    }
    %scan3A_45 = arith.constant 31 : i32
    %dma_wait3A = arith.constant 0 : i32
    %dma_wait3A_46 = arith.constant 0 : i32
    %dma_wait3A_47 = arith.constant 0 : i32
    %dma_wait3A_48 = tpu.memref_slice %arg13[%dma_wait3A, %dma_wait3A_46, %dma_wait3A_47] : memref<2x2048x16xf32, #tpu.memory_space<vmem>> -> memref<1x2048x16xf32, #tpu.memory_space<vmem>>
    %dma_wait3A_49 = tpu.memref_squeeze %dma_wait3A_48 : memref<1x2048x16xf32, #tpu.memory_space<vmem>> -> memref<2048x16xf32, #tpu.memory_space<vmem>>
    %dma_wait3A_50 = arith.constant 0 : i32
    %dma_wait3A_51 = arith.constant 0 : i32
    %dma_wait3A_52 = tpu.memref_slice %arg7[%dma_wait3A_50, %dma_wait3A_51] : memref<2032640x16xf32, #tpu.memory_space<hbm>> -> memref<2048x16xf32, #tpu.memory_space<hbm>>
    %dma_wait3A_53 = arith.constant 0 : i32
    %dma_wait3A_54 = arith.constant 0 : i32
    %dma_wait3A_55 = tpu.memref_slice %arg13[%dma_wait3A, %dma_wait3A_53, %dma_wait3A_54] : memref<2x2048x16xf32, #tpu.memory_space<vmem>> -> memref<1x2048x16xf32, #tpu.memory_space<vmem>>
    %dma_wait3A_56 = tpu.memref_squeeze %dma_wait3A_55 : memref<1x2048x16xf32, #tpu.memory_space<vmem>> -> memref<2048x16xf32, #tpu.memory_space<vmem>>
    %dma_wait3A_57 = arith.constant 0 : i32
    %dma_wait3A_58 = arith.constant 0 : i32
    %dma_wait3A_59 = tpu.memref_slice %arg7[%dma_wait3A_57, %dma_wait3A_58] : memref<2032640x16xf32, #tpu.memory_space<hbm>> -> memref<2048x16xf32, #tpu.memory_space<hbm>>
    tpu.wait_dma2 semaphore(%arg16 : memref<!tpu.dma_semaphore, #tpu.memory_space<semaphore_mem>>) src(%dma_wait3A_59 : memref<2048x16xf32, #tpu.memory_space<hbm>>) dst(%dma_wait3A_56 : memref<2048x16xf32, #tpu.memory_space<vmem>>)
    return
  }
}

#map = affine_map<(d0, d1) -> (0)>
#map1 = affine_map<(d0, d1) -> (0, 0, 0)>
module attributes {stable_mosaic.version = 14 : i64} {
  func.func @_p1a(%arg0: i32, %arg1: i32, %arg2: memref<2031616xf32, #tpu.memory_space<hbm>>, %arg3: memref<2031616xf32, #tpu.memory_space<hbm>>, %arg4: memref<2031616xf32, #tpu.memory_space<hbm>>, %arg5: memref<2031616xf32, #tpu.memory_space<hbm>>, %arg6: memref<256x32x16xi32, #tpu.memory_space<hbm>>, %arg7: memref<2x2048xf32, #tpu.memory_space<vmem>>, %arg8: memref<2x2048xf32, #tpu.memory_space<vmem>>, %arg9: memref<2x2048xf32, #tpu.memory_space<vmem>>, %arg10: memref<2x2048xf32, #tpu.memory_space<vmem>>, %arg11: memref<256x16xi32, #tpu.memory_space<vmem>>, %arg12: memref<!tpu.dma_semaphore, #tpu.memory_space<semaphore_mem>>) attributes {dimension_semantics = [#tpu.dimension_semantics<core_parallel>, #tpu.dimension_semantics<subcore_parallel>], iteration_bounds = array<i64: 2, 16>, scalar_prefetch = 0 : i64, scratch_operands = 6 : i64, tpu.core_type = #tpu.core_type<sc_vector_subcore>, window_params = [{transform_indices = #map}, {transform_indices = #map}, {transform_indices = #map}, {transform_indices = #map}, {transform_indices = #map1}]} {
    %mul3A = arith.constant 16 : i32
    %mul3A_0 = arith.muli %arg0, %mul3A : i32
    %add3A = arith.addi %mul3A_0, %arg1 : i32
    %iota3A = tpu.iota {dimensions = array<i32: 0>} : vector<16xi32>
    %broadcast_in_dim3A = arith.constant 1 : i32
    %broadcast_in_dim3A_1 = vector.broadcast %broadcast_in_dim3A : i32 to vector<16xi32>
    %scan3A = arith.constant 0 : i32
    %scan3A_2 = arith.constant 0 : i32
    %scan3A_3 = arith.constant 256 : i32
    %scan3A_4 = arith.addi %scan3A_2, %scan3A_3 : i32
    %scan3A_5 = arith.constant 1 : i32
    %scan3A_6 = scf.for %scan3A_54 = %scan3A_2 to %scan3A_4 step %scan3A_5 iter_args(%scan3A_55 = %scan3A) -> (i32)  : i32 {
      %broadcast_in_dim3A_56 = vector.broadcast %scan3A_54 : i32 to vector<16xi32>
      %broadcast_in_dim3A_57 = arith.constant 0 : i32
      %broadcast_in_dim3A_58 = vector.broadcast %broadcast_in_dim3A_57 : i32 to vector<16xi32>
      tpu.vector_store_idx %arg11[%broadcast_in_dim3A_56, %iota3A], %broadcast_in_dim3A_58 : memref<256x16xi32, #tpu.memory_space<vmem>>[vector<16xi32>, vector<16xi32>], vector<16xi32>,
      %scan3A_59 = arith.constant 0 : i32
      scf.yield %scan3A_59 : i32
    }
    %scan3A_7 = arith.constant 256 : i32
    %mul3A_8 = arith.constant 63488 : i32
    %mul3A_9 = arith.muli %add3A, %mul3A_8 : i32
    %add3A_10 = arith.constant 0 : i32
    %add3A_11 = arith.addi %mul3A_9, %add3A_10 : i32
    %dma_start3A = arith.constant 0 : i32
    %dma_start3A_12 = arith.constant 0 : i32
    %dma_start3A_13 = tpu.memref_slice %arg7[%dma_start3A, %dma_start3A_12] : memref<2x2048xf32, #tpu.memory_space<vmem>> -> memref<1x2048xf32, #tpu.memory_space<vmem>>
    %dma_start3A_14 = tpu.memref_squeeze %dma_start3A_13 : memref<1x2048xf32, #tpu.memory_space<vmem>> -> memref<2048xf32, #tpu.memory_space<vmem>>
    %dma_start3A_15 = tpu.memref_slice %arg2[%add3A_11] : memref<2031616xf32, #tpu.memory_space<hbm>> -> memref<2048xf32, #tpu.memory_space<hbm>>
    %dma_start3A_16 = arith.constant 0 : i32
    %dma_start3A_17 = tpu.memref_slice %arg7[%dma_start3A, %dma_start3A_16] : memref<2x2048xf32, #tpu.memory_space<vmem>> -> memref<1x2048xf32, #tpu.memory_space<vmem>>
    %dma_start3A_18 = tpu.memref_squeeze %dma_start3A_17 : memref<1x2048xf32, #tpu.memory_space<vmem>> -> memref<2048xf32, #tpu.memory_space<vmem>>
    %dma_start3A_19 = tpu.memref_slice %arg2[%add3A_11] : memref<2031616xf32, #tpu.memory_space<hbm>> -> memref<2048xf32, #tpu.memory_space<hbm>>
    tpu.enqueue_dma source(%dma_start3A_19 : memref<2048xf32, #tpu.memory_space<hbm>>) target(%dma_start3A_18 : memref<2048xf32, #tpu.memory_space<vmem>>) target_semaphore(%arg12 : memref<!tpu.dma_semaphore, #tpu.memory_space<semaphore_mem>>)
    %dma_start3A_20 = arith.constant 0 : i32
    %dma_start3A_21 = arith.constant 0 : i32
    %dma_start3A_22 = tpu.memref_slice %arg8[%dma_start3A_20, %dma_start3A_21] : memref<2x2048xf32, #tpu.memory_space<vmem>> -> memref<1x2048xf32, #tpu.memory_space<vmem>>
    %dma_start3A_23 = tpu.memref_squeeze %dma_start3A_22 : memref<1x2048xf32, #tpu.memory_space<vmem>> -> memref<2048xf32, #tpu.memory_space<vmem>>
    %dma_start3A_24 = tpu.memref_slice %arg3[%add3A_11] : memref<2031616xf32, #tpu.memory_space<hbm>> -> memref<2048xf32, #tpu.memory_space<hbm>>
    %dma_start3A_25 = arith.constant 0 : i32
    %dma_start3A_26 = tpu.memref_slice %arg8[%dma_start3A_20, %dma_start3A_25] : memref<2x2048xf32, #tpu.memory_space<vmem>> -> memref<1x2048xf32, #tpu.memory_space<vmem>>
    %dma_start3A_27 = tpu.memref_squeeze %dma_start3A_26 : memref<1x2048xf32, #tpu.memory_space<vmem>> -> memref<2048xf32, #tpu.memory_space<vmem>>
    %dma_start3A_28 = tpu.memref_slice %arg3[%add3A_11] : memref<2031616xf32, #tpu.memory_space<hbm>> -> memref<2048xf32, #tpu.memory_space<hbm>>
    tpu.enqueue_dma source(%dma_start3A_28 : memref<2048xf32, #tpu.memory_space<hbm>>) target(%dma_start3A_27 : memref<2048xf32, #tpu.memory_space<vmem>>) target_semaphore(%arg12 : memref<!tpu.dma_semaphore, #tpu.memory_space<semaphore_mem>>)
    %dma_start3A_29 = arith.constant 0 : i32
    %dma_start3A_30 = arith.constant 0 : i32
    %dma_start3A_31 = tpu.memref_slice %arg9[%dma_start3A_29, %dma_start3A_30] : memref<2x2048xf32, #tpu.memory_space<vmem>> -> memref<1x2048xf32, #tpu.memory_space<vmem>>
    %dma_start3A_32 = tpu.memref_squeeze %dma_start3A_31 : memref<1x2048xf32, #tpu.memory_space<vmem>> -> memref<2048xf32, #tpu.memory_space<vmem>>
    %dma_start3A_33 = tpu.memref_slice %arg4[%add3A_11] : memref<2031616xf32, #tpu.memory_space<hbm>> -> memref<2048xf32, #tpu.memory_space<hbm>>
    %dma_start3A_34 = arith.constant 0 : i32
    %dma_start3A_35 = tpu.memref_slice %arg9[%dma_start3A_29, %dma_start3A_34] : memref<2x2048xf32, #tpu.memory_space<vmem>> -> memref<1x2048xf32, #tpu.memory_space<vmem>>
    %dma_start3A_36 = tpu.memref_squeeze %dma_start3A_35 : memref<1x2048xf32, #tpu.memory_space<vmem>> -> memref<2048xf32, #tpu.memory_space<vmem>>
    %dma_start3A_37 = tpu.memref_slice %arg4[%add3A_11] : memref<2031616xf32, #tpu.memory_space<hbm>> -> memref<2048xf32, #tpu.memory_space<hbm>>
    tpu.enqueue_dma source(%dma_start3A_37 : memref<2048xf32, #tpu.memory_space<hbm>>) target(%dma_start3A_36 : memref<2048xf32, #tpu.memory_space<vmem>>) target_semaphore(%arg12 : memref<!tpu.dma_semaphore, #tpu.memory_space<semaphore_mem>>)
    %dma_start3A_38 = arith.constant 0 : i32
    %dma_start3A_39 = arith.constant 0 : i32
    %dma_start3A_40 = tpu.memref_slice %arg10[%dma_start3A_38, %dma_start3A_39] : memref<2x2048xf32, #tpu.memory_space<vmem>> -> memref<1x2048xf32, #tpu.memory_space<vmem>>
    %dma_start3A_41 = tpu.memref_squeeze %dma_start3A_40 : memref<1x2048xf32, #tpu.memory_space<vmem>> -> memref<2048xf32, #tpu.memory_space<vmem>>
    %dma_start3A_42 = tpu.memref_slice %arg5[%add3A_11] : memref<2031616xf32, #tpu.memory_space<hbm>> -> memref<2048xf32, #tpu.memory_space<hbm>>
    %dma_start3A_43 = arith.constant 0 : i32
    %dma_start3A_44 = tpu.memref_slice %arg10[%dma_start3A_38, %dma_start3A_43] : memref<2x2048xf32, #tpu.memory_space<vmem>> -> memref<1x2048xf32, #tpu.memory_space<vmem>>
    %dma_start3A_45 = tpu.memref_squeeze %dma_start3A_44 : memref<1x2048xf32, #tpu.memory_space<vmem>> -> memref<2048xf32, #tpu.memory_space<vmem>>
    %dma_start3A_46 = tpu.memref_slice %arg5[%add3A_11] : memref<2031616xf32, #tpu.memory_space<hbm>> -> memref<2048xf32, #tpu.memory_space<hbm>>
    tpu.enqueue_dma source(%dma_start3A_46 : memref<2048xf32, #tpu.memory_space<hbm>>) target(%dma_start3A_45 : memref<2048xf32, #tpu.memory_space<vmem>>) target_semaphore(%arg12 : memref<!tpu.dma_semaphore, #tpu.memory_space<semaphore_mem>>)
    %scan3A_47 = arith.constant 0 : i32
    %scan3A_48 = arith.constant 0 : i32
    %scan3A_49 = arith.constant 31 : i32
    %scan3A_50 = arith.addi %scan3A_48, %scan3A_49 : i32
    %scan3A_51 = arith.constant 1 : i32
    %scan3A_52 = scf.for %scan3A_54 = %scan3A_48 to %scan3A_50 step %scan3A_51 iter_args(%scan3A_55 = %scan3A_47) -> (i32)  : i32 {
      %and3A = arith.constant 1 : i32
      %and3A_56 = arith.andi %scan3A_54, %and3A : i32
      %mul3A_57 = arith.constant 63488 : i32
      %mul3A_58 = arith.muli %add3A, %mul3A_57 : i32
      %mul3A_59 = arith.constant 2048 : i32
      %mul3A_60 = arith.muli %scan3A_54, %mul3A_59 : i32
      %add3A_61 = arith.addi %mul3A_58, %mul3A_60 : i32
      %dma_wait3A = arith.constant 0 : i32
      %dma_wait3A_62 = tpu.memref_slice %arg7[%and3A_56, %dma_wait3A] : memref<2x2048xf32, #tpu.memory_space<vmem>> -> memref<1x2048xf32, #tpu.memory_space<vmem>>
      %dma_wait3A_63 = tpu.memref_squeeze %dma_wait3A_62 : memref<1x2048xf32, #tpu.memory_space<vmem>> -> memref<2048xf32, #tpu.memory_space<vmem>>
      %dma_wait3A_64 = tpu.memref_slice %arg2[%add3A_61] : memref<2031616xf32, #tpu.memory_space<hbm>> -> memref<2048xf32, #tpu.memory_space<hbm>>
      %dma_wait3A_65 = arith.constant 0 : i32
      %dma_wait3A_66 = tpu.memref_slice %arg7[%and3A_56, %dma_wait3A_65] : memref<2x2048xf32, #tpu.memory_space<vmem>> -> memref<1x2048xf32, #tpu.memory_space<vmem>>
      %dma_wait3A_67 = tpu.memref_squeeze %dma_wait3A_66 : memref<1x2048xf32, #tpu.memory_space<vmem>> -> memref<2048xf32, #tpu.memory_space<vmem>>
      %dma_wait3A_68 = tpu.memref_slice %arg2[%add3A_61] : memref<2031616xf32, #tpu.memory_space<hbm>> -> memref<2048xf32, #tpu.memory_space<hbm>>
      tpu.wait_dma2 semaphore(%arg12 : memref<!tpu.dma_semaphore, #tpu.memory_space<semaphore_mem>>) src(%dma_wait3A_68 : memref<2048xf32, #tpu.memory_space<hbm>>) dst(%dma_wait3A_67 : memref<2048xf32, #tpu.memory_space<vmem>>)
      %dma_wait3A_69 = arith.constant 0 : i32
      %dma_wait3A_70 = tpu.memref_slice %arg8[%and3A_56, %dma_wait3A_69] : memref<2x2048xf32, #tpu.memory_space<vmem>> -> memref<1x2048xf32, #tpu.memory_space<vmem>>
      %dma_wait3A_71 = tpu.memref_squeeze %dma_wait3A_70 : memref<1x2048xf32, #tpu.memory_space<vmem>> -> memref<2048xf32, #tpu.memory_space<vmem>>
      %dma_wait3A_72 = tpu.memref_slice %arg3[%add3A_61] : memref<2031616xf32, #tpu.memory_space<hbm>> -> memref<2048xf32, #tpu.memory_space<hbm>>
      %dma_wait3A_73 = arith.constant 0 : i32
      %dma_wait3A_74 = tpu.memref_slice %arg8[%and3A_56, %dma_wait3A_73] : memref<2x2048xf32, #tpu.memory_space<vmem>> -> memref<1x2048xf32, #tpu.memory_space<vmem>>
      %dma_wait3A_75 = tpu.memref_squeeze %dma_wait3A_74 : memref<1x2048xf32, #tpu.memory_space<vmem>> -> memref<2048xf32, #tpu.memory_space<vmem>>
      %dma_wait3A_76 = tpu.memref_slice %arg3[%add3A_61] : memref<2031616xf32, #tpu.memory_space<hbm>> -> memref<2048xf32, #tpu.memory_space<hbm>>
      tpu.wait_dma2 semaphore(%arg12 : memref<!tpu.dma_semaphore, #tpu.memory_space<semaphore_mem>>) src(%dma_wait3A_76 : memref<2048xf32, #tpu.memory_space<hbm>>) dst(%dma_wait3A_75 : memref<2048xf32, #tpu.memory_space<vmem>>)
      %dma_wait3A_77 = arith.constant 0 : i32
      %dma_wait3A_78 = tpu.memref_slice %arg9[%and3A_56, %dma_wait3A_77] : memref<2x2048xf32, #tpu.memory_space<vmem>> -> memref<1x2048xf32, #tpu.memory_space<vmem>>
      %dma_wait3A_79 = tpu.memref_squeeze %dma_wait3A_78 : memref<1x2048xf32, #tpu.memory_space<vmem>> -> memref<2048xf32, #tpu.memory_space<vmem>>
      %dma_wait3A_80 = tpu.memref_slice %arg4[%add3A_61] : memref<2031616xf32, #tpu.memory_space<hbm>> -> memref<2048xf32, #tpu.memory_space<hbm>>
      %dma_wait3A_81 = arith.constant 0 : i32
      %dma_wait3A_82 = tpu.memref_slice %arg9[%and3A_56, %dma_wait3A_81] : memref<2x2048xf32, #tpu.memory_space<vmem>> -> memref<1x2048xf32, #tpu.memory_space<vmem>>
      %dma_wait3A_83 = tpu.memref_squeeze %dma_wait3A_82 : memref<1x2048xf32, #tpu.memory_space<vmem>> -> memref<2048xf32, #tpu.memory_space<vmem>>
      %dma_wait3A_84 = tpu.memref_slice %arg4[%add3A_61] : memref<2031616xf32, #tpu.memory_space<hbm>> -> memref<2048xf32, #tpu.memory_space<hbm>>
      tpu.wait_dma2 semaphore(%arg12 : memref<!tpu.dma_semaphore, #tpu.memory_space<semaphore_mem>>) src(%dma_wait3A_84 : memref<2048xf32, #tpu.memory_space<hbm>>) dst(%dma_wait3A_83 : memref<2048xf32, #tpu.memory_space<vmem>>)
      %dma_wait3A_85 = arith.constant 0 : i32
      %dma_wait3A_86 = tpu.memref_slice %arg10[%and3A_56, %dma_wait3A_85] : memref<2x2048xf32, #tpu.memory_space<vmem>> -> memref<1x2048xf32, #tpu.memory_space<vmem>>
      %dma_wait3A_87 = tpu.memref_squeeze %dma_wait3A_86 : memref<1x2048xf32, #tpu.memory_space<vmem>> -> memref<2048xf32, #tpu.memory_space<vmem>>
      %dma_wait3A_88 = tpu.memref_slice %arg5[%add3A_61] : memref<2031616xf32, #tpu.memory_space<hbm>> -> memref<2048xf32, #tpu.memory_space<hbm>>
      %dma_wait3A_89 = arith.constant 0 : i32
      %dma_wait3A_90 = tpu.memref_slice %arg10[%and3A_56, %dma_wait3A_89] : memref<2x2048xf32, #tpu.memory_space<vmem>> -> memref<1x2048xf32, #tpu.memory_space<vmem>>
      %dma_wait3A_91 = tpu.memref_squeeze %dma_wait3A_90 : memref<1x2048xf32, #tpu.memory_space<vmem>> -> memref<2048xf32, #tpu.memory_space<vmem>>
      %dma_wait3A_92 = tpu.memref_slice %arg5[%add3A_61] : memref<2031616xf32, #tpu.memory_space<hbm>> -> memref<2048xf32, #tpu.memory_space<hbm>>
      tpu.wait_dma2 semaphore(%arg12 : memref<!tpu.dma_semaphore, #tpu.memory_space<semaphore_mem>>) src(%dma_wait3A_92 : memref<2048xf32, #tpu.memory_space<hbm>>) dst(%dma_wait3A_91 : memref<2048xf32, #tpu.memory_space<vmem>>)
      %add3A_93 = arith.constant 1 : i32
      %add3A_94 = arith.addi %scan3A_54, %add3A_93 : i32
      %lt3A = arith.constant 31 : i32
      %lt3A_95 = arith.cmpi slt, %add3A_94, %lt3A : i32
      %convert_element_type3A = arith.extui %lt3A_95 : i1 to i32
      %cond3A = arith.constant 0 : i32
      %cond3A_96 = arith.cmpi ne, %convert_element_type3A, %cond3A : i32
      scf.if %cond3A_96 {
        %add3A_105 = arith.constant 1 : i32
        %add3A_106 = arith.addi %scan3A_54, %add3A_105 : i32
        %sub3A = arith.constant 1 : i32
        %sub3A_107 = arith.subi %sub3A, %and3A_56 : i32
        %mul3A_108 = arith.constant 63488 : i32
        %mul3A_109 = arith.muli %add3A, %mul3A_108 : i32
        %mul3A_110 = arith.constant 2048 : i32
        %mul3A_111 = arith.muli %add3A_106, %mul3A_110 : i32
        %add3A_112 = arith.addi %mul3A_109, %mul3A_111 : i32
        %dma_start3A_113 = arith.constant 0 : i32
        %dma_start3A_114 = tpu.memref_slice %arg7[%sub3A_107, %dma_start3A_113] : memref<2x2048xf32, #tpu.memory_space<vmem>> -> memref<1x2048xf32, #tpu.memory_space<vmem>>
        %dma_start3A_115 = tpu.memref_squeeze %dma_start3A_114 : memref<1x2048xf32, #tpu.memory_space<vmem>> -> memref<2048xf32, #tpu.memory_space<vmem>>
        %dma_start3A_116 = tpu.memref_slice %arg2[%add3A_112] : memref<2031616xf32, #tpu.memory_space<hbm>> -> memref<2048xf32, #tpu.memory_space<hbm>>
        %dma_start3A_117 = arith.constant 0 : i32
        %dma_start3A_118 = tpu.memref_slice %arg7[%sub3A_107, %dma_start3A_117] : memref<2x2048xf32, #tpu.memory_space<vmem>> -> memref<1x2048xf32, #tpu.memory_space<vmem>>
        %dma_start3A_119 = tpu.memref_squeeze %dma_start3A_118 : memref<1x2048xf32, #tpu.memory_space<vmem>> -> memref<2048xf32, #tpu.memory_space<vmem>>
        %dma_start3A_120 = tpu.memref_slice %arg2[%add3A_112] : memref<2031616xf32, #tpu.memory_space<hbm>> -> memref<2048xf32, #tpu.memory_space<hbm>>
        tpu.enqueue_dma source(%dma_start3A_120 : memref<2048xf32, #tpu.memory_space<hbm>>) target(%dma_start3A_119 : memref<2048xf32, #tpu.memory_space<vmem>>) target_semaphore(%arg12 : memref<!tpu.dma_semaphore, #tpu.memory_space<semaphore_mem>>)
        %dma_start3A_121 = arith.constant 0 : i32
        %dma_start3A_122 = tpu.memref_slice %arg8[%sub3A_107, %dma_start3A_121] : memref<2x2048xf32, #tpu.memory_space<vmem>> -> memref<1x2048xf32, #tpu.memory_space<vmem>>
        %dma_start3A_123 = tpu.memref_squeeze %dma_start3A_122 : memref<1x2048xf32, #tpu.memory_space<vmem>> -> memref<2048xf32, #tpu.memory_space<vmem>>
        %dma_start3A_124 = tpu.memref_slice %arg3[%add3A_112] : memref<2031616xf32, #tpu.memory_space<hbm>> -> memref<2048xf32, #tpu.memory_space<hbm>>
        %dma_start3A_125 = arith.constant 0 : i32
        %dma_start3A_126 = tpu.memref_slice %arg8[%sub3A_107, %dma_start3A_125] : memref<2x2048xf32, #tpu.memory_space<vmem>> -> memref<1x2048xf32, #tpu.memory_space<vmem>>
        %dma_start3A_127 = tpu.memref_squeeze %dma_start3A_126 : memref<1x2048xf32, #tpu.memory_space<vmem>> -> memref<2048xf32, #tpu.memory_space<vmem>>
        %dma_start3A_128 = tpu.memref_slice %arg3[%add3A_112] : memref<2031616xf32, #tpu.memory_space<hbm>> -> memref<2048xf32, #tpu.memory_space<hbm>>
        tpu.enqueue_dma source(%dma_start3A_128 : memref<2048xf32, #tpu.memory_space<hbm>>) target(%dma_start3A_127 : memref<2048xf32, #tpu.memory_space<vmem>>) target_semaphore(%arg12 : memref<!tpu.dma_semaphore, #tpu.memory_space<semaphore_mem>>)
        %dma_start3A_129 = arith.constant 0 : i32
        %dma_start3A_130 = tpu.memref_slice %arg9[%sub3A_107, %dma_start3A_129] : memref<2x2048xf32, #tpu.memory_space<vmem>> -> memref<1x2048xf32, #tpu.memory_space<vmem>>
        %dma_start3A_131 = tpu.memref_squeeze %dma_start3A_130 : memref<1x2048xf32, #tpu.memory_space<vmem>> -> memref<2048xf32, #tpu.memory_space<vmem>>
        %dma_start3A_132 = tpu.memref_slice %arg4[%add3A_112] : memref<2031616xf32, #tpu.memory_space<hbm>> -> memref<2048xf32, #tpu.memory_space<hbm>>
        %dma_start3A_133 = arith.constant 0 : i32
        %dma_start3A_134 = tpu.memref_slice %arg9[%sub3A_107, %dma_start3A_133] : memref<2x2048xf32, #tpu.memory_space<vmem>> -> memref<1x2048xf32, #tpu.memory_space<vmem>>
        %dma_start3A_135 = tpu.memref_squeeze %dma_start3A_134 : memref<1x2048xf32, #tpu.memory_space<vmem>> -> memref<2048xf32, #tpu.memory_space<vmem>>
        %dma_start3A_136 = tpu.memref_slice %arg4[%add3A_112] : memref<2031616xf32, #tpu.memory_space<hbm>> -> memref<2048xf32, #tpu.memory_space<hbm>>
        tpu.enqueue_dma source(%dma_start3A_136 : memref<2048xf32, #tpu.memory_space<hbm>>) target(%dma_start3A_135 : memref<2048xf32, #tpu.memory_space<vmem>>) target_semaphore(%arg12 : memref<!tpu.dma_semaphore, #tpu.memory_space<semaphore_mem>>)
        %dma_start3A_137 = arith.constant 0 : i32
        %dma_start3A_138 = tpu.memref_slice %arg10[%sub3A_107, %dma_start3A_137] : memref<2x2048xf32, #tpu.memory_space<vmem>> -> memref<1x2048xf32, #tpu.memory_space<vmem>>
        %dma_start3A_139 = tpu.memref_squeeze %dma_start3A_138 : memref<1x2048xf32, #tpu.memory_space<vmem>> -> memref<2048xf32, #tpu.memory_space<vmem>>
        %dma_start3A_140 = tpu.memref_slice %arg5[%add3A_112] : memref<2031616xf32, #tpu.memory_space<hbm>> -> memref<2048xf32, #tpu.memory_space<hbm>>
        %dma_start3A_141 = arith.constant 0 : i32
        %dma_start3A_142 = tpu.memref_slice %arg10[%sub3A_107, %dma_start3A_141] : memref<2x2048xf32, #tpu.memory_space<vmem>> -> memref<1x2048xf32, #tpu.memory_space<vmem>>
        %dma_start3A_143 = tpu.memref_squeeze %dma_start3A_142 : memref<1x2048xf32, #tpu.memory_space<vmem>> -> memref<2048xf32, #tpu.memory_space<vmem>>
        %dma_start3A_144 = tpu.memref_slice %arg5[%add3A_112] : memref<2031616xf32, #tpu.memory_space<hbm>> -> memref<2048xf32, #tpu.memory_space<hbm>>
        tpu.enqueue_dma source(%dma_start3A_144 : memref<2048xf32, #tpu.memory_space<hbm>>) target(%dma_start3A_143 : memref<2048xf32, #tpu.memory_space<vmem>>) target_semaphore(%arg12 : memref<!tpu.dma_semaphore, #tpu.memory_space<semaphore_mem>>)
      } else {
      }
      %scan3A_97 = arith.constant 0 : i32
      %scan3A_98 = arith.constant 0 : i32
      %scan3A_99 = arith.constant 128 : i32
      %scan3A_100 = arith.addi %scan3A_98, %scan3A_99 : i32
      %scan3A_101 = arith.constant 1 : i32
      %scan3A_102 = scf.for %scan3A_105 = %scan3A_98 to %scan3A_100 step %scan3A_101 iter_args(%scan3A_106 = %scan3A_97) -> (i32)  : i32 {
        %mul3A_107 = arith.constant 16 : i32
        %mul3A_108 = arith.muli %scan3A_105, %mul3A_107 : i32
        %get3A = arith.index_cast %and3A_56 : i32 to index
        %get3A_109 = arith.index_cast %mul3A_108 : i32 to index
        %get3A_110 = tpu.vector_load %arg7[%get3A, %get3A_109] {strides = array<i32>} : memref<2x2048xf32, #tpu.memory_space<vmem>>, vector<16xf32>,
        %get3A_111 = arith.index_cast %and3A_56 : i32 to index
        %get3A_112 = arith.index_cast %mul3A_108 : i32 to index
        %get3A_113 = tpu.vector_load %arg8[%get3A_111, %get3A_112] {strides = array<i32>} : memref<2x2048xf32, #tpu.memory_space<vmem>>, vector<16xf32>,
        %get3A_114 = arith.index_cast %and3A_56 : i32 to index
        %get3A_115 = arith.index_cast %mul3A_108 : i32 to index
        %get3A_116 = tpu.vector_load %arg9[%get3A_114, %get3A_115] {strides = array<i32>} : memref<2x2048xf32, #tpu.memory_space<vmem>>, vector<16xf32>,
        %get3A_117 = arith.index_cast %and3A_56 : i32 to index
        %get3A_118 = arith.index_cast %mul3A_108 : i32 to index
        %get3A_119 = tpu.vector_load %arg10[%get3A_117, %get3A_118] {strides = array<i32>} : memref<2x2048xf32, #tpu.memory_space<vmem>>, vector<16xf32>,
        %mul3A_120 = arith.constant 2.000000e+00 : f32
        %mul3A_121 = vector.broadcast %mul3A_120 : f32 to vector<16xf32>
        %mul3A_122 = arith.mulf %get3A_110, %mul3A_121 : vector<16xf32>
        %add3A_123 = arith.constant 2.555000e+02 : f32
        %add3A_124 = vector.broadcast %add3A_123 : f32 to vector<16xf32>
        %add3A_125 = arith.addf %mul3A_122, %add3A_124 : vector<16xf32>
        %mul3A_126 = arith.constant 2.000000e+00 : f32
        %mul3A_127 = vector.broadcast %mul3A_126 : f32 to vector<16xf32>
        %mul3A_128 = arith.mulf %get3A_113, %mul3A_127 : vector<16xf32>
        %add3A_129 = arith.constant 2.555000e+02 : f32
        %add3A_130 = vector.broadcast %add3A_129 : f32 to vector<16xf32>
        %add3A_131 = arith.addf %mul3A_128, %add3A_130 : vector<16xf32>
        %mul3A_132 = arith.constant 1.000000e-01 : f32
        %mul3A_133 = vector.broadcast %mul3A_132 : f32 to vector<16xf32>
        %mul3A_134 = arith.mulf %get3A_116, %mul3A_133 : vector<16xf32>
        %add3A_135 = arith.constant -0.000000e+00 : f32
        %add3A_136 = vector.broadcast %add3A_135 : f32 to vector<16xf32>
        %add3A_137 = arith.addf %mul3A_134, %add3A_136 : vector<16xf32>
        %ge3A = arith.constant 0.000000e+00 : f32
        %ge3A_138 = vector.broadcast %ge3A : f32 to vector<16xf32>
        %ge3A_139 = arith.cmpf oge, %add3A_125, %ge3A_138 : vector<16xf32>
        %lt3A_140 = arith.constant 5.110000e+02 : f32
        %lt3A_141 = vector.broadcast %lt3A_140 : f32 to vector<16xf32>
        %lt3A_142 = arith.cmpf olt, %add3A_125, %lt3A_141 : vector<16xf32>
        %and3A_143 = arith.andi %ge3A_139, %lt3A_142 : vector<16xi1>
        %ge3A_144 = arith.constant 0.000000e+00 : f32
        %ge3A_145 = vector.broadcast %ge3A_144 : f32 to vector<16xf32>
        %ge3A_146 = arith.cmpf oge, %add3A_131, %ge3A_145 : vector<16xf32>
        %and3A_147 = arith.andi %and3A_143, %ge3A_146 : vector<16xi1>
        %lt3A_148 = arith.constant 5.110000e+02 : f32
        %lt3A_149 = vector.broadcast %lt3A_148 : f32 to vector<16xf32>
        %lt3A_150 = arith.cmpf olt, %add3A_131, %lt3A_149 : vector<16xf32>
        %and3A_151 = arith.andi %and3A_147, %lt3A_150 : vector<16xi1>
        %ge3A_152 = arith.constant 0.000000e+00 : f32
        %ge3A_153 = vector.broadcast %ge3A_152 : f32 to vector<16xf32>
        %ge3A_154 = arith.cmpf oge, %add3A_137, %ge3A_153 : vector<16xf32>
        %and3A_155 = arith.andi %and3A_151, %ge3A_154 : vector<16xi1>
        %lt3A_156 = arith.constant 6.300000e+01 : f32
        %lt3A_157 = vector.broadcast %lt3A_156 : f32 to vector<16xf32>
        %lt3A_158 = arith.cmpf olt, %add3A_137, %lt3A_157 : vector<16xf32>
        %and3A_159 = arith.andi %and3A_155, %lt3A_158 : vector<16xi1>
        %jit3A = arith.constant 0.000000e+00 : f32
        %broadcast_in_dim3A_160 = vector.broadcast %jit3A : f32 to vector<16xf32>
        %select_n3A = arith.select %and3A_159, %get3A_119, %broadcast_in_dim3A_160 : vector<16xi1>, vector<16xf32>
        %convert_element_type3A_161 = arith.fptosi %add3A_125 : vector<16xf32> to vector<16xi32>
        %jit3A_162 = arith.constant 0 : i32
        %jit3A_163 = arith.constant 510 : i32
        %max3A = vector.broadcast %jit3A_162 : i32 to vector<16xi32>
        %max3A_164 = arith.maxsi %max3A, %convert_element_type3A_161 : vector<16xi32>
        %min3A = vector.broadcast %jit3A_163 : i32 to vector<16xi32>
        %min3A_165 = arith.minsi %min3A, %max3A_164 : vector<16xi32>
        %convert_element_type3A_166 = arith.fptosi %add3A_131 : vector<16xf32> to vector<16xi32>
        %jit3A_167 = arith.constant 0 : i32
        %jit3A_168 = arith.constant 510 : i32
        %max3A_169 = vector.broadcast %jit3A_167 : i32 to vector<16xi32>
        %max3A_170 = arith.maxsi %max3A_169, %convert_element_type3A_166 : vector<16xi32>
        %min3A_171 = vector.broadcast %jit3A_168 : i32 to vector<16xi32>
        %min3A_172 = arith.minsi %min3A_171, %max3A_170 : vector<16xi32>
        %convert_element_type3A_173 = arith.fptosi %add3A_137 : vector<16xf32> to vector<16xi32>
        %jit3A_174 = arith.constant 0 : i32
        %jit3A_175 = arith.constant 62 : i32
        %max3A_176 = vector.broadcast %jit3A_174 : i32 to vector<16xi32>
        %max3A_177 = arith.maxsi %max3A_176, %convert_element_type3A_173 : vector<16xi32>
        %min3A_178 = vector.broadcast %jit3A_175 : i32 to vector<16xi32>
        %min3A_179 = arith.minsi %min3A_178, %max3A_177 : vector<16xi32>
        %convert_element_type3A_180 = arith.sitofp %min3A_165 : vector<16xi32> to vector<16xf32>
        %sub3A = arith.subf %add3A_125, %convert_element_type3A_180 : vector<16xf32>
        %jit3A_181 = arith.constant 0.000000e+00 : f32
        %jit3A_182 = arith.constant 1.000000e+00 : f32
        %max3A_183 = vector.broadcast %jit3A_181 : f32 to vector<16xf32>
        %max3A_184 = arith.maximumf %max3A_183, %sub3A : vector<16xf32>
        %min3A_185 = vector.broadcast %jit3A_182 : f32 to vector<16xf32>
        %min3A_186 = arith.minimumf %min3A_185, %max3A_184 : vector<16xf32>
        %convert_element_type3A_187 = arith.sitofp %min3A_172 : vector<16xi32> to vector<16xf32>
        %sub3A_188 = arith.subf %add3A_131, %convert_element_type3A_187 : vector<16xf32>
        %jit3A_189 = arith.constant 0.000000e+00 : f32
        %jit3A_190 = arith.constant 1.000000e+00 : f32
        %max3A_191 = vector.broadcast %jit3A_189 : f32 to vector<16xf32>
        %max3A_192 = arith.maximumf %max3A_191, %sub3A_188 : vector<16xf32>
        %min3A_193 = vector.broadcast %jit3A_190 : f32 to vector<16xf32>
        %min3A_194 = arith.minimumf %min3A_193, %max3A_192 : vector<16xf32>
        %convert_element_type3A_195 = arith.sitofp %min3A_179 : vector<16xi32> to vector<16xf32>
        %sub3A_196 = arith.subf %add3A_137, %convert_element_type3A_195 : vector<16xf32>
        %jit3A_197 = arith.constant 0.000000e+00 : f32
        %jit3A_198 = arith.constant 1.000000e+00 : f32
        %max3A_199 = vector.broadcast %jit3A_197 : f32 to vector<16xf32>
        %max3A_200 = arith.maximumf %max3A_199, %sub3A_196 : vector<16xf32>
        %min3A_201 = vector.broadcast %jit3A_198 : f32 to vector<16xf32>
        %min3A_202 = arith.minimumf %min3A_201, %max3A_200 : vector<16xf32>
        %shift_right_arithmetic3A = arith.constant 7 : i32
        %shift_right_arithmetic3A_203 = vector.broadcast %shift_right_arithmetic3A : i32 to vector<16xi32>
        %shift_right_arithmetic3A_204 = arith.shrsi %min3A_172, %shift_right_arithmetic3A_203 : vector<16xi32>
        %and3A_205 = arith.constant 127 : i32
        %and3A_206 = vector.broadcast %and3A_205 : i32 to vector<16xi32>
        %and3A_207 = arith.andi %min3A_172, %and3A_206 : vector<16xi32>
        %mul3A_208 = arith.constant 512 : i32
        %mul3A_209 = vector.broadcast %mul3A_208 : i32 to vector<16xi32>
        %mul3A_210 = arith.muli %and3A_207, %mul3A_209 : vector<16xi32>
        %add3A_211 = arith.addi %mul3A_210, %min3A_165 : vector<16xi32>
        %mul3A_212 = arith.constant 4 : i32
        %mul3A_213 = vector.broadcast %mul3A_212 : i32 to vector<16xi32>
        %mul3A_214 = arith.muli %min3A_179, %mul3A_213 : vector<16xi32>
        %add3A_215 = arith.addi %mul3A_214, %shift_right_arithmetic3A_204 : vector<16xi32>
        tpu.vector_store_idx %arg11[%add3A_215, %iota3A], %broadcast_in_dim3A_1 {add = true} : memref<256x16xi32, #tpu.memory_space<vmem>>[vector<16xi32>, vector<16xi32>], vector<16xi32>,
        %scan3A_216 = arith.constant 0 : i32
        scf.yield %scan3A_216 : i32
      }
      %scan3A_103 = arith.constant 128 : i32
      %scan3A_104 = arith.constant 0 : i32
      scf.yield %scan3A_104 : i32
    }
    %scan3A_53 = arith.constant 31 : i32
    "tpu.region"() ({
      %run_scoped3A = tpu.sem_alloc : memref<!tpu.dma_semaphore, #tpu.memory_space<semaphore_mem>>
      %dma_start3A_54 = arith.constant 0 : i32
      %dma_start3A_55 = arith.constant 0 : i32
      %dma_start3A_56 = tpu.memref_slice %arg6[%dma_start3A_54, %add3A, %dma_start3A_55] : memref<256x32x16xi32, #tpu.memory_space<hbm>> -> memref<256x1x16xi32, #tpu.memory_space<hbm>>
      %dma_start3A_57 = tpu.memref_squeeze %dma_start3A_56 : memref<256x1x16xi32, #tpu.memory_space<hbm>> -> memref<256x16xi32, #tpu.memory_space<hbm>>
      %dma_start3A_58 = arith.constant 0 : i32
      %dma_start3A_59 = arith.constant 0 : i32
      %dma_start3A_60 = tpu.memref_slice %arg6[%dma_start3A_58, %add3A, %dma_start3A_59] : memref<256x32x16xi32, #tpu.memory_space<hbm>> -> memref<256x1x16xi32, #tpu.memory_space<hbm>>
      %dma_start3A_61 = tpu.memref_squeeze %dma_start3A_60 : memref<256x1x16xi32, #tpu.memory_space<hbm>> -> memref<256x16xi32, #tpu.memory_space<hbm>>
      tpu.enqueue_dma source(%arg11 : memref<256x16xi32, #tpu.memory_space<vmem>>) target(%dma_start3A_61 : memref<256x16xi32, #tpu.memory_space<hbm>>) target_semaphore(%run_scoped3A : memref<!tpu.dma_semaphore, #tpu.memory_space<semaphore_mem>>)
      %dma_wait3A = arith.constant 0 : i32
      %dma_wait3A_62 = arith.constant 0 : i32
      %dma_wait3A_63 = tpu.memref_slice %arg6[%dma_wait3A, %add3A, %dma_wait3A_62] : memref<256x32x16xi32, #tpu.memory_space<hbm>> -> memref<256x1x16xi32, #tpu.memory_space<hbm>>
      %dma_wait3A_64 = tpu.memref_squeeze %dma_wait3A_63 : memref<256x1x16xi32, #tpu.memory_space<hbm>> -> memref<256x16xi32, #tpu.memory_space<hbm>>
      %dma_wait3A_65 = arith.constant 0 : i32
      %dma_wait3A_66 = arith.constant 0 : i32
      %dma_wait3A_67 = tpu.memref_slice %arg6[%dma_wait3A_65, %add3A, %dma_wait3A_66] : memref<256x32x16xi32, #tpu.memory_space<hbm>> -> memref<256x1x16xi32, #tpu.memory_space<hbm>>
      %dma_wait3A_68 = tpu.memref_squeeze %dma_wait3A_67 : memref<256x1x16xi32, #tpu.memory_space<hbm>> -> memref<256x16xi32, #tpu.memory_space<hbm>>
      tpu.wait_dma2 semaphore(%run_scoped3A : memref<!tpu.dma_semaphore, #tpu.memory_space<semaphore_mem>>) src(%arg11 : memref<256x16xi32, #tpu.memory_space<vmem>>) dst(%dma_wait3A_68 : memref<256x16xi32, #tpu.memory_space<hbm>>)
      tpu.yield
    }) : () -> ()
    return
  }
}

#map = affine_map<(d0, d1) -> (0, 0)>
#map1 = affine_map<(d0, d1) -> (0)>
module attributes {stable_mosaic.version = 14 : i64} {
  func.func @_p2(%arg0: i32, %arg1: i32, %arg2: memref<2032640x16xf32, #tpu.memory_space<hbm>>, %arg3: memref<512xi32, #tpu.memory_space<hbm>>, %arg4: memref<16777216xf32, #tpu.memory_space<hbm>>, %arg5: memref<256x512xf32, #tpu.memory_space<hbm>>, %arg6: memref<66048xf32, #tpu.memory_space<vmem>>, %arg7: memref<2x1024x16xf32, #tpu.memory_space<vmem>>, %arg8: memref<512xi32, #tpu.memory_space<vmem>>, %arg9: memref<!tpu.dma_semaphore, #tpu.memory_space<semaphore_mem>>) attributes {dimension_semantics = [#tpu.dimension_semantics<core_parallel>, #tpu.dimension_semantics<subcore_parallel>], iteration_bounds = array<i64: 2, 16>, scalar_prefetch = 0 : i64, scratch_operands = 4 : i64, tpu.core_type = #tpu.core_type<sc_vector_subcore>, window_params = [{transform_indices = #map}, {transform_indices = #map1}, {transform_indices = #map1}, {transform_indices = #map}]} {
    %mul3A = arith.constant 16 : i32
    %mul3A_0 = arith.muli %arg0, %mul3A : i32
    %add3A = arith.addi %mul3A_0, %arg1 : i32
    %iota3A = tpu.iota {dimensions = array<i32: 0>} : vector<16xi32>
    "tpu.region"() ({
      %run_scoped3A = tpu.sem_alloc : memref<!tpu.dma_semaphore, #tpu.memory_space<semaphore_mem>>
      tpu.enqueue_dma source(%arg3 : memref<512xi32, #tpu.memory_space<hbm>>) target(%arg8 : memref<512xi32, #tpu.memory_space<vmem>>) target_semaphore(%run_scoped3A : memref<!tpu.dma_semaphore, #tpu.memory_space<semaphore_mem>>)
      tpu.wait_dma2 semaphore(%run_scoped3A : memref<!tpu.dma_semaphore, #tpu.memory_space<semaphore_mem>>) src(%arg3 : memref<512xi32, #tpu.memory_space<hbm>>) dst(%arg8 : memref<512xi32, #tpu.memory_space<vmem>>)
      tpu.yield
    }) : () -> ()
    %broadcast_in_dim3A = arith.constant 0.000000e+00 : f32
    %broadcast_in_dim3A_1 = vector.broadcast %broadcast_in_dim3A : f32 to vector<16xf32>
    %scan3A = arith.constant 0 : i32
    %scan3A_2 = arith.constant 0 : i32
    %scan3A_3 = arith.constant 8 : i32
    %scan3A_4 = arith.addi %scan3A_2, %scan3A_3 : i32
    %scan3A_5 = arith.constant 1 : i32
    %scan3A_6 = scf.for %scan3A_8 = %scan3A_2 to %scan3A_4 step %scan3A_5 iter_args(%scan3A_9 = %scan3A) -> (i32)  : i32 {
      %mul3A_10 = arith.constant 8 : i32
      %mul3A_11 = arith.muli %add3A, %mul3A_10 : i32
      %add3A_12 = arith.addi %mul3A_11, %scan3A_8 : i32
      %shift_right_arithmetic3A = arith.constant 2 : i32
      %shift_right_arithmetic3A_13 = arith.shrsi %add3A_12, %shift_right_arithmetic3A : i32
      %and3A = arith.constant 3 : i32
      %and3A_14 = arith.andi %add3A_12, %and3A : i32
      %scan3A_15 = arith.constant 0 : i32
      %scan3A_16 = arith.constant 0 : i32
      %scan3A_17 = arith.constant 1032 : i32
      %scan3A_18 = arith.addi %scan3A_16, %scan3A_17 : i32
      %scan3A_19 = arith.constant 1 : i32
      %scan3A_20 = scf.for %scan3A_102 = %scan3A_16 to %scan3A_18 step %scan3A_19 iter_args(%scan3A_103 = %scan3A_15) -> (i32)  : i32 {
        %mul3A_104 = arith.constant 64 : i32
        %mul3A_105 = arith.muli %scan3A_102, %mul3A_104 : i32
        %add3A_106 = arith.constant 0 : i32
        %add3A_107 = arith.addi %mul3A_105, %add3A_106 : i32
        %swap3A = arith.index_cast %add3A_107 : i32 to index
        %swap3A_108 = tpu.vector_load %arg6[%swap3A] {strides = array<i32>} : memref<66048xf32, #tpu.memory_space<vmem>>, vector<16xf32>,
        tpu.vector_store %arg6[%swap3A], %broadcast_in_dim3A_1 {strides = array<i32>} : memref<66048xf32, #tpu.memory_space<vmem>>, vector<16xf32>,
        %mul3A_109 = arith.constant 64 : i32
        %mul3A_110 = arith.muli %scan3A_102, %mul3A_109 : i32
        %add3A_111 = arith.constant 16 : i32
        %add3A_112 = arith.addi %mul3A_110, %add3A_111 : i32
        %swap3A_113 = arith.index_cast %add3A_112 : i32 to index
        %swap3A_114 = tpu.vector_load %arg6[%swap3A_113] {strides = array<i32>} : memref<66048xf32, #tpu.memory_space<vmem>>, vector<16xf32>,
        tpu.vector_store %arg6[%swap3A_113], %broadcast_in_dim3A_1 {strides = array<i32>} : memref<66048xf32, #tpu.memory_space<vmem>>, vector<16xf32>,
        %mul3A_115 = arith.constant 64 : i32
        %mul3A_116 = arith.muli %scan3A_102, %mul3A_115 : i32
        %add3A_117 = arith.constant 32 : i32
        %add3A_118 = arith.addi %mul3A_116, %add3A_117 : i32
        %swap3A_119 = arith.index_cast %add3A_118 : i32 to index
        %swap3A_120 = tpu.vector_load %arg6[%swap3A_119] {strides = array<i32>} : memref<66048xf32, #tpu.memory_space<vmem>>, vector<16xf32>,
        tpu.vector_store %arg6[%swap3A_119], %broadcast_in_dim3A_1 {strides = array<i32>} : memref<66048xf32, #tpu.memory_space<vmem>>, vector<16xf32>,
        %mul3A_121 = arith.constant 64 : i32
        %mul3A_122 = arith.muli %scan3A_102, %mul3A_121 : i32
        %add3A_123 = arith.constant 48 : i32
        %add3A_124 = arith.addi %mul3A_122, %add3A_123 : i32
        %swap3A_125 = arith.index_cast %add3A_124 : i32 to index
        %swap3A_126 = tpu.vector_load %arg6[%swap3A_125] {strides = array<i32>} : memref<66048xf32, #tpu.memory_space<vmem>>, vector<16xf32>,
        tpu.vector_store %arg6[%swap3A_125], %broadcast_in_dim3A_1 {strides = array<i32>} : memref<66048xf32, #tpu.memory_space<vmem>>, vector<16xf32>,
        %scan3A_127 = arith.constant 0 : i32
        scf.yield %scan3A_127 : i32
      }
      %scan3A_21 = arith.constant 1032 : i32
      %mul3A_22 = arith.constant 4 : i32
      %mul3A_23 = arith.muli %shift_right_arithmetic3A_13, %mul3A_22 : i32
      %add3A_24 = arith.addi %mul3A_23, %and3A_14 : i32
      %le3A = arith.constant 62 : i32
      %le3A_25 = arith.cmpi sle, %shift_right_arithmetic3A_13, %le3A : i32
      %jit3A = arith.constant 0 : i32
      %jit3A_26 = arith.constant 255 : i32
      %max3A = arith.maxsi %jit3A, %add3A_24 : i32
      %min3A = arith.minsi %jit3A_26, %max3A : i32
      %broadcast_in_dim3A_27 = vector.broadcast %min3A : i32 to vector<16xi32>
      %gather3A = tpu.vector_load_idx %arg8[%broadcast_in_dim3A_27] : memref<512xi32, #tpu.memory_space<vmem>>[vector<16xi32>], vector<16xi32>,
      %slice3A = vector.extract_strided_slice %gather3A {offsets = [0], sizes = [1], strides = [1]} : vector<16xi32> to vector<1xi32>
      %squeeze3A = vector.extract %slice3A[0] : i32 from vector<1xi32>
      %add3A_28 = arith.constant 256 : i32
      %add3A_29 = arith.addi %min3A, %add3A_28 : i32
      %broadcast_in_dim3A_30 = vector.broadcast %add3A_29 : i32 to vector<16xi32>
      %gather3A_31 = tpu.vector_load_idx %arg8[%broadcast_in_dim3A_30] : memref<512xi32, #tpu.memory_space<vmem>>[vector<16xi32>], vector<16xi32>,
      %slice3A_32 = vector.extract_strided_slice %gather3A_31 {offsets = [0], sizes = [1], strides = [1]} : vector<16xi32> to vector<1xi32>
      %squeeze3A_33 = vector.extract %slice3A_32[0] : i32 from vector<1xi32>
      %jit3A_34 = arith.constant 0 : i32
      %select_n3A = arith.select %le3A_25, %squeeze3A_33, %jit3A_34 : i32
      %add3A_35 = arith.constant 1023 : i32
      %add3A_36 = arith.addi %select_n3A, %add3A_35 : i32
      %shift_right_arithmetic3A_37 = arith.constant 10 : i32
      %shift_right_arithmetic3A_38 = arith.shrsi %add3A_36, %shift_right_arithmetic3A_37 : i32
      %gt3A = arith.constant 0 : i32
      %gt3A_39 = arith.cmpi sgt, %shift_right_arithmetic3A_38, %gt3A : i32
      %convert_element_type3A = arith.extui %gt3A_39 : i1 to i32
      %cond3A = arith.constant 0 : i32
      %cond3A_40 = arith.cmpi ne, %convert_element_type3A, %cond3A : i32
      scf.if %cond3A_40 {
        %dma_start3A = arith.constant 0 : i32
        %dma_start3A_102 = arith.constant 0 : i32
        %dma_start3A_103 = arith.constant 0 : i32
        %dma_start3A_104 = tpu.memref_slice %arg7[%dma_start3A, %dma_start3A_102, %dma_start3A_103] : memref<2x1024x16xf32, #tpu.memory_space<vmem>> -> memref<1x1024x16xf32, #tpu.memory_space<vmem>>
        %dma_start3A_105 = tpu.memref_squeeze %dma_start3A_104 : memref<1x1024x16xf32, #tpu.memory_space<vmem>> -> memref<1024x16xf32, #tpu.memory_space<vmem>>
        %dma_start3A_106 = arith.constant 0 : i32
        %dma_start3A_107 = tpu.memref_slice %arg2[%squeeze3A, %dma_start3A_106] : memref<2032640x16xf32, #tpu.memory_space<hbm>> -> memref<1024x16xf32, #tpu.memory_space<hbm>>
        %dma_start3A_108 = arith.constant 0 : i32
        %dma_start3A_109 = arith.constant 0 : i32
        %dma_start3A_110 = tpu.memref_slice %arg7[%dma_start3A, %dma_start3A_108, %dma_start3A_109] : memref<2x1024x16xf32, #tpu.memory_space<vmem>> -> memref<1x1024x16xf32, #tpu.memory_space<vmem>>
        %dma_start3A_111 = tpu.memref_squeeze %dma_start3A_110 : memref<1x1024x16xf32, #tpu.memory_space<vmem>> -> memref<1024x16xf32, #tpu.memory_space<vmem>>
        %dma_start3A_112 = arith.constant 0 : i32
        %dma_start3A_113 = tpu.memref_slice %arg2[%squeeze3A, %dma_start3A_112] : memref<2032640x16xf32, #tpu.memory_space<hbm>> -> memref<1024x16xf32, #tpu.memory_space<hbm>>
        tpu.enqueue_dma source(%dma_start3A_113 : memref<1024x16xf32, #tpu.memory_space<hbm>>) target(%dma_start3A_111 : memref<1024x16xf32, #tpu.memory_space<vmem>>) target_semaphore(%arg9 : memref<!tpu.dma_semaphore, #tpu.memory_space<semaphore_mem>>)
      } else {
      }
      %while3A = arith.constant 0 : i32
      %while3A_41 = arith.constant 0 : i32
      %while3A_42 = arith.subi %shift_right_arithmetic3A_38, %while3A : i32
      %while3A_43 = arith.addi %while3A, %while3A_42 : i32
      %while3A_44 = arith.constant 1 : i32
      %while3A_45 = arith.divsi %while3A_42, %while3A_44 : i32
      %while3A_46 = arith.muli %while3A_45, %while3A_44 : i32
      %while3A_47 = arith.addi %while3A, %while3A_46 : i32
      %while3A_48 = arith.constant 1 : i32
      %while3A_49 = scf.for %while3A_102 = %while3A to %while3A_47 step %while3A_48 iter_args(%while3A_103 = %while3A_41) -> (i32)  : i32 {
        %and3A_104 = arith.constant 1 : i32
        %and3A_105 = arith.andi %while3A_102, %and3A_104 : i32
        %mul3A_106 = arith.constant 1024 : i32
        %mul3A_107 = arith.muli %while3A_102, %mul3A_106 : i32
        %add3A_108 = arith.addi %squeeze3A, %mul3A_107 : i32
        %dma_wait3A = arith.constant 0 : i32
        %dma_wait3A_109 = arith.constant 0 : i32
        %dma_wait3A_110 = tpu.memref_slice %arg7[%and3A_105, %dma_wait3A, %dma_wait3A_109] : memref<2x1024x16xf32, #tpu.memory_space<vmem>> -> memref<1x1024x16xf32, #tpu.memory_space<vmem>>
        %dma_wait3A_111 = tpu.memref_squeeze %dma_wait3A_110 : memref<1x1024x16xf32, #tpu.memory_space<vmem>> -> memref<1024x16xf32, #tpu.memory_space<vmem>>
        %dma_wait3A_112 = arith.constant 0 : i32
        %dma_wait3A_113 = tpu.memref_slice %arg2[%add3A_108, %dma_wait3A_112] : memref<2032640x16xf32, #tpu.memory_space<hbm>> -> memref<1024x16xf32, #tpu.memory_space<hbm>>
        %dma_wait3A_114 = arith.constant 0 : i32
        %dma_wait3A_115 = arith.constant 0 : i32
        %dma_wait3A_116 = tpu.memref_slice %arg7[%and3A_105, %dma_wait3A_114, %dma_wait3A_115] : memref<2x1024x16xf32, #tpu.memory_space<vmem>> -> memref<1x1024x16xf32, #tpu.memory_space<vmem>>
        %dma_wait3A_117 = tpu.memref_squeeze %dma_wait3A_116 : memref<1x1024x16xf32, #tpu.memory_space<vmem>> -> memref<1024x16xf32, #tpu.memory_space<vmem>>
        %dma_wait3A_118 = arith.constant 0 : i32
        %dma_wait3A_119 = tpu.memref_slice %arg2[%add3A_108, %dma_wait3A_118] : memref<2032640x16xf32, #tpu.memory_space<hbm>> -> memref<1024x16xf32, #tpu.memory_space<hbm>>
        tpu.wait_dma2 semaphore(%arg9 : memref<!tpu.dma_semaphore, #tpu.memory_space<semaphore_mem>>) src(%dma_wait3A_119 : memref<1024x16xf32, #tpu.memory_space<hbm>>) dst(%dma_wait3A_117 : memref<1024x16xf32, #tpu.memory_space<vmem>>)
        %add3A_120 = arith.constant 1 : i32
        %add3A_121 = arith.addi %while3A_102, %add3A_120 : i32
        %lt3A = arith.cmpi slt, %add3A_121, %shift_right_arithmetic3A_38 : i32
        %convert_element_type3A_122 = arith.extui %lt3A : i1 to i32
        %cond3A_123 = arith.constant 0 : i32
        %cond3A_124 = arith.cmpi ne, %convert_element_type3A_122, %cond3A_123 : i32
        scf.if %cond3A_124 {
          %add3A_136 = arith.constant 1 : i32
          %add3A_137 = arith.addi %while3A_102, %add3A_136 : i32
          %mul3A_138 = arith.constant 1024 : i32
          %mul3A_139 = arith.muli %add3A_137, %mul3A_138 : i32
          %add3A_140 = arith.addi %squeeze3A, %mul3A_139 : i32
          %sub3A_141 = arith.constant 1 : i32
          %sub3A_142 = arith.subi %sub3A_141, %and3A_105 : i32
          %dma_start3A = arith.constant 0 : i32
          %dma_start3A_143 = arith.constant 0 : i32
          %dma_start3A_144 = tpu.memref_slice %arg7[%sub3A_142, %dma_start3A, %dma_start3A_143] : memref<2x1024x16xf32, #tpu.memory_space<vmem>> -> memref<1x1024x16xf32, #tpu.memory_space<vmem>>
          %dma_start3A_145 = tpu.memref_squeeze %dma_start3A_144 : memref<1x1024x16xf32, #tpu.memory_space<vmem>> -> memref<1024x16xf32, #tpu.memory_space<vmem>>
          %dma_start3A_146 = arith.constant 0 : i32
          %dma_start3A_147 = tpu.memref_slice %arg2[%add3A_140, %dma_start3A_146] : memref<2032640x16xf32, #tpu.memory_space<hbm>> -> memref<1024x16xf32, #tpu.memory_space<hbm>>
          %dma_start3A_148 = arith.constant 0 : i32
          %dma_start3A_149 = arith.constant 0 : i32
          %dma_start3A_150 = tpu.memref_slice %arg7[%sub3A_142, %dma_start3A_148, %dma_start3A_149] : memref<2x1024x16xf32, #tpu.memory_space<vmem>> -> memref<1x1024x16xf32, #tpu.memory_space<vmem>>
          %dma_start3A_151 = tpu.memref_squeeze %dma_start3A_150 : memref<1x1024x16xf32, #tpu.memory_space<vmem>> -> memref<1024x16xf32, #tpu.memory_space<vmem>>
          %dma_start3A_152 = arith.constant 0 : i32
          %dma_start3A_153 = tpu.memref_slice %arg2[%add3A_140, %dma_start3A_152] : memref<2032640x16xf32, #tpu.memory_space<hbm>> -> memref<1024x16xf32, #tpu.memory_space<hbm>>
          tpu.enqueue_dma source(%dma_start3A_153 : memref<1024x16xf32, #tpu.memory_space<hbm>>) target(%dma_start3A_151 : memref<1024x16xf32, #tpu.memory_space<vmem>>) target_semaphore(%arg9 : memref<!tpu.dma_semaphore, #tpu.memory_space<semaphore_mem>>)
        } else {
        }
        %mul3A_125 = arith.constant 1024 : i32
        %mul3A_126 = arith.muli %while3A_102, %mul3A_125 : i32
        %sub3A_127 = arith.subi %select_n3A, %mul3A_126 : i32
        %scan3A_128 = arith.constant 0 : i32
        %scan3A_129 = arith.constant 0 : i32
        %scan3A_130 = arith.constant 64 : i32
        %scan3A_131 = arith.addi %scan3A_129, %scan3A_130 : i32
        %scan3A_132 = arith.constant 1 : i32
        %scan3A_133 = scf.for %scan3A_136 = %scan3A_129 to %scan3A_131 step %scan3A_132 iter_args(%scan3A_137 = %scan3A_128) -> (i32)  : i32 {
          %mul3A_138 = arith.constant 16 : i32
          %mul3A_139 = arith.muli %scan3A_136, %mul3A_138 : i32
          %broadcast_in_dim3A_140 = vector.broadcast %mul3A_139 : i32 to vector<16xi32>
          %add3A_141 = arith.addi %broadcast_in_dim3A_140, %iota3A : vector<16xi32>
          %broadcast_in_dim3A_142 = vector.broadcast %and3A_105 : i32 to vector<16xi32>
          %broadcast_in_dim3A_143 = arith.constant 0 : i32
          %broadcast_in_dim3A_144 = vector.broadcast %broadcast_in_dim3A_143 : i32 to vector<16xi32>
          %gather3A_145 = tpu.vector_load_idx %arg7[%broadcast_in_dim3A_142, %add3A_141, %broadcast_in_dim3A_144] : memref<2x1024x16xf32, #tpu.memory_space<vmem>>[vector<16xi32>, vector<16xi32>, vector<16xi32>], vector<16xf32>,
          %bitcast3A = vector.bitcast %gather3A_145 : vector<16xf32> to vector<16xi32>
          %broadcast_in_dim3A_146 = vector.broadcast %and3A_105 : i32 to vector<16xi32>
          %broadcast_in_dim3A_147 = arith.constant 1 : i32
          %broadcast_in_dim3A_148 = vector.broadcast %broadcast_in_dim3A_147 : i32 to vector<16xi32>
          %gather3A_149 = tpu.vector_load_idx %arg7[%broadcast_in_dim3A_146, %add3A_141, %broadcast_in_dim3A_148] : memref<2x1024x16xf32, #tpu.memory_space<vmem>>[vector<16xi32>, vector<16xi32>, vector<16xi32>], vector<16xf32>,
          %broadcast_in_dim3A_150 = vector.broadcast %and3A_105 : i32 to vector<16xi32>
          %broadcast_in_dim3A_151 = arith.constant 2 : i32
          %broadcast_in_dim3A_152 = vector.broadcast %broadcast_in_dim3A_151 : i32 to vector<16xi32>
          %gather3A_153 = tpu.vector_load_idx %arg7[%broadcast_in_dim3A_150, %add3A_141, %broadcast_in_dim3A_152] : memref<2x1024x16xf32, #tpu.memory_space<vmem>>[vector<16xi32>, vector<16xi32>, vector<16xi32>], vector<16xf32>,
          %broadcast_in_dim3A_154 = vector.broadcast %and3A_105 : i32 to vector<16xi32>
          %broadcast_in_dim3A_155 = arith.constant 3 : i32
          %broadcast_in_dim3A_156 = vector.broadcast %broadcast_in_dim3A_155 : i32 to vector<16xi32>
          %gather3A_157 = tpu.vector_load_idx %arg7[%broadcast_in_dim3A_154, %add3A_141, %broadcast_in_dim3A_156] : memref<2x1024x16xf32, #tpu.memory_space<vmem>>[vector<16xi32>, vector<16xi32>, vector<16xi32>], vector<16xf32>,
          %lt3A_158 = vector.broadcast %sub3A_127 : i32 to vector<16xi32>
          %lt3A_159 = arith.cmpi slt, %add3A_141, %lt3A_158 : vector<16xi32>
          %sub3A_160 = arith.constant 1.000000e+00 : f32
          %sub3A_161 = vector.broadcast %sub3A_160 : f32 to vector<16xf32>
          %sub3A_162 = arith.subf %sub3A_161, %gather3A_153 : vector<16xf32>
          %mul3A_163 = arith.mulf %gather3A_157, %sub3A_162 : vector<16xf32>
          %mul3A_164 = arith.mulf %gather3A_157, %gather3A_153 : vector<16xf32>
          %sub3A_165 = arith.constant 1.000000e+00 : f32
          %sub3A_166 = vector.broadcast %sub3A_165 : f32 to vector<16xf32>
          %sub3A_167 = arith.subf %sub3A_166, %gather3A_149 : vector<16xf32>
          %mul3A_168 = arith.mulf %mul3A_163, %sub3A_167 : vector<16xf32>
          tpu.vector_store_idx %arg6[%bitcast3A], %mul3A_168 masked %lt3A_159 {add = true} : memref<66048xf32, #tpu.memory_space<vmem>>[vector<16xi32>], vector<16xf32>, vector<16xi1>
          %add3A_169 = arith.constant 1 : i32
          %add3A_170 = vector.broadcast %add3A_169 : i32 to vector<16xi32>
          %add3A_171 = arith.addi %bitcast3A, %add3A_170 : vector<16xi32>
          %mul3A_172 = arith.mulf %mul3A_163, %gather3A_149 : vector<16xf32>
          tpu.vector_store_idx %arg6[%add3A_171], %mul3A_172 masked %lt3A_159 {add = true} : memref<66048xf32, #tpu.memory_space<vmem>>[vector<16xi32>], vector<16xf32>, vector<16xi1>
          %add3A_173 = arith.constant 512 : i32
          %add3A_174 = vector.broadcast %add3A_173 : i32 to vector<16xi32>
          %add3A_175 = arith.addi %bitcast3A, %add3A_174 : vector<16xi32>
          %sub3A_176 = arith.constant 1.000000e+00 : f32
          %sub3A_177 = vector.broadcast %sub3A_176 : f32 to vector<16xf32>
          %sub3A_178 = arith.subf %sub3A_177, %gather3A_149 : vector<16xf32>
          %mul3A_179 = arith.mulf %mul3A_164, %sub3A_178 : vector<16xf32>
          tpu.vector_store_idx %arg6[%add3A_175], %mul3A_179 masked %lt3A_159 {add = true} : memref<66048xf32, #tpu.memory_space<vmem>>[vector<16xi32>], vector<16xf32>, vector<16xi1>
          %add3A_180 = arith.constant 512 : i32
          %add3A_181 = vector.broadcast %add3A_180 : i32 to vector<16xi32>
          %add3A_182 = arith.addi %bitcast3A, %add3A_181 : vector<16xi32>
          %add3A_183 = arith.constant 1 : i32
          %add3A_184 = vector.broadcast %add3A_183 : i32 to vector<16xi32>
          %add3A_185 = arith.addi %add3A_182, %add3A_184 : vector<16xi32>
          %mul3A_186 = arith.mulf %mul3A_164, %gather3A_149 : vector<16xf32>
          tpu.vector_store_idx %arg6[%add3A_185], %mul3A_186 masked %lt3A_159 {add = true} : memref<66048xf32, #tpu.memory_space<vmem>>[vector<16xi32>], vector<16xf32>, vector<16xi1>
          %scan3A_187 = arith.constant 0 : i32
          scf.yield %scan3A_187 : i32
        }
        %scan3A_134 = arith.constant 64 : i32
        %while3A_135 = arith.constant 0 : i32
        scf.yield %while3A_135 : i32
      }
      %while3A_50 = arith.constant 1 : i32
      %while3A_51 = scf.for %while3A_102 = %while3A_47 to %while3A_43 step %while3A_50 iter_args(%while3A_103 = %while3A_49) -> (i32)  : i32 {
        %and3A_104 = arith.constant 1 : i32
        %and3A_105 = arith.andi %while3A_102, %and3A_104 : i32
        %mul3A_106 = arith.constant 1024 : i32
        %mul3A_107 = arith.muli %while3A_102, %mul3A_106 : i32
        %add3A_108 = arith.addi %squeeze3A, %mul3A_107 : i32
        %dma_wait3A = arith.constant 0 : i32
        %dma_wait3A_109 = arith.constant 0 : i32
        %dma_wait3A_110 = tpu.memref_slice %arg7[%and3A_105, %dma_wait3A, %dma_wait3A_109] : memref<2x1024x16xf32, #tpu.memory_space<vmem>> -> memref<1x1024x16xf32, #tpu.memory_space<vmem>>
        %dma_wait3A_111 = tpu.memref_squeeze %dma_wait3A_110 : memref<1x1024x16xf32, #tpu.memory_space<vmem>> -> memref<1024x16xf32, #tpu.memory_space<vmem>>
        %dma_wait3A_112 = arith.constant 0 : i32
        %dma_wait3A_113 = tpu.memref_slice %arg2[%add3A_108, %dma_wait3A_112] : memref<2032640x16xf32, #tpu.memory_space<hbm>> -> memref<1024x16xf32, #tpu.memory_space<hbm>>
        %dma_wait3A_114 = arith.constant 0 : i32
        %dma_wait3A_115 = arith.constant 0 : i32
        %dma_wait3A_116 = tpu.memref_slice %arg7[%and3A_105, %dma_wait3A_114, %dma_wait3A_115] : memref<2x1024x16xf32, #tpu.memory_space<vmem>> -> memref<1x1024x16xf32, #tpu.memory_space<vmem>>
        %dma_wait3A_117 = tpu.memref_squeeze %dma_wait3A_116 : memref<1x1024x16xf32, #tpu.memory_space<vmem>> -> memref<1024x16xf32, #tpu.memory_space<vmem>>
        %dma_wait3A_118 = arith.constant 0 : i32
        %dma_wait3A_119 = tpu.memref_slice %arg2[%add3A_108, %dma_wait3A_118] : memref<2032640x16xf32, #tpu.memory_space<hbm>> -> memref<1024x16xf32, #tpu.memory_space<hbm>>
        tpu.wait_dma2 semaphore(%arg9 : memref<!tpu.dma_semaphore, #tpu.memory_space<semaphore_mem>>) src(%dma_wait3A_119 : memref<1024x16xf32, #tpu.memory_space<hbm>>) dst(%dma_wait3A_117 : memref<1024x16xf32, #tpu.memory_space<vmem>>)
        %add3A_120 = arith.constant 1 : i32
        %add3A_121 = arith.addi %while3A_102, %add3A_120 : i32
        %lt3A = arith.cmpi slt, %add3A_121, %shift_right_arithmetic3A_38 : i32
        %convert_element_type3A_122 = arith.extui %lt3A : i1 to i32
        %cond3A_123 = arith.constant 0 : i32
        %cond3A_124 = arith.cmpi ne, %convert_element_type3A_122, %cond3A_123 : i32
        scf.if %cond3A_124 {
          %add3A_136 = arith.constant 1 : i32
          %add3A_137 = arith.addi %while3A_102, %add3A_136 : i32
          %mul3A_138 = arith.constant 1024 : i32
          %mul3A_139 = arith.muli %add3A_137, %mul3A_138 : i32
          %add3A_140 = arith.addi %squeeze3A, %mul3A_139 : i32
          %sub3A_141 = arith.constant 1 : i32
          %sub3A_142 = arith.subi %sub3A_141, %and3A_105 : i32
          %dma_start3A = arith.constant 0 : i32
          %dma_start3A_143 = arith.constant 0 : i32
          %dma_start3A_144 = tpu.memref_slice %arg7[%sub3A_142, %dma_start3A, %dma_start3A_143] : memref<2x1024x16xf32, #tpu.memory_space<vmem>> -> memref<1x1024x16xf32, #tpu.memory_space<vmem>>
          %dma_start3A_145 = tpu.memref_squeeze %dma_start3A_144 : memref<1x1024x16xf32, #tpu.memory_space<vmem>> -> memref<1024x16xf32, #tpu.memory_space<vmem>>
          %dma_start3A_146 = arith.constant 0 : i32
          %dma_start3A_147 = tpu.memref_slice %arg2[%add3A_140, %dma_start3A_146] : memref<2032640x16xf32, #tpu.memory_space<hbm>> -> memref<1024x16xf32, #tpu.memory_space<hbm>>
          %dma_start3A_148 = arith.constant 0 : i32
          %dma_start3A_149 = arith.constant 0 : i32
          %dma_start3A_150 = tpu.memref_slice %arg7[%sub3A_142, %dma_start3A_148, %dma_start3A_149] : memref<2x1024x16xf32, #tpu.memory_space<vmem>> -> memref<1x1024x16xf32, #tpu.memory_space<vmem>>
          %dma_start3A_151 = tpu.memref_squeeze %dma_start3A_150 : memref<1x1024x16xf32, #tpu.memory_space<vmem>> -> memref<1024x16xf32, #tpu.memory_space<vmem>>
          %dma_start3A_152 = arith.constant 0 : i32
          %dma_start3A_153 = tpu.memref_slice %arg2[%add3A_140, %dma_start3A_152] : memref<2032640x16xf32, #tpu.memory_space<hbm>> -> memref<1024x16xf32, #tpu.memory_space<hbm>>
          tpu.enqueue_dma source(%dma_start3A_153 : memref<1024x16xf32, #tpu.memory_space<hbm>>) target(%dma_start3A_151 : memref<1024x16xf32, #tpu.memory_space<vmem>>) target_semaphore(%arg9 : memref<!tpu.dma_semaphore, #tpu.memory_space<semaphore_mem>>)
        } else {
        }
        %mul3A_125 = arith.constant 1024 : i32
        %mul3A_126 = arith.muli %while3A_102, %mul3A_125 : i32
        %sub3A_127 = arith.subi %select_n3A, %mul3A_126 : i32
        %scan3A_128 = arith.constant 0 : i32
        %scan3A_129 = arith.constant 0 : i32
        %scan3A_130 = arith.constant 64 : i32
        %scan3A_131 = arith.addi %scan3A_129, %scan3A_130 : i32
        %scan3A_132 = arith.constant 1 : i32
        %scan3A_133 = scf.for %scan3A_136 = %scan3A_129 to %scan3A_131 step %scan3A_132 iter_args(%scan3A_137 = %scan3A_128) -> (i32)  : i32 {
          %mul3A_138 = arith.constant 16 : i32
          %mul3A_139 = arith.muli %scan3A_136, %mul3A_138 : i32
          %broadcast_in_dim3A_140 = vector.broadcast %mul3A_139 : i32 to vector<16xi32>
          %add3A_141 = arith.addi %broadcast_in_dim3A_140, %iota3A : vector<16xi32>
          %broadcast_in_dim3A_142 = vector.broadcast %and3A_105 : i32 to vector<16xi32>
          %broadcast_in_dim3A_143 = arith.constant 0 : i32
          %broadcast_in_dim3A_144 = vector.broadcast %broadcast_in_dim3A_143 : i32 to vector<16xi32>
          %gather3A_145 = tpu.vector_load_idx %arg7[%broadcast_in_dim3A_142, %add3A_141, %broadcast_in_dim3A_144] : memref<2x1024x16xf32, #tpu.memory_space<vmem>>[vector<16xi32>, vector<16xi32>, vector<16xi32>], vector<16xf32>,
          %bitcast3A = vector.bitcast %gather3A_145 : vector<16xf32> to vector<16xi32>
          %broadcast_in_dim3A_146 = vector.broadcast %and3A_105 : i32 to vector<16xi32>
          %broadcast_in_dim3A_147 = arith.constant 1 : i32
          %broadcast_in_dim3A_148 = vector.broadcast %broadcast_in_dim3A_147 : i32 to vector<16xi32>
          %gather3A_149 = tpu.vector_load_idx %arg7[%broadcast_in_dim3A_146, %add3A_141, %broadcast_in_dim3A_148] : memref<2x1024x16xf32, #tpu.memory_space<vmem>>[vector<16xi32>, vector<16xi32>, vector<16xi32>], vector<16xf32>,
          %broadcast_in_dim3A_150 = vector.broadcast %and3A_105 : i32 to vector<16xi32>
          %broadcast_in_dim3A_151 = arith.constant 2 : i32
          %broadcast_in_dim3A_152 = vector.broadcast %broadcast_in_dim3A_151 : i32 to vector<16xi32>
          %gather3A_153 = tpu.vector_load_idx %arg7[%broadcast_in_dim3A_150, %add3A_141, %broadcast_in_dim3A_152] : memref<2x1024x16xf32, #tpu.memory_space<vmem>>[vector<16xi32>, vector<16xi32>, vector<16xi32>], vector<16xf32>,
          %broadcast_in_dim3A_154 = vector.broadcast %and3A_105 : i32 to vector<16xi32>
          %broadcast_in_dim3A_155 = arith.constant 3 : i32
          %broadcast_in_dim3A_156 = vector.broadcast %broadcast_in_dim3A_155 : i32 to vector<16xi32>
          %gather3A_157 = tpu.vector_load_idx %arg7[%broadcast_in_dim3A_154, %add3A_141, %broadcast_in_dim3A_156] : memref<2x1024x16xf32, #tpu.memory_space<vmem>>[vector<16xi32>, vector<16xi32>, vector<16xi32>], vector<16xf32>,
          %lt3A_158 = vector.broadcast %sub3A_127 : i32 to vector<16xi32>
          %lt3A_159 = arith.cmpi slt, %add3A_141, %lt3A_158 : vector<16xi32>
          %sub3A_160 = arith.constant 1.000000e+00 : f32
          %sub3A_161 = vector.broadcast %sub3A_160 : f32 to vector<16xf32>
          %sub3A_162 = arith.subf %sub3A_161, %gather3A_153 : vector<16xf32>
          %mul3A_163 = arith.mulf %gather3A_157, %sub3A_162 : vector<16xf32>
          %mul3A_164 = arith.mulf %gather3A_157, %gather3A_153 : vector<16xf32>
          %sub3A_165 = arith.constant 1.000000e+00 : f32
          %sub3A_166 = vector.broadcast %sub3A_165 : f32 to vector<16xf32>
          %sub3A_167 = arith.subf %sub3A_166, %gather3A_149 : vector<16xf32>
          %mul3A_168 = arith.mulf %mul3A_163, %sub3A_167 : vector<16xf32>
          tpu.vector_store_idx %arg6[%bitcast3A], %mul3A_168 masked %lt3A_159 {add = true} : memref<66048xf32, #tpu.memory_space<vmem>>[vector<16xi32>], vector<16xf32>, vector<16xi1>
          %add3A_169 = arith.constant 1 : i32
          %add3A_170 = vector.broadcast %add3A_169 : i32 to vector<16xi32>
          %add3A_171 = arith.addi %bitcast3A, %add3A_170 : vector<16xi32>
          %mul3A_172 = arith.mulf %mul3A_163, %gather3A_149 : vector<16xf32>
          tpu.vector_store_idx %arg6[%add3A_171], %mul3A_172 masked %lt3A_159 {add = true} : memref<66048xf32, #tpu.memory_space<vmem>>[vector<16xi32>], vector<16xf32>, vector<16xi1>
          %add3A_173 = arith.constant 512 : i32
          %add3A_174 = vector.broadcast %add3A_173 : i32 to vector<16xi32>
          %add3A_175 = arith.addi %bitcast3A, %add3A_174 : vector<16xi32>
          %sub3A_176 = arith.constant 1.000000e+00 : f32
          %sub3A_177 = vector.broadcast %sub3A_176 : f32 to vector<16xf32>
          %sub3A_178 = arith.subf %sub3A_177, %gather3A_149 : vector<16xf32>
          %mul3A_179 = arith.mulf %mul3A_164, %sub3A_178 : vector<16xf32>
          tpu.vector_store_idx %arg6[%add3A_175], %mul3A_179 masked %lt3A_159 {add = true} : memref<66048xf32, #tpu.memory_space<vmem>>[vector<16xi32>], vector<16xf32>, vector<16xi1>
          %add3A_180 = arith.constant 512 : i32
          %add3A_181 = vector.broadcast %add3A_180 : i32 to vector<16xi32>
          %add3A_182 = arith.addi %bitcast3A, %add3A_181 : vector<16xi32>
          %add3A_183 = arith.constant 1 : i32
          %add3A_184 = vector.broadcast %add3A_183 : i32 to vector<16xi32>
          %add3A_185 = arith.addi %add3A_182, %add3A_184 : vector<16xi32>
          %mul3A_186 = arith.mulf %mul3A_164, %gather3A_149 : vector<16xf32>
          tpu.vector_store_idx %arg6[%add3A_185], %mul3A_186 masked %lt3A_159 {add = true} : memref<66048xf32, #tpu.memory_space<vmem>>[vector<16xi32>], vector<16xf32>, vector<16xi1>
          %scan3A_187 = arith.constant 0 : i32
          scf.yield %scan3A_187 : i32
        }
        %scan3A_134 = arith.constant 64 : i32
        %while3A_135 = arith.constant 0 : i32
        scf.yield %while3A_135 : i32
      }
      %sub3A = arith.constant 1 : i32
      %sub3A_52 = arith.subi %shift_right_arithmetic3A_13, %sub3A : i32
      %mul3A_53 = arith.constant 4 : i32
      %mul3A_54 = arith.muli %sub3A_52, %mul3A_53 : i32
      %add3A_55 = arith.addi %mul3A_54, %and3A_14 : i32
      %ge3A = arith.constant 1 : i32
      %ge3A_56 = arith.cmpi sge, %shift_right_arithmetic3A_13, %ge3A : i32
      %jit3A_57 = arith.constant 0 : i32
      %jit3A_58 = arith.constant 255 : i32
      %max3A_59 = arith.maxsi %jit3A_57, %add3A_55 : i32
      %min3A_60 = arith.minsi %jit3A_58, %max3A_59 : i32
      %broadcast_in_dim3A_61 = vector.broadcast %min3A_60 : i32 to vector<16xi32>
      %gather3A_62 = tpu.vector_load_idx %arg8[%broadcast_in_dim3A_61] : memref<512xi32, #tpu.memory_space<vmem>>[vector<16xi32>], vector<16xi32>,
      %slice3A_63 = vector.extract_strided_slice %gather3A_62 {offsets = [0], sizes = [1], strides = [1]} : vector<16xi32> to vector<1xi32>
      %squeeze3A_64 = vector.extract %slice3A_63[0] : i32 from vector<1xi32>
      %add3A_65 = arith.constant 256 : i32
      %add3A_66 = arith.addi %min3A_60, %add3A_65 : i32
      %broadcast_in_dim3A_67 = vector.broadcast %add3A_66 : i32 to vector<16xi32>
      %gather3A_68 = tpu.vector_load_idx %arg8[%broadcast_in_dim3A_67] : memref<512xi32, #tpu.memory_space<vmem>>[vector<16xi32>], vector<16xi32>,
      %slice3A_69 = vector.extract_strided_slice %gather3A_68 {offsets = [0], sizes = [1], strides = [1]} : vector<16xi32> to vector<1xi32>
      %squeeze3A_70 = vector.extract %slice3A_69[0] : i32 from vector<1xi32>
      %jit3A_71 = arith.constant 0 : i32
      %select_n3A_72 = arith.select %ge3A_56, %squeeze3A_70, %jit3A_71 : i32
      %add3A_73 = arith.constant 1023 : i32
      %add3A_74 = arith.addi %select_n3A_72, %add3A_73 : i32
      %shift_right_arithmetic3A_75 = arith.constant 10 : i32
      %shift_right_arithmetic3A_76 = arith.shrsi %add3A_74, %shift_right_arithmetic3A_75 : i32
      %gt3A_77 = arith.constant 0 : i32
      %gt3A_78 = arith.cmpi sgt, %shift_right_arithmetic3A_76, %gt3A_77 : i32
      %convert_element_type3A_79 = arith.extui %gt3A_78 : i1 to i32
      %cond3A_80 = arith.constant 0 : i32
      %cond3A_81 = arith.cmpi ne, %convert_element_type3A_79, %cond3A_80 : i32
      scf.if %cond3A_81 {
        %dma_start3A = arith.constant 0 : i32
        %dma_start3A_102 = arith.constant 0 : i32
        %dma_start3A_103 = arith.constant 0 : i32
        %dma_start3A_104 = tpu.memref_slice %arg7[%dma_start3A, %dma_start3A_102, %dma_start3A_103] : memref<2x1024x16xf32, #tpu.memory_space<vmem>> -> memref<1x1024x16xf32, #tpu.memory_space<vmem>>
        %dma_start3A_105 = tpu.memref_squeeze %dma_start3A_104 : memref<1x1024x16xf32, #tpu.memory_space<vmem>> -> memref<1024x16xf32, #tpu.memory_space<vmem>>
        %dma_start3A_106 = arith.constant 0 : i32
        %dma_start3A_107 = tpu.memref_slice %arg2[%squeeze3A_64, %dma_start3A_106] : memref<2032640x16xf32, #tpu.memory_space<hbm>> -> memref<1024x16xf32, #tpu.memory_space<hbm>>
        %dma_start3A_108 = arith.constant 0 : i32
        %dma_start3A_109 = arith.constant 0 : i32
        %dma_start3A_110 = tpu.memref_slice %arg7[%dma_start3A, %dma_start3A_108, %dma_start3A_109] : memref<2x1024x16xf32, #tpu.memory_space<vmem>> -> memref<1x1024x16xf32, #tpu.memory_space<vmem>>
        %dma_start3A_111 = tpu.memref_squeeze %dma_start3A_110 : memref<1x1024x16xf32, #tpu.memory_space<vmem>> -> memref<1024x16xf32, #tpu.memory_space<vmem>>
        %dma_start3A_112 = arith.constant 0 : i32
        %dma_start3A_113 = tpu.memref_slice %arg2[%squeeze3A_64, %dma_start3A_112] : memref<2032640x16xf32, #tpu.memory_space<hbm>> -> memref<1024x16xf32, #tpu.memory_space<hbm>>
        tpu.enqueue_dma source(%dma_start3A_113 : memref<1024x16xf32, #tpu.memory_space<hbm>>) target(%dma_start3A_111 : memref<1024x16xf32, #tpu.memory_space<vmem>>) target_semaphore(%arg9 : memref<!tpu.dma_semaphore, #tpu.memory_space<semaphore_mem>>)
      } else {
      }
      %while3A_82 = arith.constant 0 : i32
      %while3A_83 = arith.constant 0 : i32
      %while3A_84 = arith.subi %shift_right_arithmetic3A_76, %while3A_82 : i32
      %while3A_85 = arith.addi %while3A_82, %while3A_84 : i32
      %while3A_86 = arith.constant 1 : i32
      %while3A_87 = arith.divsi %while3A_84, %while3A_86 : i32
      %while3A_88 = arith.muli %while3A_87, %while3A_86 : i32
      %while3A_89 = arith.addi %while3A_82, %while3A_88 : i32
      %while3A_90 = arith.constant 1 : i32
      %while3A_91 = scf.for %while3A_102 = %while3A_82 to %while3A_89 step %while3A_90 iter_args(%while3A_103 = %while3A_83) -> (i32)  : i32 {
        %and3A_104 = arith.constant 1 : i32
        %and3A_105 = arith.andi %while3A_102, %and3A_104 : i32
        %mul3A_106 = arith.constant 1024 : i32
        %mul3A_107 = arith.muli %while3A_102, %mul3A_106 : i32
        %add3A_108 = arith.addi %squeeze3A_64, %mul3A_107 : i32
        %dma_wait3A = arith.constant 0 : i32
        %dma_wait3A_109 = arith.constant 0 : i32
        %dma_wait3A_110 = tpu.memref_slice %arg7[%and3A_105, %dma_wait3A, %dma_wait3A_109] : memref<2x1024x16xf32, #tpu.memory_space<vmem>> -> memref<1x1024x16xf32, #tpu.memory_space<vmem>>
        %dma_wait3A_111 = tpu.memref_squeeze %dma_wait3A_110 : memref<1x1024x16xf32, #tpu.memory_space<vmem>> -> memref<1024x16xf32, #tpu.memory_space<vmem>>
        %dma_wait3A_112 = arith.constant 0 : i32
        %dma_wait3A_113 = tpu.memref_slice %arg2[%add3A_108, %dma_wait3A_112] : memref<2032640x16xf32, #tpu.memory_space<hbm>> -> memref<1024x16xf32, #tpu.memory_space<hbm>>
        %dma_wait3A_114 = arith.constant 0 : i32
        %dma_wait3A_115 = arith.constant 0 : i32
        %dma_wait3A_116 = tpu.memref_slice %arg7[%and3A_105, %dma_wait3A_114, %dma_wait3A_115] : memref<2x1024x16xf32, #tpu.memory_space<vmem>> -> memref<1x1024x16xf32, #tpu.memory_space<vmem>>
        %dma_wait3A_117 = tpu.memref_squeeze %dma_wait3A_116 : memref<1x1024x16xf32, #tpu.memory_space<vmem>> -> memref<1024x16xf32, #tpu.memory_space<vmem>>
        %dma_wait3A_118 = arith.constant 0 : i32
        %dma_wait3A_119 = tpu.memref_slice %arg2[%add3A_108, %dma_wait3A_118] : memref<2032640x16xf32, #tpu.memory_space<hbm>> -> memref<1024x16xf32, #tpu.memory_space<hbm>>
        tpu.wait_dma2 semaphore(%arg9 : memref<!tpu.dma_semaphore, #tpu.memory_space<semaphore_mem>>) src(%dma_wait3A_119 : memref<1024x16xf32, #tpu.memory_space<hbm>>) dst(%dma_wait3A_117 : memref<1024x16xf32, #tpu.memory_space<vmem>>)
        %add3A_120 = arith.constant 1 : i32
        %add3A_121 = arith.addi %while3A_102, %add3A_120 : i32
        %lt3A = arith.cmpi slt, %add3A_121, %shift_right_arithmetic3A_76 : i32
        %convert_element_type3A_122 = arith.extui %lt3A : i1 to i32
        %cond3A_123 = arith.constant 0 : i32
        %cond3A_124 = arith.cmpi ne, %convert_element_type3A_122, %cond3A_123 : i32
        scf.if %cond3A_124 {
          %add3A_136 = arith.constant 1 : i32
          %add3A_137 = arith.addi %while3A_102, %add3A_136 : i32
          %mul3A_138 = arith.constant 1024 : i32
          %mul3A_139 = arith.muli %add3A_137, %mul3A_138 : i32
          %add3A_140 = arith.addi %squeeze3A_64, %mul3A_139 : i32
          %sub3A_141 = arith.constant 1 : i32
          %sub3A_142 = arith.subi %sub3A_141, %and3A_105 : i32
          %dma_start3A = arith.constant 0 : i32
          %dma_start3A_143 = arith.constant 0 : i32
          %dma_start3A_144 = tpu.memref_slice %arg7[%sub3A_142, %dma_start3A, %dma_start3A_143] : memref<2x1024x16xf32, #tpu.memory_space<vmem>> -> memref<1x1024x16xf32, #tpu.memory_space<vmem>>
          %dma_start3A_145 = tpu.memref_squeeze %dma_start3A_144 : memref<1x1024x16xf32, #tpu.memory_space<vmem>> -> memref<1024x16xf32, #tpu.memory_space<vmem>>
          %dma_start3A_146 = arith.constant 0 : i32
          %dma_start3A_147 = tpu.memref_slice %arg2[%add3A_140, %dma_start3A_146] : memref<2032640x16xf32, #tpu.memory_space<hbm>> -> memref<1024x16xf32, #tpu.memory_space<hbm>>
          %dma_start3A_148 = arith.constant 0 : i32
          %dma_start3A_149 = arith.constant 0 : i32
          %dma_start3A_150 = tpu.memref_slice %arg7[%sub3A_142, %dma_start3A_148, %dma_start3A_149] : memref<2x1024x16xf32, #tpu.memory_space<vmem>> -> memref<1x1024x16xf32, #tpu.memory_space<vmem>>
          %dma_start3A_151 = tpu.memref_squeeze %dma_start3A_150 : memref<1x1024x16xf32, #tpu.memory_space<vmem>> -> memref<1024x16xf32, #tpu.memory_space<vmem>>
          %dma_start3A_152 = arith.constant 0 : i32
          %dma_start3A_153 = tpu.memref_slice %arg2[%add3A_140, %dma_start3A_152] : memref<2032640x16xf32, #tpu.memory_space<hbm>> -> memref<1024x16xf32, #tpu.memory_space<hbm>>
          tpu.enqueue_dma source(%dma_start3A_153 : memref<1024x16xf32, #tpu.memory_space<hbm>>) target(%dma_start3A_151 : memref<1024x16xf32, #tpu.memory_space<vmem>>) target_semaphore(%arg9 : memref<!tpu.dma_semaphore, #tpu.memory_space<semaphore_mem>>)
        } else {
        }
        %mul3A_125 = arith.constant 1024 : i32
        %mul3A_126 = arith.muli %while3A_102, %mul3A_125 : i32
        %sub3A_127 = arith.subi %select_n3A_72, %mul3A_126 : i32
        %scan3A_128 = arith.constant 0 : i32
        %scan3A_129 = arith.constant 0 : i32
        %scan3A_130 = arith.constant 64 : i32
        %scan3A_131 = arith.addi %scan3A_129, %scan3A_130 : i32
        %scan3A_132 = arith.constant 1 : i32
        %scan3A_133 = scf.for %scan3A_136 = %scan3A_129 to %scan3A_131 step %scan3A_132 iter_args(%scan3A_137 = %scan3A_128) -> (i32)  : i32 {
          %mul3A_138 = arith.constant 16 : i32
          %mul3A_139 = arith.muli %scan3A_136, %mul3A_138 : i32
          %broadcast_in_dim3A_140 = vector.broadcast %mul3A_139 : i32 to vector<16xi32>
          %add3A_141 = arith.addi %broadcast_in_dim3A_140, %iota3A : vector<16xi32>
          %broadcast_in_dim3A_142 = vector.broadcast %and3A_105 : i32 to vector<16xi32>
          %broadcast_in_dim3A_143 = arith.constant 0 : i32
          %broadcast_in_dim3A_144 = vector.broadcast %broadcast_in_dim3A_143 : i32 to vector<16xi32>
          %gather3A_145 = tpu.vector_load_idx %arg7[%broadcast_in_dim3A_142, %add3A_141, %broadcast_in_dim3A_144] : memref<2x1024x16xf32, #tpu.memory_space<vmem>>[vector<16xi32>, vector<16xi32>, vector<16xi32>], vector<16xf32>,
          %bitcast3A = vector.bitcast %gather3A_145 : vector<16xf32> to vector<16xi32>
          %broadcast_in_dim3A_146 = vector.broadcast %and3A_105 : i32 to vector<16xi32>
          %broadcast_in_dim3A_147 = arith.constant 1 : i32
          %broadcast_in_dim3A_148 = vector.broadcast %broadcast_in_dim3A_147 : i32 to vector<16xi32>
          %gather3A_149 = tpu.vector_load_idx %arg7[%broadcast_in_dim3A_146, %add3A_141, %broadcast_in_dim3A_148] : memref<2x1024x16xf32, #tpu.memory_space<vmem>>[vector<16xi32>, vector<16xi32>, vector<16xi32>], vector<16xf32>,
          %broadcast_in_dim3A_150 = vector.broadcast %and3A_105 : i32 to vector<16xi32>
          %broadcast_in_dim3A_151 = arith.constant 2 : i32
          %broadcast_in_dim3A_152 = vector.broadcast %broadcast_in_dim3A_151 : i32 to vector<16xi32>
          %gather3A_153 = tpu.vector_load_idx %arg7[%broadcast_in_dim3A_150, %add3A_141, %broadcast_in_dim3A_152] : memref<2x1024x16xf32, #tpu.memory_space<vmem>>[vector<16xi32>, vector<16xi32>, vector<16xi32>], vector<16xf32>,
          %broadcast_in_dim3A_154 = vector.broadcast %and3A_105 : i32 to vector<16xi32>
          %broadcast_in_dim3A_155 = arith.constant 4 : i32
          %broadcast_in_dim3A_156 = vector.broadcast %broadcast_in_dim3A_155 : i32 to vector<16xi32>
          %gather3A_157 = tpu.vector_load_idx %arg7[%broadcast_in_dim3A_154, %add3A_141, %broadcast_in_dim3A_156] : memref<2x1024x16xf32, #tpu.memory_space<vmem>>[vector<16xi32>, vector<16xi32>, vector<16xi32>], vector<16xf32>,
          %lt3A_158 = vector.broadcast %sub3A_127 : i32 to vector<16xi32>
          %lt3A_159 = arith.cmpi slt, %add3A_141, %lt3A_158 : vector<16xi32>
          %sub3A_160 = arith.constant 1.000000e+00 : f32
          %sub3A_161 = vector.broadcast %sub3A_160 : f32 to vector<16xf32>
          %sub3A_162 = arith.subf %sub3A_161, %gather3A_153 : vector<16xf32>
          %mul3A_163 = arith.mulf %gather3A_157, %sub3A_162 : vector<16xf32>
          %mul3A_164 = arith.mulf %gather3A_157, %gather3A_153 : vector<16xf32>
          %sub3A_165 = arith.constant 1.000000e+00 : f32
          %sub3A_166 = vector.broadcast %sub3A_165 : f32 to vector<16xf32>
          %sub3A_167 = arith.subf %sub3A_166, %gather3A_149 : vector<16xf32>
          %mul3A_168 = arith.mulf %mul3A_163, %sub3A_167 : vector<16xf32>
          tpu.vector_store_idx %arg6[%bitcast3A], %mul3A_168 masked %lt3A_159 {add = true} : memref<66048xf32, #tpu.memory_space<vmem>>[vector<16xi32>], vector<16xf32>, vector<16xi1>
          %add3A_169 = arith.constant 1 : i32
          %add3A_170 = vector.broadcast %add3A_169 : i32 to vector<16xi32>
          %add3A_171 = arith.addi %bitcast3A, %add3A_170 : vector<16xi32>
          %mul3A_172 = arith.mulf %mul3A_163, %gather3A_149 : vector<16xf32>
          tpu.vector_store_idx %arg6[%add3A_171], %mul3A_172 masked %lt3A_159 {add = true} : memref<66048xf32, #tpu.memory_space<vmem>>[vector<16xi32>], vector<16xf32>, vector<16xi1>
          %add3A_173 = arith.constant 512 : i32
          %add3A_174 = vector.broadcast %add3A_173 : i32 to vector<16xi32>
          %add3A_175 = arith.addi %bitcast3A, %add3A_174 : vector<16xi32>
          %sub3A_176 = arith.constant 1.000000e+00 : f32
          %sub3A_177 = vector.broadcast %sub3A_176 : f32 to vector<16xf32>
          %sub3A_178 = arith.subf %sub3A_177, %gather3A_149 : vector<16xf32>
          %mul3A_179 = arith.mulf %mul3A_164, %sub3A_178 : vector<16xf32>
          tpu.vector_store_idx %arg6[%add3A_175], %mul3A_179 masked %lt3A_159 {add = true} : memref<66048xf32, #tpu.memory_space<vmem>>[vector<16xi32>], vector<16xf32>, vector<16xi1>
          %add3A_180 = arith.constant 512 : i32
          %add3A_181 = vector.broadcast %add3A_180 : i32 to vector<16xi32>
          %add3A_182 = arith.addi %bitcast3A, %add3A_181 : vector<16xi32>
          %add3A_183 = arith.constant 1 : i32
          %add3A_184 = vector.broadcast %add3A_183 : i32 to vector<16xi32>
          %add3A_185 = arith.addi %add3A_182, %add3A_184 : vector<16xi32>
          %mul3A_186 = arith.mulf %mul3A_164, %gather3A_149 : vector<16xf32>
          tpu.vector_store_idx %arg6[%add3A_185], %mul3A_186 masked %lt3A_159 {add = true} : memref<66048xf32, #tpu.memory_space<vmem>>[vector<16xi32>], vector<16xf32>, vector<16xi1>
          %scan3A_187 = arith.constant 0 : i32
          scf.yield %scan3A_187 : i32
        }
        %scan3A_134 = arith.constant 64 : i32
        %while3A_135 = arith.constant 0 : i32
        scf.yield %while3A_135 : i32
      }
      %while3A_92 = arith.constant 1 : i32
      %while3A_93 = scf.for %while3A_102 = %while3A_89 to %while3A_85 step %while3A_92 iter_args(%while3A_103 = %while3A_91) -> (i32)  : i32 {
        %and3A_104 = arith.constant 1 : i32
        %and3A_105 = arith.andi %while3A_102, %and3A_104 : i32
        %mul3A_106 = arith.constant 1024 : i32
        %mul3A_107 = arith.muli %while3A_102, %mul3A_106 : i32
        %add3A_108 = arith.addi %squeeze3A_64, %mul3A_107 : i32
        %dma_wait3A = arith.constant 0 : i32
        %dma_wait3A_109 = arith.constant 0 : i32
        %dma_wait3A_110 = tpu.memref_slice %arg7[%and3A_105, %dma_wait3A, %dma_wait3A_109] : memref<2x1024x16xf32, #tpu.memory_space<vmem>> -> memref<1x1024x16xf32, #tpu.memory_space<vmem>>
        %dma_wait3A_111 = tpu.memref_squeeze %dma_wait3A_110 : memref<1x1024x16xf32, #tpu.memory_space<vmem>> -> memref<1024x16xf32, #tpu.memory_space<vmem>>
        %dma_wait3A_112 = arith.constant 0 : i32
        %dma_wait3A_113 = tpu.memref_slice %arg2[%add3A_108, %dma_wait3A_112] : memref<2032640x16xf32, #tpu.memory_space<hbm>> -> memref<1024x16xf32, #tpu.memory_space<hbm>>
        %dma_wait3A_114 = arith.constant 0 : i32
        %dma_wait3A_115 = arith.constant 0 : i32
        %dma_wait3A_116 = tpu.memref_slice %arg7[%and3A_105, %dma_wait3A_114, %dma_wait3A_115] : memref<2x1024x16xf32, #tpu.memory_space<vmem>> -> memref<1x1024x16xf32, #tpu.memory_space<vmem>>
        %dma_wait3A_117 = tpu.memref_squeeze %dma_wait3A_116 : memref<1x1024x16xf32, #tpu.memory_space<vmem>> -> memref<1024x16xf32, #tpu.memory_space<vmem>>
        %dma_wait3A_118 = arith.constant 0 : i32
        %dma_wait3A_119 = tpu.memref_slice %arg2[%add3A_108, %dma_wait3A_118] : memref<2032640x16xf32, #tpu.memory_space<hbm>> -> memref<1024x16xf32, #tpu.memory_space<hbm>>
        tpu.wait_dma2 semaphore(%arg9 : memref<!tpu.dma_semaphore, #tpu.memory_space<semaphore_mem>>) src(%dma_wait3A_119 : memref<1024x16xf32, #tpu.memory_space<hbm>>) dst(%dma_wait3A_117 : memref<1024x16xf32, #tpu.memory_space<vmem>>)
        %add3A_120 = arith.constant 1 : i32
        %add3A_121 = arith.addi %while3A_102, %add3A_120 : i32
        %lt3A = arith.cmpi slt, %add3A_121, %shift_right_arithmetic3A_76 : i32
        %convert_element_type3A_122 = arith.extui %lt3A : i1 to i32
        %cond3A_123 = arith.constant 0 : i32
        %cond3A_124 = arith.cmpi ne, %convert_element_type3A_122, %cond3A_123 : i32
        scf.if %cond3A_124 {
          %add3A_136 = arith.constant 1 : i32
          %add3A_137 = arith.addi %while3A_102, %add3A_136 : i32
          %mul3A_138 = arith.constant 1024 : i32
          %mul3A_139 = arith.muli %add3A_137, %mul3A_138 : i32
          %add3A_140 = arith.addi %squeeze3A_64, %mul3A_139 : i32
          %sub3A_141 = arith.constant 1 : i32
          %sub3A_142 = arith.subi %sub3A_141, %and3A_105 : i32
          %dma_start3A = arith.constant 0 : i32
          %dma_start3A_143 = arith.constant 0 : i32
          %dma_start3A_144 = tpu.memref_slice %arg7[%sub3A_142, %dma_start3A, %dma_start3A_143] : memref<2x1024x16xf32, #tpu.memory_space<vmem>> -> memref<1x1024x16xf32, #tpu.memory_space<vmem>>
          %dma_start3A_145 = tpu.memref_squeeze %dma_start3A_144 : memref<1x1024x16xf32, #tpu.memory_space<vmem>> -> memref<1024x16xf32, #tpu.memory_space<vmem>>
          %dma_start3A_146 = arith.constant 0 : i32
          %dma_start3A_147 = tpu.memref_slice %arg2[%add3A_140, %dma_start3A_146] : memref<2032640x16xf32, #tpu.memory_space<hbm>> -> memref<1024x16xf32, #tpu.memory_space<hbm>>
          %dma_start3A_148 = arith.constant 0 : i32
          %dma_start3A_149 = arith.constant 0 : i32
          %dma_start3A_150 = tpu.memref_slice %arg7[%sub3A_142, %dma_start3A_148, %dma_start3A_149] : memref<2x1024x16xf32, #tpu.memory_space<vmem>> -> memref<1x1024x16xf32, #tpu.memory_space<vmem>>
          %dma_start3A_151 = tpu.memref_squeeze %dma_start3A_150 : memref<1x1024x16xf32, #tpu.memory_space<vmem>> -> memref<1024x16xf32, #tpu.memory_space<vmem>>
          %dma_start3A_152 = arith.constant 0 : i32
          %dma_start3A_153 = tpu.memref_slice %arg2[%add3A_140, %dma_start3A_152] : memref<2032640x16xf32, #tpu.memory_space<hbm>> -> memref<1024x16xf32, #tpu.memory_space<hbm>>
          tpu.enqueue_dma source(%dma_start3A_153 : memref<1024x16xf32, #tpu.memory_space<hbm>>) target(%dma_start3A_151 : memref<1024x16xf32, #tpu.memory_space<vmem>>) target_semaphore(%arg9 : memref<!tpu.dma_semaphore, #tpu.memory_space<semaphore_mem>>)
        } else {
        }
        %mul3A_125 = arith.constant 1024 : i32
        %mul3A_126 = arith.muli %while3A_102, %mul3A_125 : i32
        %sub3A_127 = arith.subi %select_n3A_72, %mul3A_126 : i32
        %scan3A_128 = arith.constant 0 : i32
        %scan3A_129 = arith.constant 0 : i32
        %scan3A_130 = arith.constant 64 : i32
        %scan3A_131 = arith.addi %scan3A_129, %scan3A_130 : i32
        %scan3A_132 = arith.constant 1 : i32
        %scan3A_133 = scf.for %scan3A_136 = %scan3A_129 to %scan3A_131 step %scan3A_132 iter_args(%scan3A_137 = %scan3A_128) -> (i32)  : i32 {
          %mul3A_138 = arith.constant 16 : i32
          %mul3A_139 = arith.muli %scan3A_136, %mul3A_138 : i32
          %broadcast_in_dim3A_140 = vector.broadcast %mul3A_139 : i32 to vector<16xi32>
          %add3A_141 = arith.addi %broadcast_in_dim3A_140, %iota3A : vector<16xi32>
          %broadcast_in_dim3A_142 = vector.broadcast %and3A_105 : i32 to vector<16xi32>
          %broadcast_in_dim3A_143 = arith.constant 0 : i32
          %broadcast_in_dim3A_144 = vector.broadcast %broadcast_in_dim3A_143 : i32 to vector<16xi32>
          %gather3A_145 = tpu.vector_load_idx %arg7[%broadcast_in_dim3A_142, %add3A_141, %broadcast_in_dim3A_144] : memref<2x1024x16xf32, #tpu.memory_space<vmem>>[vector<16xi32>, vector<16xi32>, vector<16xi32>], vector<16xf32>,
          %bitcast3A = vector.bitcast %gather3A_145 : vector<16xf32> to vector<16xi32>
          %broadcast_in_dim3A_146 = vector.broadcast %and3A_105 : i32 to vector<16xi32>
          %broadcast_in_dim3A_147 = arith.constant 1 : i32
          %broadcast_in_dim3A_148 = vector.broadcast %broadcast_in_dim3A_147 : i32 to vector<16xi32>
          %gather3A_149 = tpu.vector_load_idx %arg7[%broadcast_in_dim3A_146, %add3A_141, %broadcast_in_dim3A_148] : memref<2x1024x16xf32, #tpu.memory_space<vmem>>[vector<16xi32>, vector<16xi32>, vector<16xi32>], vector<16xf32>,
          %broadcast_in_dim3A_150 = vector.broadcast %and3A_105 : i32 to vector<16xi32>
          %broadcast_in_dim3A_151 = arith.constant 2 : i32
          %broadcast_in_dim3A_152 = vector.broadcast %broadcast_in_dim3A_151 : i32 to vector<16xi32>
          %gather3A_153 = tpu.vector_load_idx %arg7[%broadcast_in_dim3A_150, %add3A_141, %broadcast_in_dim3A_152] : memref<2x1024x16xf32, #tpu.memory_space<vmem>>[vector<16xi32>, vector<16xi32>, vector<16xi32>], vector<16xf32>,
          %broadcast_in_dim3A_154 = vector.broadcast %and3A_105 : i32 to vector<16xi32>
          %broadcast_in_dim3A_155 = arith.constant 4 : i32
          %broadcast_in_dim3A_156 = vector.broadcast %broadcast_in_dim3A_155 : i32 to vector<16xi32>
          %gather3A_157 = tpu.vector_load_idx %arg7[%broadcast_in_dim3A_154, %add3A_141, %broadcast_in_dim3A_156] : memref<2x1024x16xf32, #tpu.memory_space<vmem>>[vector<16xi32>, vector<16xi32>, vector<16xi32>], vector<16xf32>,
          %lt3A_158 = vector.broadcast %sub3A_127 : i32 to vector<16xi32>
          %lt3A_159 = arith.cmpi slt, %add3A_141, %lt3A_158 : vector<16xi32>
          %sub3A_160 = arith.constant 1.000000e+00 : f32
          %sub3A_161 = vector.broadcast %sub3A_160 : f32 to vector<16xf32>
          %sub3A_162 = arith.subf %sub3A_161, %gather3A_153 : vector<16xf32>
          %mul3A_163 = arith.mulf %gather3A_157, %sub3A_162 : vector<16xf32>
          %mul3A_164 = arith.mulf %gather3A_157, %gather3A_153 : vector<16xf32>
          %sub3A_165 = arith.constant 1.000000e+00 : f32
          %sub3A_166 = vector.broadcast %sub3A_165 : f32 to vector<16xf32>
          %sub3A_167 = arith.subf %sub3A_166, %gather3A_149 : vector<16xf32>
          %mul3A_168 = arith.mulf %mul3A_163, %sub3A_167 : vector<16xf32>
          tpu.vector_store_idx %arg6[%bitcast3A], %mul3A_168 masked %lt3A_159 {add = true} : memref<66048xf32, #tpu.memory_space<vmem>>[vector<16xi32>], vector<16xf32>, vector<16xi1>
          %add3A_169 = arith.constant 1 : i32
          %add3A_170 = vector.broadcast %add3A_169 : i32 to vector<16xi32>
          %add3A_171 = arith.addi %bitcast3A, %add3A_170 : vector<16xi32>
          %mul3A_172 = arith.mulf %mul3A_163, %gather3A_149 : vector<16xf32>
          tpu.vector_store_idx %arg6[%add3A_171], %mul3A_172 masked %lt3A_159 {add = true} : memref<66048xf32, #tpu.memory_space<vmem>>[vector<16xi32>], vector<16xf32>, vector<16xi1>
          %add3A_173 = arith.constant 512 : i32
          %add3A_174 = vector.broadcast %add3A_173 : i32 to vector<16xi32>
          %add3A_175 = arith.addi %bitcast3A, %add3A_174 : vector<16xi32>
          %sub3A_176 = arith.constant 1.000000e+00 : f32
          %sub3A_177 = vector.broadcast %sub3A_176 : f32 to vector<16xf32>
          %sub3A_178 = arith.subf %sub3A_177, %gather3A_149 : vector<16xf32>
          %mul3A_179 = arith.mulf %mul3A_164, %sub3A_178 : vector<16xf32>
          tpu.vector_store_idx %arg6[%add3A_175], %mul3A_179 masked %lt3A_159 {add = true} : memref<66048xf32, #tpu.memory_space<vmem>>[vector<16xi32>], vector<16xf32>, vector<16xi1>
          %add3A_180 = arith.constant 512 : i32
          %add3A_181 = vector.broadcast %add3A_180 : i32 to vector<16xi32>
          %add3A_182 = arith.addi %bitcast3A, %add3A_181 : vector<16xi32>
          %add3A_183 = arith.constant 1 : i32
          %add3A_184 = vector.broadcast %add3A_183 : i32 to vector<16xi32>
          %add3A_185 = arith.addi %add3A_182, %add3A_184 : vector<16xi32>
          %mul3A_186 = arith.mulf %mul3A_164, %gather3A_149 : vector<16xf32>
          tpu.vector_store_idx %arg6[%add3A_185], %mul3A_186 masked %lt3A_159 {add = true} : memref<66048xf32, #tpu.memory_space<vmem>>[vector<16xi32>], vector<16xf32>, vector<16xi1>
          %scan3A_187 = arith.constant 0 : i32
          scf.yield %scan3A_187 : i32
        }
        %scan3A_134 = arith.constant 64 : i32
        %while3A_135 = arith.constant 0 : i32
        scf.yield %while3A_135 : i32
      }
      %mul3A_94 = arith.constant 512 : i32
      %mul3A_95 = arith.muli %shift_right_arithmetic3A_13, %mul3A_94 : i32
      %mul3A_96 = arith.constant 128 : i32
      %mul3A_97 = arith.muli %and3A_14, %mul3A_96 : i32
      %add3A_98 = arith.addi %mul3A_95, %mul3A_97 : i32
      %mul3A_99 = arith.constant 512 : i32
      %mul3A_100 = arith.muli %add3A_98, %mul3A_99 : i32
      "tpu.region"() ({
        %run_scoped3A = tpu.sem_alloc : memref<!tpu.dma_semaphore, #tpu.memory_space<semaphore_mem>>
        %dma_start3A = arith.constant 0 : i32
        %dma_start3A_102 = tpu.memref_slice %arg6[%dma_start3A] : memref<66048xf32, #tpu.memory_space<vmem>> -> memref<65536xf32, #tpu.memory_space<vmem>>
        %dma_start3A_103 = tpu.memref_slice %arg4[%mul3A_100] : memref<16777216xf32, #tpu.memory_space<hbm>> -> memref<65536xf32, #tpu.memory_space<hbm>>
        %dma_start3A_104 = tpu.memref_slice %arg4[%mul3A_100] : memref<16777216xf32, #tpu.memory_space<hbm>> -> memref<65536xf32, #tpu.memory_space<hbm>>
        %dma_start3A_105 = arith.constant 0 : i32
        %dma_start3A_106 = tpu.memref_slice %arg6[%dma_start3A_105] : memref<66048xf32, #tpu.memory_space<vmem>> -> memref<65536xf32, #tpu.memory_space<vmem>>
        tpu.enqueue_dma source(%dma_start3A_106 : memref<65536xf32, #tpu.memory_space<vmem>>) target(%dma_start3A_104 : memref<65536xf32, #tpu.memory_space<hbm>>) target_semaphore(%run_scoped3A : memref<!tpu.dma_semaphore, #tpu.memory_space<semaphore_mem>>)
        %dma_wait3A = arith.constant 0 : i32
        %dma_wait3A_107 = tpu.memref_slice %arg6[%dma_wait3A] : memref<66048xf32, #tpu.memory_space<vmem>> -> memref<65536xf32, #tpu.memory_space<vmem>>
        %dma_wait3A_108 = tpu.memref_slice %arg4[%mul3A_100] : memref<16777216xf32, #tpu.memory_space<hbm>> -> memref<65536xf32, #tpu.memory_space<hbm>>
        %dma_wait3A_109 = tpu.memref_slice %arg4[%mul3A_100] : memref<16777216xf32, #tpu.memory_space<hbm>> -> memref<65536xf32, #tpu.memory_space<hbm>>
        %dma_wait3A_110 = arith.constant 0 : i32
        %dma_wait3A_111 = tpu.memref_slice %arg6[%dma_wait3A_110] : memref<66048xf32, #tpu.memory_space<vmem>> -> memref<65536xf32, #tpu.memory_space<vmem>>
        tpu.wait_dma2 semaphore(%run_scoped3A : memref<!tpu.dma_semaphore, #tpu.memory_space<semaphore_mem>>) src(%dma_wait3A_111 : memref<65536xf32, #tpu.memory_space<vmem>>) dst(%dma_wait3A_109 : memref<65536xf32, #tpu.memory_space<hbm>>)
        tpu.yield
      }) : () -> ()
      "tpu.region"() ({
        %run_scoped3A = tpu.sem_alloc : memref<!tpu.dma_semaphore, #tpu.memory_space<semaphore_mem>>
        %dma_start3A = arith.constant 65536 : i32
        %dma_start3A_102 = tpu.memref_slice %arg6[%dma_start3A] : memref<66048xf32, #tpu.memory_space<vmem>> -> memref<512xf32, #tpu.memory_space<vmem>>
        %dma_start3A_103 = arith.constant 0 : i32
        %dma_start3A_104 = tpu.memref_slice %arg5[%add3A_12, %dma_start3A_103] : memref<256x512xf32, #tpu.memory_space<hbm>> -> memref<1x512xf32, #tpu.memory_space<hbm>>
        %dma_start3A_105 = tpu.memref_squeeze %dma_start3A_104 : memref<1x512xf32, #tpu.memory_space<hbm>> -> memref<512xf32, #tpu.memory_space<hbm>>
        %dma_start3A_106 = arith.constant 0 : i32
        %dma_start3A_107 = tpu.memref_slice %arg5[%add3A_12, %dma_start3A_106] : memref<256x512xf32, #tpu.memory_space<hbm>> -> memref<1x512xf32, #tpu.memory_space<hbm>>
        %dma_start3A_108 = tpu.memref_squeeze %dma_start3A_107 : memref<1x512xf32, #tpu.memory_space<hbm>> -> memref<512xf32, #tpu.memory_space<hbm>>
        %dma_start3A_109 = arith.constant 65536 : i32
        %dma_start3A_110 = tpu.memref_slice %arg6[%dma_start3A_109] : memref<66048xf32, #tpu.memory_space<vmem>> -> memref<512xf32, #tpu.memory_space<vmem>>
        tpu.enqueue_dma source(%dma_start3A_110 : memref<512xf32, #tpu.memory_space<vmem>>) target(%dma_start3A_108 : memref<512xf32, #tpu.memory_space<hbm>>) target_semaphore(%run_scoped3A : memref<!tpu.dma_semaphore, #tpu.memory_space<semaphore_mem>>)
        %dma_wait3A = arith.constant 65536 : i32
        %dma_wait3A_111 = tpu.memref_slice %arg6[%dma_wait3A] : memref<66048xf32, #tpu.memory_space<vmem>> -> memref<512xf32, #tpu.memory_space<vmem>>
        %dma_wait3A_112 = arith.constant 0 : i32
        %dma_wait3A_113 = tpu.memref_slice %arg5[%add3A_12, %dma_wait3A_112] : memref<256x512xf32, #tpu.memory_space<hbm>> -> memref<1x512xf32, #tpu.memory_space<hbm>>
        %dma_wait3A_114 = tpu.memref_squeeze %dma_wait3A_113 : memref<1x512xf32, #tpu.memory_space<hbm>> -> memref<512xf32, #tpu.memory_space<hbm>>
        %dma_wait3A_115 = arith.constant 0 : i32
        %dma_wait3A_116 = tpu.memref_slice %arg5[%add3A_12, %dma_wait3A_115] : memref<256x512xf32, #tpu.memory_space<hbm>> -> memref<1x512xf32, #tpu.memory_space<hbm>>
        %dma_wait3A_117 = tpu.memref_squeeze %dma_wait3A_116 : memref<1x512xf32, #tpu.memory_space<hbm>> -> memref<512xf32, #tpu.memory_space<hbm>>
        %dma_wait3A_118 = arith.constant 65536 : i32
        %dma_wait3A_119 = tpu.memref_slice %arg6[%dma_wait3A_118] : memref<66048xf32, #tpu.memory_space<vmem>> -> memref<512xf32, #tpu.memory_space<vmem>>
        tpu.wait_dma2 semaphore(%run_scoped3A : memref<!tpu.dma_semaphore, #tpu.memory_space<semaphore_mem>>) src(%dma_wait3A_119 : memref<512xf32, #tpu.memory_space<vmem>>) dst(%dma_wait3A_117 : memref<512xf32, #tpu.memory_space<hbm>>)
        tpu.yield
      }) : () -> ()
      %scan3A_101 = arith.constant 0 : i32
      scf.yield %scan3A_101 : i32
    }
    %scan3A_7 = arith.constant 8 : i32
    return
  }
}

module attributes {stable_mosaic.version = 14 : i64} {
  func.func @_p3_body(%arg0: i32, %arg1: memref<1x512x512xf32, #tpu.memory_space<vmem>>, %arg2: memref<1x4x512xf32, #tpu.memory_space<vmem>>, %arg3: memref<1x512x512xf32, #tpu.memory_space<vmem>>) attributes {dimension_semantics = [#tpu.dimension_semantics<arbitrary>], iteration_bounds = array<i64: 64>, scalar_prefetch = 0 : i64, scratch_operands = 0 : i64, tpu.core_type = #tpu.core_type<tc>, window_params = [{transform_indices = @transform_0, window_bounds = array<i64: 1, 512, 512>}, {transform_indices = @transform_1, window_bounds = array<i64: 1, 4, 512>}, {transform_indices = @transform_2, window_bounds = array<i64: 1, 512, 512>}]} {
    %get3A = arith.constant 0 : index
    %get3A_0 = arith.constant 0 : index
    %get3A_1 = arith.constant 0 : index
    %get3A_2 = vector.load %arg1[%get3A, %get3A_0, %get3A_1] : memref<1x512x512xf32, #tpu.memory_space<vmem>>, vector<1x512x512xf32>
    %swap3A = arith.constant 0 : index
    %swap3A_3 = arith.constant 0 : index
    %swap3A_4 = arith.constant 0 : index
    %swap3A_5 = vector.load %arg3[%swap3A, %swap3A_3, %swap3A_4] : memref<1x512x512xf32, #tpu.memory_space<vmem>>, vector<1x512x512xf32>
    tpu.vector_store %arg3[%swap3A, %swap3A_3, %swap3A_4], %get3A_2 {strides = array<i32>} : memref<1x512x512xf32, #tpu.memory_space<vmem>>, vector<1x512x512xf32>,
    %get3A_6 = arith.constant 0 : index
    %get3A_7 = arith.constant 128 : index
    %get3A_8 = arith.constant 0 : index
    %get3A_9 = vector.load %arg1[%get3A_6, %get3A_7, %get3A_8] : memref<1x512x512xf32, #tpu.memory_space<vmem>>, vector<1x1x512xf32>
    %get3A_10 = vector.shape_cast %get3A_9 : vector<1x1x512xf32> to vector<512xf32>
    %get3A_11 = arith.constant 0 : index
    %get3A_12 = arith.constant 0 : index
    %get3A_13 = arith.constant 0 : index
    %get3A_14 = vector.load %arg2[%get3A_11, %get3A_12, %get3A_13] : memref<1x4x512xf32, #tpu.memory_space<vmem>>, vector<1x1x512xf32>
    %get3A_15 = vector.shape_cast %get3A_14 : vector<1x1x512xf32> to vector<512xf32>
    %add3A = arith.addf %get3A_10, %get3A_15 : vector<512xf32>
    %swap3A_16 = arith.constant 0 : index
    %swap3A_17 = arith.constant 128 : index
    %swap3A_18 = arith.constant 0 : index
    %swap3A_19 = vector.load %arg3[%swap3A_16, %swap3A_17, %swap3A_18] : memref<1x512x512xf32, #tpu.memory_space<vmem>>, vector<1x1x512xf32>
    %swap3A_20 = vector.shape_cast %swap3A_19 : vector<1x1x512xf32> to vector<512xf32>
    %swap3A_21 = vector.shape_cast %add3A : vector<512xf32> to vector<1x1x512xf32>
    tpu.vector_store %arg3[%swap3A_16, %swap3A_17, %swap3A_18], %swap3A_21 {strides = array<i32>} : memref<1x512x512xf32, #tpu.memory_space<vmem>>, vector<1x1x512xf32>,
    %get3A_22 = arith.constant 0 : index
    %get3A_23 = arith.constant 256 : index
    %get3A_24 = arith.constant 0 : index
    %get3A_25 = vector.load %arg1[%get3A_22, %get3A_23, %get3A_24] : memref<1x512x512xf32, #tpu.memory_space<vmem>>, vector<1x1x512xf32>
    %get3A_26 = vector.shape_cast %get3A_25 : vector<1x1x512xf32> to vector<512xf32>
    %get3A_27 = arith.constant 0 : index
    %get3A_28 = arith.constant 1 : index
    %get3A_29 = arith.constant 0 : index
    %get3A_30 = vector.load %arg2[%get3A_27, %get3A_28, %get3A_29] : memref<1x4x512xf32, #tpu.memory_space<vmem>>, vector<1x1x512xf32>
    %get3A_31 = vector.shape_cast %get3A_30 : vector<1x1x512xf32> to vector<512xf32>
    %add3A_32 = arith.addf %get3A_26, %get3A_31 : vector<512xf32>
    %swap3A_33 = arith.constant 0 : index
    %swap3A_34 = arith.constant 256 : index
    %swap3A_35 = arith.constant 0 : index
    %swap3A_36 = vector.load %arg3[%swap3A_33, %swap3A_34, %swap3A_35] : memref<1x512x512xf32, #tpu.memory_space<vmem>>, vector<1x1x512xf32>
    %swap3A_37 = vector.shape_cast %swap3A_36 : vector<1x1x512xf32> to vector<512xf32>
    %swap3A_38 = vector.shape_cast %add3A_32 : vector<512xf32> to vector<1x1x512xf32>
    tpu.vector_store %arg3[%swap3A_33, %swap3A_34, %swap3A_35], %swap3A_38 {strides = array<i32>} : memref<1x512x512xf32, #tpu.memory_space<vmem>>, vector<1x1x512xf32>,
    %get3A_39 = arith.constant 0 : index
    %get3A_40 = arith.constant 384 : index
    %get3A_41 = arith.constant 0 : index
    %get3A_42 = vector.load %arg1[%get3A_39, %get3A_40, %get3A_41] : memref<1x512x512xf32, #tpu.memory_space<vmem>>, vector<1x1x512xf32>
    %get3A_43 = vector.shape_cast %get3A_42 : vector<1x1x512xf32> to vector<512xf32>
    %get3A_44 = arith.constant 0 : index
    %get3A_45 = arith.constant 2 : index
    %get3A_46 = arith.constant 0 : index
    %get3A_47 = vector.load %arg2[%get3A_44, %get3A_45, %get3A_46] : memref<1x4x512xf32, #tpu.memory_space<vmem>>, vector<1x1x512xf32>
    %get3A_48 = vector.shape_cast %get3A_47 : vector<1x1x512xf32> to vector<512xf32>
    %add3A_49 = arith.addf %get3A_43, %get3A_48 : vector<512xf32>
    %swap3A_50 = arith.constant 0 : index
    %swap3A_51 = arith.constant 384 : index
    %swap3A_52 = arith.constant 0 : index
    %swap3A_53 = vector.load %arg3[%swap3A_50, %swap3A_51, %swap3A_52] : memref<1x512x512xf32, #tpu.memory_space<vmem>>, vector<1x1x512xf32>
    %swap3A_54 = vector.shape_cast %swap3A_53 : vector<1x1x512xf32> to vector<512xf32>
    %swap3A_55 = vector.shape_cast %add3A_49 : vector<512xf32> to vector<1x1x512xf32>
    tpu.vector_store %arg3[%swap3A_50, %swap3A_51, %swap3A_52], %swap3A_55 {strides = array<i32>} : memref<1x512x512xf32, #tpu.memory_space<vmem>>, vector<1x1x512xf32>,
    return
  }
  func.func @transform_0(%arg0: i32) -> (i32, i32, i32) {
    %c0_i32 = arith.constant 0 : i32
    %c0_i32_0 = arith.constant 0 : i32
    %c0_i32_1 = arith.constant 0 : i32
    return %arg0, %c0_i32, %c0_i32_0 : i32, i32, i32
  }
  func.func @transform_1(%arg0: i32) -> (i32, i32, i32) {
    %c0_i32 = arith.constant 0 : i32
    %c0_i32_0 = arith.constant 0 : i32
    %c0_i32_1 = arith.constant 0 : i32
    return %arg0, %c0_i32, %c0_i32_0 : i32, i32, i32
  }
  func.func @transform_2(%arg0: i32) -> (i32, i32, i32) {
    %c0_i32 = arith.constant 0 : i32
    %c0_i32_0 = arith.constant 0 : i32
    %c0_i32_1 = arith.constant 0 : i32
    return %arg0, %c0_i32, %c0_i32_0 : i32, i32, i32
  }
}

</mosaic_0001>

<sc_bundles>
// kernel: kernel.10.cloned.1.call-start
scs
__scs_entry_jumppad:
0x0: {  	(pc) =	sbr.rel $0x88, $3  }
0x1: {  	(tag) =	ssettag $0x0;
	lr =	simm.s32 $0x1  }
0x2: {  	[smem:$0x3F9E] =	sst lr;
	_ =	strace $0xD0000000  }
0x3: {  	_ = 	snop  }
0x4: {  	_ = 	snop  }
0x5: {  	_ = 	snop  }
0x6: {  	_ = 	snop  }
0x7: {  	_ = 	snop  }
__scs_overlays_trampoline_lowered:
0x8: {  	[smem:$0x3FAD] =	sst s0  }
0x9: {  	[smem:$0x3FAE] =	sst s1  }
0xa: {  	[smem:$0x3FAF] =	sst s2  }
0xb: {  	[smem:$0x3FB0] =	sst s3  }
0xc: {  	[smem:$0x3FB1] =	sst s4  }
0xd: {  	[smem:$0x3FB2] =	sst s5  }
0xe: {  	[smem:$0x3FB3] =	sst s6  }
0xf: {  	[smem:$0x3FB4] =	sst s7  }
0x10: {  	[smem:$0x3FB5] =	sst s8  }
0x11: {  	[smem:$0x3FB6] =	sst s9;
	s0 =	simm.s32 @!p0 $0x0  }
0x12: {  	s1 =	sld [smem:$0x3F9C];
	s0 =	simm.s32 @p0 $0x1  }
0x13: {  	[smem:$0x3FB7] =	sst s0;
	s0 =	simm.s32 @!p1 $0x0  }
0x14: {  	s2 =	sld [smem:$0x3F9B];
	s0 =	simm.s32 @p1 $0x1  }
0x15: {  	[smem:$0x3FB8] =	sst s0;
	s0 =	simm.s32 @!p2 $0x0  }
0x16: {  	s3 =	sld [smem:$0x3FDB];
	s0 =	simm.s32 @p2 $0x1  }
0x17: {  	s4 =	simm.s32 $0x1BF5;
	[smem:$0x3FBA] =	sst s0  }
0x18: {  	s0 =	sld [smem:$0x3F9D];
	_ =	swait.ge [sflag:s4], $0x0  }
0x19: {  	s7 =	sld [smem:$0x3F9E]  }
0x1a: {  	s8 =	sadd.s32 $0xFFFFE003, lr  }
0x1b: {  	s9 =	sadd.s32 $0xFFFFFEF7, lr;
	s5 =	simm.s32 $0xFFFFFFFF;
	p2 =	slt.u32 s8, $0xFFFFF086  }
0x1c: {  	p1 =	slt.u32 s9, $0xF7A;
	s5 =	simm.s32 @!p2 $0x0  }
0x1d: {  	s5 =	simm.s32 @p1 $0x1;
	p0 =	seq.s32 s7, s2  }
0x1e: {  	s7 =	smul.u32 @!p0 $0xF7A, s2;
	p2 =	seq.s32 @!p0 s5, $0x0  }
0x1f: {  	s9 =	smul.u32 $0xF7A, s1;
	s8 =	simm.s32 @!p0 $0x1BF5;
	p2 =	por !p2, p0  }
0x20: {  	[sflag:s8] =	ssyncset.s32 @!p0 $0xFFFFF086;
	s6 =	sadd.s32 @!p0 s3, s7;
	s7 =	simm.s32 @!p0 $0x108  }
0x21: {  	s3 =	sadd.s32 s3, s9;
	s6 =	sadd.s32 @!p0 $0x88, s6;
	s7 =	simm.s32 @p2 $0x1082  }
0x22: {  	[simem:s7], [sflag:s8] =	dma.local @!p0 [hbm:s6], $0xF7A  }
0x23: {  	s9 =	sor.u32 $0xD0000000, s2;
	s6 =	simm.s32 $0x108;
	_ =	swait.ge @!p0 [sflag:s8], $0x0  }
0x24: {  	s3 =	sadd.s32 $0x88, s3;
	s6 =	simm.s32 @!p1 $0x1082;
	[sflag:s4] =	ssyncset.s32 $0xFFFFF086  }
0x25: {  	[simem:s6], [sflag:s4] =	dma.local [hbm:s3], $0xF7A  }
0x26: {  	[smem:$0x3F9E] =	sst s1;
	(tag) =	ssettag s2;
	_ =	strace s9  }
0x27: {  	s1 =	sld [smem:$0x3FAE]  }
0x28: {  	s2 =	sld [smem:$0x3FAF]  }
0x29: {  	s4 =	sld [smem:$0x3FB1]  }
0x2a: {  	p0 =	seq.s32 s5, $0x0;
	s5 =	sld [smem:$0x3FB2]  }
0x2b: {  	s6 =	sld [smem:$0x3FB3]  }
0x2c: {  	s7 =	sld [smem:$0x3FB4]  }
0x2d: {  	s3 =	simm.s32 $0x108;
	s8 =	sld [smem:$0x3FB5]  }
0x2e: {  	s3 =	simm.s32 @!p0 $0x1082;
	s9 =	sld [smem:$0x3FB6]  }
0x2f: {  	lr =	sadd.s32 s0, s3;
	s0 =	sld [smem:$0x3FAD]  }
0x30: {  	s3 =	sld [smem:$0x3FB0]  }
0x31: {  	[smem:$0x3FB9] =	sst s10  }
0x32: {  	s10 =	sld [smem:$0x3FB7];
	_ =	sdelay $0x3  }
0x33: {  	p0 =	seq.s32 s10, $0x1;
	s10 =	sld [smem:$0x3FB9];
	_ =	sdelay $0x3  }
0x34: {  	[smem:$0x3FB9] =	sst s10  }
0x35: {  	s10 =	sld [smem:$0x3FB8];
	_ =	sdelay $0x3  }
0x36: {  	p1 =	seq.s32 s10, $0x1;
	s10 =	sld [smem:$0x3FB9];
	_ =	sdelay $0x3  }
0x37: {  	[smem:$0x3FB9] =	sst s10  }
0x38: {  	s10 =	sld [smem:$0x3FBA]  }
0x39: {  	_ = 	snop;
	(pc) =	sbr.ind lr, $3  }
0x3a: {  	_ = 	snop  }
0x3b: {  	_ = 	snop  }
0x3c: {  	p2 =	seq.s32 s10, $0x1;
	s10 =	sld [smem:$0x3FB9]  }
0x3d: {  	_ =	shalt  }
0x3e: {  	_ =	shalt  }
0x3f: {  	_ =	shalt  }
0x40: {  	_ =	shalt  }
0x41: {  	_ =	shalt  }
0x42: {  	_ =	shalt  }
0x43: {  	_ =	shalt  }
0x44: {  	_ =	shalt  }
0x45: {  	_ =	shalt  }
0x46: {  	_ =	shalt  }
0x47: {  	_ =	shalt  }
0x48: {  	_ =	shalt  }
0x49: {  	_ =	shalt  }
0x4a: {  	_ =	shalt  }
0x4b: {  	_ =	shalt  }
0x4c: {  	_ =	shalt  }
0x4d: {  	_ =	shalt  }
0x4e: {  	_ =	shalt  }
0x4f: {  	_ =	shalt  }
0x50: {  	_ =	shalt  }
0x51: {  	_ =	shalt  }
0x52: {  	_ =	shalt  }
0x53: {  	_ =	shalt  }
0x54: {  	_ =	shalt  }
0x55: {  	_ =	shalt  }
0x56: {  	_ =	shalt  }
0x57: {  	_ =	shalt  }
0x58: {  	_ =	shalt  }
0x59: {  	_ =	shalt  }
0x5a: {  	_ =	shalt  }
0x5b: {  	_ =	shalt  }
0x5c: {  	_ =	shalt  }
0x5d: {  	_ =	shalt  }
0x5e: {  	_ =	shalt  }
0x5f: {  	_ =	shalt  }
0x60: {  	_ =	shalt  }
0x61: {  	_ =	shalt  }
0x62: {  	_ =	shalt  }
0x63: {  	_ =	shalt  }
0x64: {  	_ =	shalt  }
0x65: {  	_ =	shalt  }
0x66: {  	_ =	shalt  }
0x67: {  	_ =	shalt  }
0x68: {  	_ =	shalt  }
0x69: {  	_ =	shalt  }
0x6a: {  	_ =	shalt  }
0x6b: {  	_ =	shalt  }
0x6c: {  	_ =	shalt  }
0x6d: {  	_ =	shalt  }
0x6e: {  	_ =	shalt  }
0x6f: {  	_ =	shalt  }
0x70: {  	_ =	shalt  }
0x71: {  	_ =	shalt  }
0x72: {  	_ =	shalt  }
0x73: {  	_ =	shalt  }
0x74: {  	_ =	shalt  }
0x75: {  	_ =	shalt  }
0x76: {  	_ =	shalt  }
0x77: {  	_ =	shalt  }
0x78: {  	_ =	shalt  }
0x79: {  	_ =	shalt  }
0x7a: {  	_ =	shalt  }
0x7b: {  	_ =	shalt  }
0x7c: {  	_ =	shalt  }
0x7d: {  	_ =	shalt  }
0x7e: {  	_ =	shalt  }
0x7f: {  	_ =	shalt  }
0x80: {  	_ =	shalt  }
0x81: {  	_ =	shalt  }
0x82: {  	_ =	shalt  }
0x83: {  	_ =	shalt  }
0x84: {  	_ =	shalt  }
0x85: {  	_ =	shalt  }
0x86: {  	_ =	shalt  }
0x87: {  	_ =	shalt  }
.Lfunc_end0:
.L_simem_size_0:
called_computation.1_lowered:
.L_overlay_start_0:
0x88: {  	s2 =	sld [smem:$0x3FD9]  }
0x89: {  	s3 =	sld [smem:$0x3FFE];
	_ =	sdelay $0x1  }
0x8a: {  	s1 =	srdreg.scid  }
0x8b: {  	s0 =	sand.u32 $0x1, s1  }
0x8c: {  	s16 =	sshll.u32 s0, $0xA;
	s2 =	sadd.s32 s3, s2  }
0x8d: {  	s2 =	sadd.s32 s2, s16  }
0x8e: {  	[smem:$0x3FC5] =	sst s2  }
0x8f: {  	_ = 	snop  }
0x90: {  	(tm) =	ssettm $0x1  }
0x91: {  	s17 =	sld [smem:$0x3FFB];
	_ =	sdelay $0x3  }
0x92: {  	_ =	strace s17  }
0x93: {  	s2 =	sld [smem:$0x3FFC];
	_ =	sdelay $0x3  }
0x94: {  	_ =	strace s2  }
0x95: {  	s2 =	sld [smem:$0x3FFD];
	_ =	sdelay $0x3  }
0x96: {  	_ =	strace s2  }
0x97: {  	_ =	strace $0x8FFFFFFF  }
0x98: {  	s18 =	sld [smem:$0x3FDB];
	_ =	sdelay $0x1  }
0x99: {  	s19 =	simm.s32 $_scs_section_size  }
0x9a: {  	s4 =	simm.s32 $_size__tile_overlayer_lowered;
	s5 =	simm.s32 $_tile_overlayer_lowered  }
0x9b: {  	s22 =	simm.s32 $0x1BFF;
	s21 =	sshll.u32 s5, $0x1;
	s2 =	sadd.s32 s19, s18  }
0x9c: {  	s6 =	simm.s32 $0x0;
	s20 =	sshll.u32 s4, $0x1;
	s4 =	sadd.s32 s21, s2  }
0x9d: {  	[timem:s6], [sflag:s22] =	dma.local [hbm:s4], s20  }
0x9e: {  	_ =	swait.ge [sflag:s22], s20  }
0x9f: {  	s3 =	ssub.s32 $0x0, s20;
	[sflag:s22] =	ssyncset.done $0x0  }
0xa0: {  	[sflag:s22] =	ssyncadd.s32 s3;
	_ =	sdelay $0x1  }
0xa1: {  	s23 =	simm.s32 $0x1B8B  }
0xa2: {  	_ =	swait.ge [sflag:s23], $0x1  }
0xa3: {  	[sflag:s23] =	ssyncset.done $0x0  }
0xa4: {  	s25 =	simm.s32 $0x1B8E;
	s24 =	sld [smem:$0x3FFE];
	[sflag:s23] =	ssyncadd.s32 $0xFFFFFFFF  }
0xa5: {  	s26 =	simm.s32 $execute0_lowered;
	[smem:$0x3FD2] =	sst s25  }
0xa6: {  	s4 =	sshll.u32 s26, $0x1;
	_ =	strace $0x80000049;
	[dreg:$0x1] =	wrdreg $0xFFFFFFFF  }
0xa7: {  	s28 =	simm.s32 $_size_execute0_lowered;
	s2 =	sadd.s32 s2, s4;
	[dreg:$0x0] =	wrdreg $0x0  }
0xa8: {  	s4 =	sshll.u32 s28, $0x1;
	[dreg:$0x2] =	wrdreg s2  }
0xa9: {  	[dreg:$0x3] =	wrdreg s4  }
0xaa: {  	[dreg:$0x4] =	wrdreg $0xC0  }
0xab: {  	_ =	task [dreg:s6], $0x5FFFF  }
0xac: {  	[dreg:$0x1] =	wrdreg $0xFFFFFFFF  }
0xad: {  	[dreg:$0x0] =	wrdreg $0x60  }
0xae: {  	[dreg:$0x2] =	wrdreg s24  }
0xaf: {  	[dreg:$0x3] =	wrdreg $0x9  }
0xb0: {  	_ =	task.clear_ibuf [dreg:s6], $0x4FFFF;
	_ =	strace $0x90000049  }
0xb1: {  	s29 =	simm.s32 $0x9;
	_ =	strace $0x8000004B  }
0xb2: {  	_ =	swait.ge [sflag:s29], $0x1  }
0xb3: {  	[sflag:s29] =	ssyncadd.s32 $0xFFFFFFFF  }
0xb4: {  	_ =	strace $0x9000004B  }
0xb5: {  	_ =	sfence  }
0xb6: {  	s30 =	sld [smem:$0x0];
	_ =	sdelay $0x2  }
0xb7: {  	s31 =	sshll.u32 s1, $0xD;
	s1 =	sshrl.u32 s1, $0x2  }
0xb8: {  	s3 =	sand.u32 $0x4000, s31;
	s1 =	sadd.s32 s1, s30  }
0xb9: {  	s0 =	sor.u32 s3, s0;
	s1 =	sshll.u32 s1, $0x11  }
0xba: {  	s0 =	sor.u32 s1, s0  }
0xbb: {  	s0 =	sadd.s32 $0x8F2B, s0  }
0xbc: {  	[sflag:s0] =	ssyncadd.remote.s32 $0x1  }
0xbd: {  	_ =	sfence.sel $0xFFFF  }
0xbe: {  	[dreg:$0x0] =	wrdreg $0xFFFFFFFF;
	(pc) =	sbr.abs _section_cstart, $3  }
0xbf: {  	[dreg:$0x1] =	wrdreg $0xFFFFFFFF  }
0xc0: {  	_ =	task.clear_ibuf [dreg:s6], $0x2FFFF;
	_ =	strace $0x9FFFFFFF  }
0xc1: {  	(tm) =	ssettm $0x7FFFFFFF  }
tec
execute0_lowered:
.L_overlay_start_1:
0x0: {  	(tag) =	ssettag $0x1  }
0x1: {  	s1 =	srdreg.scid  }
0x2: {  	s3 =	sand.u32 $0x1, s1;
	s1 =	stileid.u32  }
0x3: {  	s4 =	sshll.u32 s3, $0x4;
	s6 =	ssub.s32 $0x0, s1  }
0x4: {  	p0 =	sne.s32 s4, s6  }
.Ltmp0:
0x5: {  	_ = 	snop;
	(pc) =	sbr.rel @p0 .LBB2_9-.Ltmp0, $4  }
0x6: {  	_ = 	snop  }
0x7: {  	s5 =	rddreg [dreg:$0x0];
	s2 =	simm.s32 $0x0  }
0x8: {  	[smem:$0x7FF] =	sst s2  }
0x9: {  	s0 =	rddreg [dreg:$0x1];
	_ =	strace $0x8000004A  }
0xa: {  	s6 =	ssub.s32 $0x2, s3;
	s3 =	sadd.s32 $0xBCC00, s5;
	s4 =	sadd.s32 $0xC0C00, s5  }
0xb: {  	s5 =	sadd.s32 $0xC4C00, s5;
	s8 =	simm.s32 $0x2000;
	s7 =	sshrl.u32 s6, $0x1  }
0xc: {  	s9 =	simm.s32 $0x4000;
	s10 =	simm.s32 $0x0;
	s6 =	ssub.s32 s6, s7  }
0xd: {  	v0 =	vlaneseq.u32;
	s11 =	simm.s32 $0x0;
	s7 =	simm.s32 $0x1;
	s6 =	smax.u32 s6, $0x1  }
.LBB2_2:
0xe: {  	s12 =	simm.s32 $0x0;
	s13 =	simm.s32 $0x0  }
.LBB2_3:
0xf: {  	s14 =	sshll.u32 s13, $0xA  }
0x10: {  	s15 =	sadd.s32 s3, s14  }
0x11: {  	[tilespmem:s11], [sflag:$0x1] =	stream.linear.gather [hbm4b:s15+s11], $0x2000, $0x38;
	[tilespmem:$0x4200] =	vst v63  }
0x12: {  	_ =	swait.ge [sflag:s7], $0x2000  }
0x13: {  	[sflag:s7] =	ssyncset.done $0x0  }
0x14: {  	s16 =	simm.s32 $0x0;
	s15 =	sshll.u32 s13, $0x4;
	[sflag:s7] =	ssyncadd.s32 $0xFFFFE000  }
.LBB2_4:
0x15: {  	s17 =	sshll.u32 s16, $0x9  }
0x16: {  	s18 =	sadd.s32 $0x0, s17  }
0x17: {  	v2 =	vor.u32 s18, v0;
	_ =	sdelay $0x4  }
0x18: {  	v3 =	vld.idx.msk [tilespmem:v2+s2+$0x0], $0xffff;
	_ =	sdelay $0x4  }
0x19: {  	(xrf0) =	vadd.scan.msk.s32 $0xffff, v3;
	_ =	sdelay $0x5  }
0x1a: {  	s30 =	sadd.s32 $0x10, s17;
	v4, _, _ =	vpop (xrf0)  }
0x1b: {  	v1 =	vor.u32 s30, v0;
	(v2sf) =	vpush v4, $0xF  }
0x1c: {  	s31 =	sadd.s32 $0x0, s12  }
0x1d: {  	v3 =	vsub.s32 s31, v3  }
0x1e: {  	v3 =	vadd.s32 v4, v3  }
0x1f: {  	[tilespmem:v2+s8+$0x0] =	vst.idx.msk $0xffff, v3  }
0x20: {  	v2 =	vld.idx.msk [tilespmem:v1+s2+$0x0], $0xffff;
	_ =	sdelay $0x4  }
0x21: {  	(xrf0) =	vadd.scan.msk.s32 $0xffff, v2;
	_ =	sdelay $0x3  }
0x22: {  	s20 =	simm.s32 $0x20;
	s19 =	simm.s32 $0x3;
	s18 =	simm.s32 $0x0  }
.LBB2_5:
0x23: {  	p0 =	sne.s32 s19, $0x1F;
	s20 =	sadd.s32 s17, s20;
	s21 =	spop (v2sf)  }
0x24: {  	v3 =	vor.u32 s20, v0;
	v4, _, _ =	vpop (xrf0);
	s18 =	sadd.s32 s18, s21  }
0x25: {  	s20 =	sadd.s32 s12, s18;
	(v2sf) =	vpush v4, $0xF  }
0x26: {  	v2 =	vsub.s32 s20, v2  }
0x27: {  	v2 =	vadd.s32 v4, v2  }
0x28: {  	[tilespmem:v1+s8+$0x0] =	vst.idx.msk $0xffff, v2;
	v1 =	vmov v3  }
0x29: {  	v2 =	vld.idx.msk [tilespmem:v3+s2+$0x0], $0xffff;
	_ =	sdelay $0x5  }
.Ltmp1:
0x2a: {  	(xrf0) =	vadd.scan.msk.s32 $0xffff, v2;
	(pc) =	sbr.rel @p0 .LBB2_5-.Ltmp1, $2  }
0x2b: {  	_ =	sdelay $0x2  }
0x2c: {  	s20 =	sshll.u32 s19, $0x4;
	s19 =	sadd.s32 $0x1, s19  }
0x2d: {  	s17 =	sadd.s32 s17, s20;
	s19 =	spop (v2sf)  }
0x2e: {  	v3 =	vor.u32 s17, v0;
	s28 =	sadd.s32 s18, s19  }
0x2f: {  	s18 =	sadd.s32 s12, s28  }
0x30: {  	v4, _, _ =	vpop (xrf0);
	v2 =	vsub.s32 s18, v2  }
0x31: {  	v2 =	vadd.s32 v4, v2  }
0x32: {  	[tilespmem:v1+s8+$0x0] =	vst.idx.msk $0xffff, v2  }
0x33: {  	v1 =	vld.idx.msk [tilespmem:v3+s2+$0x0], $0xffff;
	_ =	sdelay $0x4  }
0x34: {  	(xrf0) =	vadd.scan.msk.s32 $0xffff, v1;
	_ =	sdelay $0x2  }
0x35: {  	(v2sf) =	vpush v4, $0xF;
	_ =	sdelay $0x2  }
0x36: {  	v2, _, _ =	vpop (xrf0)  }
0x37: {  	(v2sf) =	vpush v2, $0xF;
	_ =	sdelay $0xa  }
0x38: {  	s30 =	sadd.s32 s15, s16;
	s29 =	spop (v2sf)  }
0x39: {  	s16 =	sadd.s32 $0x1, s16;
	v63 =	vmov s30;
	s17 =	sadd.s32 s28, s29  }
0x3a: {  	p0 =	sne.s32 s16, $0x10;
	v5 =	vor.u32 $0x100, v63;
	s18 =	sadd.s32 s12, s17  }
.Ltmp2:
0x3b: {  	v1 =	vsub.s32 s18, v1;
	(pc) =	sbr.rel @p0 .LBB2_4-.Ltmp2, $4  }
0x3c: {  	v1 =	vadd.s32 v2, v1;
	s31 =	spop (v2sf)  }
0x3d: {  	[tilespmem:v3+s8+$0x0] =	vst.idx.msk $0xffff, v1;
	v1 =	vmov s12;
	s17 =	sadd.s32 s17, s31  }
0x3e: {  	[tilespmem:v63+s9+$0x0] =	vst.idx.msk $0x1, v1;
	v1 =	vmov s17  }
0x3f: {  	s12 =	sadd.s32 s12, s17;
	[tilespmem:v5+s9+$0x0] =	vst.idx.msk $0x1, v1  }
0x40: {  	s13 =	sadd.s32 $0x1, s13  }
0x41: {  	p0 =	sne.s32 s13, $0x10  }
.Ltmp3:
0x42: {  	s14 =	sadd.s32 s4, s14;
	(pc) =	sbr.rel @p0 .LBB2_3-.Ltmp3, $4  }
0x43: {  	[hbm4b:s14+s2] =	stream.linear.scatter [tilespmem:s8], [sflag:$0x1], $0x2000, $0x38;
	[tilespmem:$0x4200] =	vst v63  }
0x44: {  	_ =	swait.ge [sflag:s7], $0x2000  }
0x45: {  	[sflag:s7] =	ssyncset.done $0x0  }
0x46: {  	[sflag:s7] =	ssyncadd.s32 $0xFFFFE000  }
0x47: {  	s10 =	sadd.s32 $0x1, s10  }
0x48: {  	p0 =	sne.s32 s10, s6  }
.Ltmp4:
0x49: {  	_ = 	snop;
	(pc) =	sbr.rel @p0 .LBB2_2-.Ltmp4, $4  }
0x4a: {  	[hbm4b:s5+s2] =	stream.linear.scatter [tilespmem:s9], [sflag:$0x1], $0x200, $0x38;
	[tilespmem:$0x4200] =	vst v63  }
0x4b: {  	_ =	swait.ge [sflag:s7], $0x200  }
0x4c: {  	[sflag:s7] =	ssyncset.done $0x0  }
0x4d: {  	[sflag:s7] =	ssyncadd.s32 $0xFFFFFE00  }
.LBB2_9:
0x4e: {  	_ =	sfence.sel $0x180000  }
0x4f: {  	[bflag:$0x0] =	sbarrier.arrive $0xFFFF  }
0x50: {  	p0 =	sne.s32 s1, $0x0;
	_ =	strace $0x9000004A  }
0x51: {  	s0 =	sadd.s32 @!p0 $0x100000, s0;
	[bflag:$0x2] =	sbarrier.arrive $0xFFFF  }
0x52: {  	[sflag:s0] =	ssyncadd.tile.s32 @!p0 $0x1;
	_ =	shalt  }
.Lfunc_end2:
_tile_overlayer_lowered:
.L_overlay_start_2:
0x53: {  	(tag) =	ssettag $0x2  }
0x54: {  	s0 =	rddreg [dreg:$0x0];
	s2 =	stileid.u32  }
0x55: {  	s1 =	rddreg [dreg:$0x1];
	p0 =	sne.s32 s2, $0x0  }
0x56: {  	s3 =	rddreg [dreg:$0x2];
	[bflag:$0x3] =	sbarrier.arrive $0xFFFF;
	s2 =	simm.s32 @!p0 $0x1C01  }
0x57: {  	[timem:s3], [sflag:s2] =	dma.local @!p0 [hbm:s0], s1  }
0x58: {  	s0 =	simm.s32 @!p0 $0x1  }
0x59: {  	_ =	swait.ge @!p0 [sflag:s0], s1  }
0x5a: {  	s1 =	ssub.s32 @!p0 $0x0, s1;
	[sflag:s0] =	ssyncset.done @!p0 $0x0  }
0x5b: {  	[sflag:s0] =	ssyncadd.s32 @!p0 s1  }
0x5c: {  	[bflag:$0x3] =	sbarrier.arrive $0xFFFF  }
0x5d: {  	_ =	shalt  }

// kernel: kernel.13.cloned.1.call-start
scs
__scs_entry_jumppad:
0x0: {  	(pc) =	sbr.rel $0x88, $3  }
0x1: {  	(tag) =	ssettag $0x0;
	lr =	simm.s32 $0x1  }
0x2: {  	[smem:$0x3F9E] =	sst lr;
	_ =	strace $0xD0000000  }
0x3: {  	_ = 	snop  }
0x4: {  	_ = 	snop  }
0x5: {  	_ = 	snop  }
0x6: {  	_ = 	snop  }
0x7: {  	_ = 	snop  }
__scs_overlays_trampoline_lowered:
0x8: {  	[smem:$0x3FAD] =	sst s0  }
0x9: {  	[smem:$0x3FAE] =	sst s1  }
0xa: {  	[smem:$0x3FAF] =	sst s2  }
0xb: {  	[smem:$0x3FB0] =	sst s3  }
0xc: {  	[smem:$0x3FB1] =	sst s4  }
0xd: {  	[smem:$0x3FB2] =	sst s5  }
0xe: {  	[smem:$0x3FB3] =	sst s6  }
0xf: {  	[smem:$0x3FB4] =	sst s7  }
0x10: {  	[smem:$0x3FB5] =	sst s8  }
0x11: {  	[smem:$0x3FB6] =	sst s9;
	s0 =	simm.s32 @!p0 $0x0  }
0x12: {  	s1 =	sld [smem:$0x3F9C];
	s0 =	simm.s32 @p0 $0x1  }
0x13: {  	[smem:$0x3FB7] =	sst s0;
	s0 =	simm.s32 @!p1 $0x0  }
0x14: {  	s2 =	sld [smem:$0x3F9B];
	s0 =	simm.s32 @p1 $0x1  }
0x15: {  	[smem:$0x3FB8] =	sst s0;
	s0 =	simm.s32 @!p2 $0x0  }
0x16: {  	s3 =	sld [smem:$0x3FDB];
	s0 =	simm.s32 @p2 $0x1  }
0x17: {  	s4 =	simm.s32 $0x1BF5;
	[smem:$0x3FBA] =	sst s0  }
0x18: {  	s0 =	sld [smem:$0x3F9D];
	_ =	swait.ge [sflag:s4], $0x0  }
0x19: {  	s7 =	sld [smem:$0x3F9E]  }
0x1a: {  	s8 =	sadd.s32 $0xFFFFE003, lr  }
0x1b: {  	s9 =	sadd.s32 $0xFFFFFEF7, lr;
	s5 =	simm.s32 $0xFFFFFFFF;
	p2 =	slt.u32 s8, $0xFFFFF086  }
0x1c: {  	p1 =	slt.u32 s9, $0xF7A;
	s5 =	simm.s32 @!p2 $0x0  }
0x1d: {  	s5 =	simm.s32 @p1 $0x1;
	p0 =	seq.s32 s7, s2  }
0x1e: {  	s7 =	smul.u32 @!p0 $0xF7A, s2;
	p2 =	seq.s32 @!p0 s5, $0x0  }
0x1f: {  	s9 =	smul.u32 $0xF7A, s1;
	s8 =	simm.s32 @!p0 $0x1BF5;
	p2 =	por !p2, p0  }
0x20: {  	[sflag:s8] =	ssyncset.s32 @!p0 $0xFFFFF086;
	s6 =	sadd.s32 @!p0 s3, s7;
	s7 =	simm.s32 @!p0 $0x108  }
0x21: {  	s3 =	sadd.s32 s3, s9;
	s6 =	sadd.s32 @!p0 $0x88, s6;
	s7 =	simm.s32 @p2 $0x1082  }
0x22: {  	[simem:s7], [sflag:s8] =	dma.local @!p0 [hbm:s6], $0xF7A  }
0x23: {  	s9 =	sor.u32 $0xD0000000, s2;
	s6 =	simm.s32 $0x108;
	_ =	swait.ge @!p0 [sflag:s8], $0x0  }
0x24: {  	s3 =	sadd.s32 $0x88, s3;
	s6 =	simm.s32 @!p1 $0x1082;
	[sflag:s4] =	ssyncset.s32 $0xFFFFF086  }
0x25: {  	[simem:s6], [sflag:s4] =	dma.local [hbm:s3], $0xF7A  }
0x26: {  	[smem:$0x3F9E] =	sst s1;
	(tag) =	ssettag s2;
	_ =	strace s9  }
0x27: {  	s1 =	sld [smem:$0x3FAE]  }
0x28: {  	s2 =	sld [smem:$0x3FAF]  }
0x29: {  	s4 =	sld [smem:$0x3FB1]  }
0x2a: {  	p0 =	seq.s32 s5, $0x0;
	s5 =	sld [smem:$0x3FB2]  }
0x2b: {  	s6 =	sld [smem:$0x3FB3]  }
0x2c: {  	s7 =	sld [smem:$0x3FB4]  }
0x2d: {  	s3 =	simm.s32 $0x108;
	s8 =	sld [smem:$0x3FB5]  }
0x2e: {  	s3 =	simm.s32 @!p0 $0x1082;
	s9 =	sld [smem:$0x3FB6]  }
0x2f: {  	lr =	sadd.s32 s0, s3;
	s0 =	sld [smem:$0x3FAD]  }
0x30: {  	s3 =	sld [smem:$0x3FB0]  }
0x31: {  	[smem:$0x3FB9] =	sst s10  }
0x32: {  	s10 =	sld [smem:$0x3FB7];
	_ =	sdelay $0x3  }
0x33: {  	p0 =	seq.s32 s10, $0x1;
	s10 =	sld [smem:$0x3FB9];
	_ =	sdelay $0x3  }
0x34: {  	[smem:$0x3FB9] =	sst s10  }
0x35: {  	s10 =	sld [smem:$0x3FB8];
	_ =	sdelay $0x3  }
0x36: {  	p1 =	seq.s32 s10, $0x1;
	s10 =	sld [smem:$0x3FB9];
	_ =	sdelay $0x3  }
0x37: {  	[smem:$0x3FB9] =	sst s10  }
0x38: {  	s10 =	sld [smem:$0x3FBA]  }
0x39: {  	_ = 	snop;
	(pc) =	sbr.ind lr, $3  }
0x3a: {  	_ = 	snop  }
0x3b: {  	_ = 	snop  }
0x3c: {  	p2 =	seq.s32 s10, $0x1;
	s10 =	sld [smem:$0x3FB9]  }
0x3d: {  	_ =	shalt  }
0x3e: {  	_ =	shalt  }
0x3f: {  	_ =	shalt  }
0x40: {  	_ =	shalt  }
0x41: {  	_ =	shalt  }
0x42: {  	_ =	shalt  }
0x43: {  	_ =	shalt  }
0x44: {  	_ =	shalt  }
0x45: {  	_ =	shalt  }
0x46: {  	_ =	shalt  }
0x47: {  	_ =	shalt  }
0x48: {  	_ =	shalt  }
0x49: {  	_ =	shalt  }
0x4a: {  	_ =	shalt  }
0x4b: {  	_ =	shalt  }
0x4c: {  	_ =	shalt  }
0x4d: {  	_ =	shalt  }
0x4e: {  	_ =	shalt  }
0x4f: {  	_ =	shalt  }
0x50: {  	_ =	shalt  }
0x51: {  	_ =	shalt  }
0x52: {  	_ =	shalt  }
0x53: {  	_ =	shalt  }
0x54: {  	_ =	shalt  }
0x55: {  	_ =	shalt  }
0x56: {  	_ =	shalt  }
0x57: {  	_ =	shalt  }
0x58: {  	_ =	shalt  }
0x59: {  	_ =	shalt  }
0x5a: {  	_ =	shalt  }
0x5b: {  	_ =	shalt  }
0x5c: {  	_ =	shalt  }
0x5d: {  	_ =	shalt  }
0x5e: {  	_ =	shalt  }
0x5f: {  	_ =	shalt  }
0x60: {  	_ =	shalt  }
0x61: {  	_ =	shalt  }
0x62: {  	_ =	shalt  }
0x63: {  	_ =	shalt  }
0x64: {  	_ =	shalt  }
0x65: {  	_ =	shalt  }
0x66: {  	_ =	shalt  }
0x67: {  	_ =	shalt  }
0x68: {  	_ =	shalt  }
0x69: {  	_ =	shalt  }
0x6a: {  	_ =	shalt  }
0x6b: {  	_ =	shalt  }
0x6c: {  	_ =	shalt  }
0x6d: {  	_ =	shalt  }
0x6e: {  	_ =	shalt  }
0x6f: {  	_ =	shalt  }
0x70: {  	_ =	shalt  }
0x71: {  	_ =	shalt  }
0x72: {  	_ =	shalt  }
0x73: {  	_ =	shalt  }
0x74: {  	_ =	shalt  }
0x75: {  	_ =	shalt  }
0x76: {  	_ =	shalt  }
0x77: {  	_ =	shalt  }
0x78: {  	_ =	shalt  }
0x79: {  	_ =	shalt  }
0x7a: {  	_ =	shalt  }
0x7b: {  	_ =	shalt  }
0x7c: {  	_ =	shalt  }
0x7d: {  	_ =	shalt  }
0x7e: {  	_ =	shalt  }
0x7f: {  	_ =	shalt  }
0x80: {  	_ =	shalt  }
0x81: {  	_ =	shalt  }
0x82: {  	_ =	shalt  }
0x83: {  	_ =	shalt  }
0x84: {  	_ =	shalt  }
0x85: {  	_ =	shalt  }
0x86: {  	_ =	shalt  }
0x87: {  	_ =	shalt  }
.Lfunc_end0:
.L_simem_size_0:
called_computation.2_lowered:
.L_overlay_start_0:
0x88: {  	s2 =	sld [smem:$0x3FD9]  }
0x89: {  	s3 =	sld [smem:$0x3FFE];
	_ =	sdelay $0x1  }
0x8a: {  	s1 =	srdreg.scid  }
0x8b: {  	s0 =	sand.u32 $0x1, s1  }
0x8c: {  	s17 =	sshll.u32 s0, $0xA;
	s2 =	sadd.s32 s3, s2  }
0x8d: {  	s2 =	sadd.s32 s2, s17  }
0x8e: {  	[smem:$0x3FC5] =	sst s2  }
0x8f: {  	_ = 	snop  }
0x90: {  	s2 =	sld [smem:$0x3FD0];
	(tm) =	ssettm $0x1  }
0x91: {  	s18 =	sld [smem:$0x3FFB];
	_ =	sdelay $0x3  }
0x92: {  	_ =	strace s18  }
0x93: {  	s3 =	sld [smem:$0x3FFC];
	_ =	sdelay $0x3  }
0x94: {  	_ =	strace s3  }
0x95: {  	s3 =	sld [smem:$0x3FFD];
	_ =	sdelay $0x3  }
0x96: {  	_ =	strace s3  }
0x97: {  	_ =	strace $0x8FFFFFFF  }
0x98: {  	s19 =	sld [smem:$0x3FDB];
	_ =	sdelay $0x1  }
0x99: {  	s4 =	simm.s32 $_scs_section_size  }
0x9a: {  	s5 =	simm.s32 $_size__tile_overlayer_lowered;
	s6 =	simm.s32 $_tile_overlayer_lowered  }
0x9b: {  	s22 =	simm.s32 $0x1BFF;
	s21 =	sshll.u32 s6, $0x1;
	s3 =	sadd.s32 s4, s19  }
0x9c: {  	s7 =	simm.s32 $0x0;
	s20 =	sshll.u32 s5, $0x1;
	s5 =	sadd.s32 s21, s3  }
0x9d: {  	[timem:s7], [sflag:s22] =	dma.local [hbm:s5], s20  }
0x9e: {  	_ =	swait.ge [sflag:s22], s20  }
0x9f: {  	s4 =	ssub.s32 $0x0, s20;
	[sflag:s22] =	ssyncset.done $0x0  }
0xa0: {  	[sflag:s22] =	ssyncadd.s32 s4;
	_ =	sdelay $0x1  }
0xa1: {  	s23 =	simm.s32 $0x1B8B  }
0xa2: {  	_ =	swait.ge [sflag:s23], $0x1  }
0xa3: {  	[sflag:s23] =	ssyncset.done $0x0  }
0xa4: {  	s25 =	simm.s32 $0x1B8E;
	s24 =	sld [smem:$0x3FFE];
	[sflag:s23] =	ssyncadd.s32 $0xFFFFFFFF  }
0xa5: {  	s26 =	simm.s32 $execute0_lowered;
	[smem:$0x3FD2] =	sst s25  }
0xa6: {  	s5 =	sshll.u32 s26, $0x1;
	_ =	strace $0x8000004C;
	[dreg:$0x1] =	wrdreg $0xFFFFFFFF  }
0xa7: {  	s28 =	simm.s32 $_size_execute0_lowered;
	s3 =	sadd.s32 s3, s5;
	[dreg:$0x0] =	wrdreg $0x0  }
0xa8: {  	s5 =	sshll.u32 s28, $0x1;
	[dreg:$0x2] =	wrdreg s3  }
0xa9: {  	[dreg:$0x3] =	wrdreg s5  }
0xaa: {  	[dreg:$0x4] =	wrdreg $0xC0  }
0xab: {  	_ =	task [dreg:s7], $0x5FFFF  }
0xac: {  	[dreg:$0x1] =	wrdreg $0xFFFFFFFF  }
0xad: {  	[dreg:$0x0] =	wrdreg $0x60  }
0xae: {  	[dreg:$0x2] =	wrdreg s2  }
0xaf: {  	[dreg:$0x3] =	wrdreg s24  }
0xb0: {  	[dreg:$0x4] =	wrdreg $0x9  }
0xb1: {  	_ =	task.clear_ibuf [dreg:s7], $0x5FFFF;
	_ =	strace $0x9000004C  }
0xb2: {  	s29 =	simm.s32 $0x9;
	_ =	strace $0x8000004E  }
0xb3: {  	_ =	swait.ge [sflag:s29], $0x1  }
0xb4: {  	[sflag:s29] =	ssyncadd.s32 $0xFFFFFFFF  }
0xb5: {  	_ =	strace $0x9000004E  }
0xb6: {  	_ =	sfence  }
0xb7: {  	s30 =	sld [smem:$0x0];
	_ =	sdelay $0x2  }
0xb8: {  	s31 =	sshll.u32 s1, $0xD;
	s1 =	sshrl.u32 s1, $0x2  }
0xb9: {  	s3 =	sand.u32 $0x4000, s31;
	s1 =	sadd.s32 s1, s30  }
0xba: {  	s0 =	sor.u32 s3, s0;
	s1 =	sshll.u32 s1, $0x11  }
0xbb: {  	s0 =	sor.u32 s1, s0  }
0xbc: {  	s0 =	sadd.s32 $0x8F2B, s0  }
0xbd: {  	[sflag:s0] =	ssyncadd.remote.s32 $0x1  }
0xbe: {  	_ =	sfence.sel $0xFFFF  }
0xbf: {  	[dreg:$0x0] =	wrdreg $0xFFFFFFFF;
	(pc) =	sbr.abs _section_cstart, $3  }
0xc0: {  	[dreg:$0x1] =	wrdreg $0xFFFFFFFF  }
0xc1: {  	_ =	task.clear_ibuf [dreg:s7], $0x2FFFF;
	_ =	strace $0x9FFFFFFF  }
0xc2: {  	(tm) =	ssettm $0x7FFFFFFF  }
0xc3: {  	_ =	shalt  }
tec
execute0_lowered:
.L_overlay_start_1:
0x0: {  	(tag) =	ssettag $0x1  }
0x1: {  	s1 =	rddreg [dreg:$0x0]  }
0x2: {  	s0 =	rddreg [dreg:$0x1];
	s2 =	simm.s32 $0x0  }
0x3: {  	s3 =	srdreg.scid;
	s8 =	stileid.u32;
	s17 =	simm.s32 $0x4000  }
0x4: {  	s18 =	simm.s32 $0x3;
	s22 =	simm.s32 $0x1;
	s23 =	simm.s32 $0x5000  }
0x5: {  	s24 =	simm.s32 $0x15000;
	s25 =	simm.s32 $0x80;
	s26 =	simm.s32 $0x2  }
0x6: {  	s28 =	simm.s32 $0x0;
	[smem:$0x7FF] =	sst s2;
	s3 =	sand.u32 $0x1, s3  }
0x7: {  	s4 =	sadd.s32 $0x2C00, s0;
	s5 =	sadd.s32 $0x40C00, s0;
	s7 =	sshll.u32 s3, $0x4  }
0x8: {  	s6 =	sadd.s32 $0x7EC00, s0;
	_ =	strace $0x8000004D;
	s7 =	sor.u32 s8, s7  }
0x9: {  	s3 =	ssub.s32 $0x2, s3;
	s8 =	sshll.u32 s7, $0x1;
	s7 =	smul.u32 $0xF800, s7  }
0xa: {  	s29 =	sshrl.u32 s3, $0x1;
	s9 =	sadd.s32 s8, s0;
	s8 =	sadd.s32 $0xC4E00, s0  }
0xb: {  	v0 =	vlaneseq.u32;
	s0 =	ssub.s32 s3, s29;
	s30 =	sadd.s32 $0xC0C00, s9;
	s31 =	sshrl.u32 s7, $0x3  }
0xc: {  	v2 =	vshrl.u32 v0, $0x3;
	s14 =	smax.u32 s0, $0x1;
	[dreg:$0x3] =	wrdreg s30;
	s10 =	sadd.s32 s1, s31  }
0xd: {  	v1 =	vmul.u32 $0x10, v0;
	v3 =	vand.u32 $0x7, v0;
	v2 =	vmul.u32 $0x8, v2;
	s11 =	sadd.s32 s4, s31;
	s12 =	sadd.s32 s5, s31;
	s13 =	sadd.s32 s6, s31  }
.LBB2_1:
0xe: {  	s0 =	rddreg [dreg:$0x3];
	s3 =	simm.s32 $0x10;
	s9 =	simm.s32 $0x200  }
0xf: {  	[tilespmem:s17], [sflag:$0x3] =	stream.strided.gather [hbm4b:s0+s3], $0x1000, s9, s3, $0x38;
	[tilespmem:$0x16000] =	vst v63  }
0x10: {  	_ =	swait.ge [sflag:s18], $0x1000  }
0x11: {  	[sflag:s18] =	ssyncset.done $0x0  }
0x12: {  	[sflag:s18] =	ssyncadd.s32 $0xFFFFF000  }
0x13: {  	[tilespmem:s2], [sflag:$0x1] =	stream.linear.gather [hbm4b:s10+s2], $0x800, $0x38;
	[tilespmem:$0x16000] =	vst v63  }
0x14: {  	s21 =	simm.s32 $0x1000  }
0x15: {  	[tilespmem:s21], [sflag:$0x1] =	stream.linear.gather [hbm4b:s11+s2], $0x800, $0x38;
	[tilespmem:$0x16000] =	vst v63  }
0x16: {  	s30 =	simm.s32 $0x2000  }
0x17: {  	[tilespmem:s30], [sflag:$0x1] =	stream.linear.gather [hbm4b:s12+s2], $0x800, $0x38;
	[tilespmem:$0x16000] =	vst v63  }
0x18: {  	s31 =	simm.s32 $0x3000;
	s29 =	simm.s32 $0x0  }
0x19: {  	[tilespmem:s31], [sflag:$0x1] =	stream.linear.gather [hbm4b:s13+s2], $0x800, $0x38;
	[tilespmem:$0x16000] =	vst v63  }
.LBB2_2:
0x1a: {  	_ =	swait.ge [sflag:s22], $0x800  }
0x1b: {  	[sflag:s22] =	ssyncset.done $0x0  }
0x1c: {  	[sflag:s22] =	ssyncadd.s32 $0xFFFFF800  }
0x1d: {  	_ =	swait.ge [sflag:s22], $0x800  }
0x1e: {  	[sflag:s22] =	ssyncset.done $0x0  }
0x1f: {  	[sflag:s22] =	ssyncadd.s32 $0xFFFFF800  }
0x20: {  	_ =	swait.ge [sflag:s22], $0x800  }
0x21: {  	s30 =	sadd.s32 $0x1, s29;
	p0 =	seq.s32 s29, $0x1E;
	[sflag:s22] =	ssyncset.done $0x0  }
0x22: {  	s31 =	sand.u32 $0x1, s29;
	s0 =	sshll.u32 @!p0 s30, $0xB;
	[sflag:s22] =	ssyncadd.s32 $0xFFFFF800  }
0x23: {  	s19 =	simm.s32 @!p0 $0x0;
	s3 =	sadd.s32 @!p0 s7, s0;
	_ =	swait.ge [sflag:s22], $0x800  }
0x24: {  	s0 =	sshll.u32 @!p0 s31, $0xB;
	s3 =	sshrl.u32 @!p0 s3, $0x3;
	[sflag:s22] =	ssyncset.done $0x0  }
0x25: {  	s15 =	sxor.u32 @!p0 $0x800, s0;
	s16 =	sadd.s32 @!p0 s1, s3;
	[sflag:s22] =	ssyncadd.s32 $0xFFFFF800  }
0x26: {  	[tilespmem:s15], [sflag:$0x1] =	stream.linear.gather @!p0 [hbm4b:s16+s19], $0x800, $0x38;
	[tilespmem:$0x16000] =	vst v63  }
0x27: {  	s20 =	sadd.s32 @!p0 s4, s3;
	s16 =	sor.u32 @!p0 $0x1000, s15  }
0x28: {  	[tilespmem:s16], [sflag:$0x1] =	stream.linear.gather @!p0 [hbm4b:s20+s19], $0x800, $0x38;
	[tilespmem:$0x16000] =	vst v63  }
0x29: {  	s16 =	sor.u32 @!p0 $0x2000, s15;
	s20 =	sadd.s32 @!p0 s5, s3  }
0x2a: {  	[tilespmem:s16], [sflag:$0x1] =	stream.linear.gather @!p0 [hbm4b:s20+s19], $0x800, $0x38;
	[tilespmem:$0x16000] =	vst v63  }
0x2b: {  	s0 =	simm.s32 @p0 $0x0;
	s15 =	sor.u32 @!p0 $0x3000, s15;
	s3 =	sadd.s32 @!p0 s6, s3  }
0x2c: {  	[tilespmem:s15], [sflag:$0x1] =	stream.linear.gather @!p0 [hbm4b:s3+s19], $0x800, $0x38;
	[tilespmem:$0x16000] =	vst v63  }
0x2d: {  	s3 =	sor.u32 $0x1000, s0  }
0x2e: {  	v6 =	vld [tilespmem:s3+$0x0];
	_ =	sdelay $0x1  }
0x2f: {  	s15 =	sor.u32 $0x2000, s0  }
0x30: {  	v7 =	vld [tilespmem:s15+$0x0];
	_ =	sdelay $0x1  }
0x31: {  	v6 =	vadd.f32 v6, v6;
	_ =	sdelay $0x1  }
0x32: {  	v6 =	vadd.f32 $2.555000000e+02, v6  }
0x33: {  	v7 =	vmul.f32 $1.000000010e-01, v7  }
0x34: {  	v8 =	vtrunc.f32 v6  }
0x35: {  	v10 =	vld [tilespmem:s0+$0x0];
	v9 =	vtrunc.f32 v7;
	v8 =	vcvt.f32.s32 v8  }
0x36: {  	v9 =	vcvt.f32.s32 v9  }
0x37: {  	s9 =	simm.s32 $0x0;
	v5 =	vmov s31;
	vm0 =	vgt.s32 v8, $0x0  }
0x38: {  	v14 =	vmov s9;
	vm1 =	vgt.s32 v9, $0x0;
	v8 =	vnsel vm0, $0x0, v8  }
0x39: {  	v4 =	vshll.u32 v5, $0xF;
	v9 =	vnsel vm1, $0x0, v9;
	v8 =	vmin.u32 v8, $0x1FE  }
0x3a: {  	v10 =	vadd.f32 v10, v10;
	v9 =	vmin.u32 v9, $0x3E;
	v11 =	vshrl.u32 v8, $0x3  }
0x3b: {  	v14 =	vshll.u32 v14, $0x4;
	v12 =	vshll.u32 v9, $0x6;
	v11 =	vand.u32 $0x30, v11  }
0x3c: {  	v14 =	vor.u32 v1, v14;
	v10 =	vadd.f32 $2.555000000e+02, v10;
	v11 =	vor.u32 v12, v11  }
0x3d: {  	v14 =	vadd.s32 v4, v14;
	v11 =	vor.u32 v0, v11  }
0x3e: {  	v5 =	vshll.u32 v5, $0xB;
	v16 =	vor.u32 $0x1, v14;
	v13 =	vtrunc.f32 v10  }
0x3f: {  	vm12 =	vge.f32 v7, $0.0e+00;
	vm13 =	vge.f32 v6, $0.0e+00;
	v13 =	vcvt.f32.s32 v13  }
0x40: {  	vm2 =	vlt.f32 v6, $5.110000000e+02;
	vm3 =	vge.f32 v10, $0.0e+00;
	v61 =	vcvt.s32.f32 v8  }
0x41: {  	vm4 =	vlt.f32 v10, $5.110000000e+02;
	vm1 =	vmand vm3, vm13;
	vm14 =	vgt.s32 v13, $0x0  }
0x42: {  	v9 =	vcvt.s32.f32 v9;
	v13 =	vnsel vm14, $0x0, v13;
	v12 =	vsub.f32 v6, v61;
	v6 =	vld.idx.msk [tilespmem:v11+s17+$0x0], $0xffff  }
0x43: {  	s21 =	simm.s32 $0x0;
	vm15 =	vlt.f32 v7, $6.300000000e+01;
	vm1 =	vmand vm1, vm4;
	v13 =	vmin.u32 v13, $0x1FE  }
0x44: {  	s20 =	sand.u32 $0xFFFFFF80, s21;
	vm1 =	vmand vm2, vm1;
	v9 =	vsub.f32 v7, v9;
	v7 =	vcvt.s32.f32 v13  }
0x45: {  	v17 =	vor.u32 $0x2, v14;
	v63 =	vadd.s32 s20, v5;
	s19 =	sor.u32 $0x3000, s0;
	vm0 =	vmand vm12, vm1  }
0x46: {  	v15 =	vld [tilespmem:s19+$0x0];
	v8 =	vshll.u32 v8, $0x9;
	vm0 =	vmand vm15, vm0;
	v7 =	vsub.f32 v10, v7  }
0x47: {  	v8 =	vand.u32 $0xFE00, v8;
	v9 =	vmax.f32 v9, $0.0e+00;
	v18 =	vadd.s32 $0x1, v6  }
0x48: {  	s16 =	sand.u32 $0x70, s9;
	v10 =	vor.u32 $0x3, v14;
	v8 =	vor.u32 v13, v8;
	v7 =	vmax.f32 v7, $0.0e+00;
	[tilespmem:v11+s17+$0x0] =	vst.idx.msk $0xffff, v18  }
0x49: {  	v9 =	vmin.f32 v9, $1.000000000e+00;
	v7 =	vmin.f32 v7, $1.000000000e+00;
	[tilespmem:v14+s23+$0x0] =	vst.idx.msk $0xffff, v8;
	v8 =	vor.u32 s16, v63  }
0x4a: {  	v11 =	vsub.f32 $1.000000000e+00, v9;
	[tilespmem:v16+s23+$0x0] =	vst.idx.msk $0xffff, v7;
	v8 =	vor.u32 v3, v8;
	v7 =	vor.u32 $0x4, v14  }
0x4b: {  	v62 =	vnsel vm0, $0x0, v15;
	v12 =	vmax.f32 v12, $0.0e+00;
	v8 =	vor.u32 v2, v8  }
0x4c: {  	v12 =	vmin.f32 v12, $1.000000000e+00;
	v11 =	vmul.f32 v11, v62  }
0x4d: {  	v9 =	vmul.f32 v9, v62;
	[tilespmem:v17+s23+$0x0] =	vst.idx.msk $0xffff, v12  }
0x4e: {  	s20 =	simm.s32 $0x10;
	s19 =	sadd.s32 $0x10, s19;
	s16 =	simm.s32 $0x1;
	[tilespmem:v10+s23+$0x0] =	vst.idx.msk $0xffff, v11  }
.LBB2_3:
0x4f: {  	[tilespmem:v7+s23+$0x0] =	vst.idx.msk $0xffff, v9;
	s0 =	sadd.s32 $0x10, s0;
	s3 =	sadd.s32 $0x10, s3;
	s15 =	sadd.s32 $0x10, s15  }
0x50: {  	p0 =	seq.s32 s16, $0x7F;
	s21 =	smov.u32 s16;
	s16 =	sadd.s32 $0x1, s16;
	[tilespmem:v8+s24+$0x0] =	vst.idx.msk $0xffff, v6  }
0x51: {  	v6 =	vld [tilespmem:s3+$0x0];
	_ =	sdelay $0x1  }
0x52: {  	v7 =	vld [tilespmem:s15+$0x0];
	_ =	sdelay $0x2  }
0x53: {  	v6 =	vadd.f32 v6, v6;
	_ =	sdelay $0x1  }
0x54: {  	v6 =	vadd.f32 $2.555000000e+02, v6;
	v7 =	vmul.f32 $1.000000010e-01, v7;
	_ =	sdelay $0x1  }
0x55: {  	v8 =	vtrunc.f32 v6;
	v9 =	vtrunc.f32 v7  }
0x56: {  	v10 =	vld [tilespmem:s0+$0x0];
	v8 =	vcvt.f32.s32 v8;
	v9 =	vcvt.f32.s32 v9;
	_ =	sdelay $0x1  }
0x57: {  	vm0 =	vge.f32 v7, $0.0e+00;
	vm1 =	vgt.s32 v8, $0x0;
	vm2 =	vgt.s32 v9, $0x0  }
0x58: {  	vm3 =	vge.f32 v6, $0.0e+00;
	v8 =	vnsel vm1, $0x0, v8;
	v9 =	vnsel vm2, $0x0, v9  }
0x59: {  	vm1 =	vlt.f32 v6, $5.110000000e+02;
	v8 =	vmin.u32 v8, $0x1FE;
	v9 =	vmin.u32 v9, $0x3E  }
0x5a: {  	v10 =	vadd.f32 v10, v10;
	v11 =	vshll.u32 v9, $0x6;
	v12 =	vshrl.u32 v8, $0x3  }
0x5b: {  	v13 =	vcvt.s32.f32 v8;
	v9 =	vcvt.s32.f32 v9;
	v12 =	vand.u32 $0x30, v12  }
0x5c: {  	v8 =	vshll.u32 v8, $0x9;
	v10 =	vadd.f32 $2.555000000e+02, v10;
	v11 =	vor.u32 v11, v12  }
0x5d: {  	v9 =	vsub.f32 v7, v9;
	v12 =	vmov s20;
	v11 =	vor.u32 v0, v11  }
0x5e: {  	vm2 =	vge.f32 v10, $0.0e+00;
	vm4 =	vlt.f32 v10, $5.110000000e+02;
	v14 =	vtrunc.f32 v10  }
0x5f: {  	v6 =	vsub.f32 v6, v13;
	v15 =	vld [tilespmem:s19+$0x0];
	vm2 =	vmand vm2, vm3;
	v14 =	vcvt.f32.s32 v14  }
0x60: {  	v12 =	vshll.u32 v12, $0x4;
	v9 =	vmax.f32 v9, $0.0e+00;
	vm2 =	vmand vm2, vm4  }
0x61: {  	v13 =	vmax.f32 v6, $0.0e+00;
	vm1 =	vmand vm1, vm2;
	vm2 =	vgt.s32 v14, $0x0  }
0x62: {  	vm0 =	vmand vm0, vm1;
	vm1 =	vlt.f32 v7, $6.300000000e+01;
	v7 =	vnsel vm2, $0x0, v14;
	v6 =	vld.idx.msk [tilespmem:v11+s17+$0x0], $0xffff  }
0x63: {  	vm0 =	vmand vm1, vm0;
	v14 =	vmin.u32 v7, $0x1FE;
	v7 =	vor.u32 v1, v12  }
0x64: {  	s21 =	sshll.u32 s21, $0x4;
	v12 =	vnsel vm0, $0x0, v15;
	v15 =	vcvt.s32.f32 v14;
	v16 =	vadd.s32 v4, v7  }
0x65: {  	s21 =	sand.u32 $0xFFFFFF80, s21;
	v17 =	vor.u32 $0x1, v16;
	v18 =	vor.u32 $0x2, v16;
	v7 =	vor.u32 $0x4, v16  }
0x66: {  	s9 =	sand.u32 $0x70, s20;
	v19 =	vadd.s32 s21, v5;
	v10 =	vsub.f32 v10, v15;
	v15 =	vor.u32 $0x3, v16  }
0x67: {  	v19 =	vor.u32 s9, v19;
	v8 =	vand.u32 $0xFE00, v8;
	v9 =	vmin.f32 v9, $1.000000000e+00  }
0x68: {  	v8 =	vor.u32 v14, v8;
	v14 =	vadd.s32 $0x1, v6;
	v10 =	vmax.f32 v10, $0.0e+00  }
.Ltmp0:
0x69: {  	v10 =	vmin.f32 v10, $1.000000000e+00;
	[tilespmem:v11+s17+$0x0] =	vst.idx.msk $0xffff, v14;
	v11 =	vsub.f32 $1.000000000e+00, v9;
	v14 =	vor.u32 v3, v19;
	(pc) =	sbr.rel @!p0 .LBB2_3-.Ltmp0, $4  }
0x6a: {  	v13 =	vmin.f32 v13, $1.000000000e+00;
	[tilespmem:v16+s23+$0x0] =	vst.idx.msk $0xffff, v8;
	v8 =	vor.u32 v2, v14  }
0x6b: {  	v9 =	vmul.f32 v9, v12;
	v11 =	vmul.f32 v11, v12;
	[tilespmem:v17+s23+$0x0] =	vst.idx.msk $0xffff, v10  }
0x6c: {  	[tilespmem:v18+s23+$0x0] =	vst.idx.msk $0xffff, v13  }
0x6d: {  	s20 =	sadd.s32 $0x10, s20;
	s19 =	sadd.s32 $0x10, s19;
	[tilespmem:v15+s23+$0x0] =	vst.idx.msk $0xffff, v11  }
0x6e: {  	_ =	sdelay $0x3  }
0x6f: {  	[tilespmem:v7+s23+$0x0] =	vst.idx.msk $0xffff, v9;
	s0 =	sshll.u32 s31, $0xF;
	s3 =	sshll.u32 s31, $0xB  }
0x70: {  	[tilespmem:v8+s24+$0x0] =	vst.idx.msk $0xffff, v6;
	s15 =	sor.u32 $0x5000, s0;
	s16 =	sor.u32 $0x15000, s3  }
0x71: {  	[hbm4b:s8+s25] =	stream.indirect.scatter [tilespmem:s15], [sflag:$0x2], $0x10, s16, s25, $0xb8;
	[tilespmem:$0x16000] =	vst v63  }
0x72: {  	s19 =	sor.u32 $0x15080, s3;
	s16 =	sor.u32 $0x5800, s0  }
0x73: {  	[hbm4b:s8+s25] =	stream.indirect.scatter [tilespmem:s16], [sflag:$0x2], $0x10, s19, s25, $0xb8;
	[tilespmem:$0x16000] =	vst v63  }
0x74: {  	s20 =	sor.u32 $0x6000, s0;
	s21 =	sor.u32 $0x15100, s3  }
0x75: {  	[hbm4b:s8+s25] =	stream.indirect.scatter [tilespmem:s20], [sflag:$0x2], $0x10, s21, s25, $0xb8;
	[tilespmem:$0x16000] =	vst v63  }
0x76: {  	s31 =	sor.u32 $0x6800, s0;
	s9 =	sor.u32 $0x15180, s3  }
0x77: {  	[hbm4b:s8+s25] =	stream.indirect.scatter [tilespmem:s31], [sflag:$0x2], $0x10, s9, s25, $0xb8;
	[tilespmem:$0x16000] =	vst v63  }
0x78: {  	s16 =	sor.u32 $0x7000, s0;
	s19 =	sor.u32 $0x15200, s3  }
0x79: {  	[hbm4b:s8+s25] =	stream.indirect.scatter [tilespmem:s16], [sflag:$0x2], $0x10, s19, s25, $0xb8;
	[tilespmem:$0x16000] =	vst v63  }
0x7a: {  	s20 =	sor.u32 $0x7800, s0;
	s21 =	sor.u32 $0x15280, s3  }
0x7b: {  	[hbm4b:s8+s25] =	stream.indirect.scatter [tilespmem:s20], [sflag:$0x2], $0x10, s21, s25, $0xb8;
	[tilespmem:$0x16000] =	vst v63  }
0x7c: {  	s31 =	sadd.s32 $0x8000, s0;
	s9 =	sor.u32 $0x15300, s3  }
0x7d: {  	[hbm4b:s8+s25] =	stream.indirect.scatter [tilespmem:s31], [sflag:$0x2], $0x10, s9, s25, $0xb8;
	[tilespmem:$0x16000] =	vst v63  }
0x7e: {  	s16 =	sadd.s32 $0x8800, s0;
	s19 =	sor.u32 $0x15380, s3  }
0x7f: {  	[hbm4b:s8+s25] =	stream.indirect.scatter [tilespmem:s16], [sflag:$0x2], $0x10, s19, s25, $0xb8;
	[tilespmem:$0x16000] =	vst v63  }
0x80: {  	s20 =	sadd.s32 $0x9000, s0;
	s21 =	sor.u32 $0x15400, s3  }
0x81: {  	[hbm4b:s8+s25] =	stream.indirect.scatter [tilespmem:s20], [sflag:$0x2], $0x10, s21, s25, $0xb8;
	[tilespmem:$0x16000] =	vst v63  }
0x82: {  	s31 =	sadd.s32 $0x9800, s0;
	s9 =	sor.u32 $0x15480, s3  }
0x83: {  	[hbm4b:s8+s25] =	stream.indirect.scatter [tilespmem:s31], [sflag:$0x2], $0x10, s9, s25, $0xb8;
	[tilespmem:$0x16000] =	vst v63  }
0x84: {  	s16 =	sadd.s32 $0xA000, s0;
	s19 =	sor.u32 $0x15500, s3  }
0x85: {  	[hbm4b:s8+s25] =	stream.indirect.scatter [tilespmem:s16], [sflag:$0x2], $0x10, s19, s25, $0xb8;
	[tilespmem:$0x16000] =	vst v63  }
0x86: {  	s20 =	sadd.s32 $0xA800, s0;
	s21 =	sor.u32 $0x15580, s3  }
0x87: {  	[hbm4b:s8+s25] =	stream.indirect.scatter [tilespmem:s20], [sflag:$0x2], $0x10, s21, s25, $0xb8;
	[tilespmem:$0x16000] =	vst v63  }
0x88: {  	s31 =	sadd.s32 $0xB000, s0;
	s9 =	sor.u32 $0x15600, s3  }
0x89: {  	[hbm4b:s8+s25] =	stream.indirect.scatter [tilespmem:s31], [sflag:$0x2], $0x10, s9, s25, $0xb8;
	[tilespmem:$0x16000] =	vst v63  }
0x8a: {  	s19 =	sadd.s32 $0xB800, s0;
	s20 =	sor.u32 $0x15680, s3  }
0x8b: {  	[hbm4b:s8+s25] =	stream.indirect.scatter [tilespmem:s19], [sflag:$0x2], $0x10, s20, s25, $0xb8;
	[tilespmem:$0x16000] =	vst v63  }
0x8c: {  	s21 =	sadd.s32 $0xC000, s0;
	s31 =	sor.u32 $0x15700, s3  }
0x8d: {  	[hbm4b:s8+s25] =	stream.indirect.scatter [tilespmem:s21], [sflag:$0x2], $0x10, s31, s25, $0xb8;
	[tilespmem:$0x16000] =	vst v63  }
0x8e: {  	p0 =	seq.s32 s29, $0x0;
	s0 =	sadd.s32 $0xC800, s0;
	s3 =	sor.u32 $0x15780, s3  }
0x8f: {  	[hbm4b:s8+s25] =	stream.indirect.scatter [tilespmem:s0], [sflag:$0x2], $0x10, s3, s25, $0xb8;
	[tilespmem:$0x16000] =	vst v63  }
0x90: {  	s0 =	simm.s32 @!p0 $0x2  }
0x91: {  	_ =	swait.ge @!p0 [sflag:s0], $0x8000  }
0x92: {  	[sflag:s0] =	ssyncset.done @!p0 $0x0  }
0x93: {  	[sflag:s0] =	ssyncadd.s32 @!p0 $0xFFFF8000;
	p0 =	sne.s32 s30, $0x1F  }
.Ltmp1:
0x94: {  	_ = 	snop;
	(pc) =	sbr.rel @p0 .LBB2_2-.Ltmp1, $2  }
0x95: {  	_ =	sdelay $0x2  }
0x96: {  	s29 =	smov.u32 s30  }
0x97: {  	s28 =	sadd.s32 $0x1, s28  }
0x98: {  	p0 =	sne.s32 s28, s14  }
.Ltmp2:
0x99: {  	_ = 	snop;
	(pc) =	sbr.rel @p0 .LBB2_1-.Ltmp2, $4  }
0x9a: {  	_ = 	snop  }
0x9b: {  	_ =	swait.ge [sflag:s26], $0x8000  }
0x9c: {  	[sflag:s26] =	ssyncset.done $0x0  }
0x9d: {  	[sflag:s26] =	ssyncadd.s32 $0xFFFF8000  }
0x9e: {  	_ =	sfence.sel $0x180000  }
0x9f: {  	[bflag:$0x0] =	sbarrier.arrive $0xFFFF  }
0xa0: {  	_ =	strace $0x9000004D  }
0xa1: {  	s0 =	stileid.u32;
	[bflag:$0x2] =	sbarrier.arrive $0xFFFF  }
0xa2: {  	p0 =	sne.s32 s0, $0x0;
	s0 =	rddreg [dreg:$0x2]  }
0xa3: {  	s0 =	sadd.s32 @!p0 $0x100000, s0  }
0xa4: {  	[sflag:s0] =	ssyncadd.tile.s32 @!p0 $0x1;
	_ =	shalt  }
.Lfunc_end2:
_tile_overlayer_lowered:
.L_overlay_start_2:
0xa5: {  	(tag) =	ssettag $0x2  }
0xa6: {  	s0 =	rddreg [dreg:$0x0];
	s2 =	stileid.u32  }
0xa7: {  	s1 =	rddreg [dreg:$0x1];
	p0 =	sne.s32 s2, $0x0  }
0xa8: {  	s3 =	rddreg [dreg:$0x2];
	[bflag:$0x3] =	sbarrier.arrive $0xFFFF;
	s2 =	simm.s32 @!p0 $0x1C03  }
0xa9: {  	[timem:s3], [sflag:s2] =	dma.local @!p0 [hbm:s0], s1  }
0xaa: {  	s0 =	simm.s32 @!p0 $0x3  }
0xab: {  	_ =	swait.ge @!p0 [sflag:s0], s1  }
0xac: {  	s1 =	ssub.s32 @!p0 $0x0, s1;
	[sflag:s0] =	ssyncset.done @!p0 $0x0  }
0xad: {  	[sflag:s0] =	ssyncadd.s32 @!p0 s1  }
0xae: {  	[bflag:$0x3] =	sbarrier.arrive $0xFFFF  }
0xaf: {  	_ =	shalt  }

// kernel: kernel.16.cloned.1.call-start
scs
__scs_entry_jumppad:
0x0: {  	(pc) =	sbr.rel $0x88, $3  }
0x1: {  	(tag) =	ssettag $0x0;
	lr =	simm.s32 $0x1  }
0x2: {  	[smem:$0x3F9E] =	sst lr;
	_ =	strace $0xD0000000  }
0x3: {  	_ = 	snop  }
0x4: {  	_ = 	snop  }
0x5: {  	_ = 	snop  }
0x6: {  	_ = 	snop  }
0x7: {  	_ = 	snop  }
__scs_overlays_trampoline_lowered:
0x8: {  	[smem:$0x3FAD] =	sst s0  }
0x9: {  	[smem:$0x3FAE] =	sst s1  }
0xa: {  	[smem:$0x3FAF] =	sst s2  }
0xb: {  	[smem:$0x3FB0] =	sst s3  }
0xc: {  	[smem:$0x3FB1] =	sst s4  }
0xd: {  	[smem:$0x3FB2] =	sst s5  }
0xe: {  	[smem:$0x3FB3] =	sst s6  }
0xf: {  	[smem:$0x3FB4] =	sst s7  }
0x10: {  	[smem:$0x3FB5] =	sst s8  }
0x11: {  	[smem:$0x3FB6] =	sst s9;
	s0 =	simm.s32 @!p0 $0x0  }
0x12: {  	s1 =	sld [smem:$0x3F9C];
	s0 =	simm.s32 @p0 $0x1  }
0x13: {  	[smem:$0x3FB7] =	sst s0;
	s0 =	simm.s32 @!p1 $0x0  }
0x14: {  	s2 =	sld [smem:$0x3F9B];
	s0 =	simm.s32 @p1 $0x1  }
0x15: {  	[smem:$0x3FB8] =	sst s0;
	s0 =	simm.s32 @!p2 $0x0  }
0x16: {  	s3 =	sld [smem:$0x3FDB];
	s0 =	simm.s32 @p2 $0x1  }
0x17: {  	s4 =	simm.s32 $0x1BF5;
	[smem:$0x3FBA] =	sst s0  }
0x18: {  	s0 =	sld [smem:$0x3F9D];
	_ =	swait.ge [sflag:s4], $0x0  }
0x19: {  	s7 =	sld [smem:$0x3F9E]  }
0x1a: {  	s8 =	sadd.s32 $0xFFFFE003, lr  }
0x1b: {  	s9 =	sadd.s32 $0xFFFFFEF7, lr;
	s5 =	simm.s32 $0xFFFFFFFF;
	p2 =	slt.u32 s8, $0xFFFFF086  }
0x1c: {  	p1 =	slt.u32 s9, $0xF7A;
	s5 =	simm.s32 @!p2 $0x0  }
0x1d: {  	s5 =	simm.s32 @p1 $0x1;
	p0 =	seq.s32 s7, s2  }
0x1e: {  	s7 =	smul.u32 @!p0 $0xF7A, s2;
	p2 =	seq.s32 @!p0 s5, $0x0  }
0x1f: {  	s9 =	smul.u32 $0xF7A, s1;
	s8 =	simm.s32 @!p0 $0x1BF5;
	p2 =	por !p2, p0  }
0x20: {  	[sflag:s8] =	ssyncset.s32 @!p0 $0xFFFFF086;
	s6 =	sadd.s32 @!p0 s3, s7;
	s7 =	simm.s32 @!p0 $0x108  }
0x21: {  	s3 =	sadd.s32 s3, s9;
	s6 =	sadd.s32 @!p0 $0x88, s6;
	s7 =	simm.s32 @p2 $0x1082  }
0x22: {  	[simem:s7], [sflag:s8] =	dma.local @!p0 [hbm:s6], $0xF7A  }
0x23: {  	s9 =	sor.u32 $0xD0000000, s2;
	s6 =	simm.s32 $0x108;
	_ =	swait.ge @!p0 [sflag:s8], $0x0  }
0x24: {  	s3 =	sadd.s32 $0x88, s3;
	s6 =	simm.s32 @!p1 $0x1082;
	[sflag:s4] =	ssyncset.s32 $0xFFFFF086  }
0x25: {  	[simem:s6], [sflag:s4] =	dma.local [hbm:s3], $0xF7A  }
0x26: {  	[smem:$0x3F9E] =	sst s1;
	(tag) =	ssettag s2;
	_ =	strace s9  }
0x27: {  	s1 =	sld [smem:$0x3FAE]  }
0x28: {  	s2 =	sld [smem:$0x3FAF]  }
0x29: {  	s4 =	sld [smem:$0x3FB1]  }
0x2a: {  	p0 =	seq.s32 s5, $0x0;
	s5 =	sld [smem:$0x3FB2]  }
0x2b: {  	s6 =	sld [smem:$0x3FB3]  }
0x2c: {  	s7 =	sld [smem:$0x3FB4]  }
0x2d: {  	s3 =	simm.s32 $0x108;
	s8 =	sld [smem:$0x3FB5]  }
0x2e: {  	s3 =	simm.s32 @!p0 $0x1082;
	s9 =	sld [smem:$0x3FB6]  }
0x2f: {  	lr =	sadd.s32 s0, s3;
	s0 =	sld [smem:$0x3FAD]  }
0x30: {  	s3 =	sld [smem:$0x3FB0]  }
0x31: {  	[smem:$0x3FB9] =	sst s10  }
0x32: {  	s10 =	sld [smem:$0x3FB7];
	_ =	sdelay $0x3  }
0x33: {  	p0 =	seq.s32 s10, $0x1;
	s10 =	sld [smem:$0x3FB9];
	_ =	sdelay $0x3  }
0x34: {  	[smem:$0x3FB9] =	sst s10  }
0x35: {  	s10 =	sld [smem:$0x3FB8];
	_ =	sdelay $0x3  }
0x36: {  	p1 =	seq.s32 s10, $0x1;
	s10 =	sld [smem:$0x3FB9];
	_ =	sdelay $0x3  }
0x37: {  	[smem:$0x3FB9] =	sst s10  }
0x38: {  	s10 =	sld [smem:$0x3FBA]  }
0x39: {  	_ = 	snop;
	(pc) =	sbr.ind lr, $3  }
0x3a: {  	_ = 	snop  }
0x3b: {  	_ = 	snop  }
0x3c: {  	p2 =	seq.s32 s10, $0x1;
	s10 =	sld [smem:$0x3FB9]  }
0x3d: {  	_ =	shalt  }
0x3e: {  	_ =	shalt  }
0x3f: {  	_ =	shalt  }
0x40: {  	_ =	shalt  }
0x41: {  	_ =	shalt  }
0x42: {  	_ =	shalt  }
0x43: {  	_ =	shalt  }
0x44: {  	_ =	shalt  }
0x45: {  	_ =	shalt  }
0x46: {  	_ =	shalt  }
0x47: {  	_ =	shalt  }
0x48: {  	_ =	shalt  }
0x49: {  	_ =	shalt  }
0x4a: {  	_ =	shalt  }
0x4b: {  	_ =	shalt  }
0x4c: {  	_ =	shalt  }
0x4d: {  	_ =	shalt  }
0x4e: {  	_ =	shalt  }
0x4f: {  	_ =	shalt  }
0x50: {  	_ =	shalt  }
0x51: {  	_ =	shalt  }
0x52: {  	_ =	shalt  }
0x53: {  	_ =	shalt  }
0x54: {  	_ =	shalt  }
0x55: {  	_ =	shalt  }
0x56: {  	_ =	shalt  }
0x57: {  	_ =	shalt  }
0x58: {  	_ =	shalt  }
0x59: {  	_ =	shalt  }
0x5a: {  	_ =	shalt  }
0x5b: {  	_ =	shalt  }
0x5c: {  	_ =	shalt  }
0x5d: {  	_ =	shalt  }
0x5e: {  	_ =	shalt  }
0x5f: {  	_ =	shalt  }
0x60: {  	_ =	shalt  }
0x61: {  	_ =	shalt  }
0x62: {  	_ =	shalt  }
0x63: {  	_ =	shalt  }
0x64: {  	_ =	shalt  }
0x65: {  	_ =	shalt  }
0x66: {  	_ =	shalt  }
0x67: {  	_ =	shalt  }
0x68: {  	_ =	shalt  }
0x69: {  	_ =	shalt  }
0x6a: {  	_ =	shalt  }
0x6b: {  	_ =	shalt  }
0x6c: {  	_ =	shalt  }
0x6d: {  	_ =	shalt  }
0x6e: {  	_ =	shalt  }
0x6f: {  	_ =	shalt  }
0x70: {  	_ =	shalt  }
0x71: {  	_ =	shalt  }
0x72: {  	_ =	shalt  }
0x73: {  	_ =	shalt  }
0x74: {  	_ =	shalt  }
0x75: {  	_ =	shalt  }
0x76: {  	_ =	shalt  }
0x77: {  	_ =	shalt  }
0x78: {  	_ =	shalt  }
0x79: {  	_ =	shalt  }
0x7a: {  	_ =	shalt  }
0x7b: {  	_ =	shalt  }
0x7c: {  	_ =	shalt  }
0x7d: {  	_ =	shalt  }
0x7e: {  	_ =	shalt  }
0x7f: {  	_ =	shalt  }
0x80: {  	_ =	shalt  }
0x81: {  	_ =	shalt  }
0x82: {  	_ =	shalt  }
0x83: {  	_ =	shalt  }
0x84: {  	_ =	shalt  }
0x85: {  	_ =	shalt  }
0x86: {  	_ =	shalt  }
0x87: {  	_ =	shalt  }
.Lfunc_end0:
.L_simem_size_0:
called_computation.3_lowered:
.L_overlay_start_0:
0x88: {  	s2 =	sld [smem:$0x3FD9]  }
0x89: {  	s3 =	sld [smem:$0x3FFE];
	_ =	sdelay $0x1  }
0x8a: {  	s1 =	srdreg.scid  }
0x8b: {  	s0 =	sand.u32 $0x1, s1  }
0x8c: {  	s17 =	sshll.u32 s0, $0xA;
	s2 =	sadd.s32 s3, s2  }
0x8d: {  	s2 =	sadd.s32 s2, s17  }
0x8e: {  	[smem:$0x3FC5] =	sst s2  }
0x8f: {  	_ = 	snop  }
0x90: {  	s2 =	sld [smem:$0x3FD0];
	(tm) =	ssettm $0x1  }
0x91: {  	s18 =	sld [smem:$0x3FFB];
	_ =	sdelay $0x3  }
0x92: {  	_ =	strace s18  }
0x93: {  	s3 =	sld [smem:$0x3FFC];
	_ =	sdelay $0x3  }
0x94: {  	_ =	strace s3  }
0x95: {  	s3 =	sld [smem:$0x3FFD];
	_ =	sdelay $0x3  }
0x96: {  	_ =	strace s3  }
0x97: {  	_ =	strace $0x8FFFFFFF  }
0x98: {  	s19 =	sld [smem:$0x3FDB];
	_ =	sdelay $0x1  }
0x99: {  	s4 =	simm.s32 $_scs_section_size  }
0x9a: {  	s5 =	simm.s32 $_size__tile_overlayer_lowered;
	s6 =	simm.s32 $_tile_overlayer_lowered  }
0x9b: {  	s22 =	simm.s32 $0x1BFF;
	s21 =	sshll.u32 s6, $0x1;
	s3 =	sadd.s32 s4, s19  }
0x9c: {  	s7 =	simm.s32 $0x0;
	s20 =	sshll.u32 s5, $0x1;
	s5 =	sadd.s32 s21, s3  }
0x9d: {  	[timem:s7], [sflag:s22] =	dma.local [hbm:s5], s20  }
0x9e: {  	_ =	swait.ge [sflag:s22], s20  }
0x9f: {  	s4 =	ssub.s32 $0x0, s20;
	[sflag:s22] =	ssyncset.done $0x0  }
0xa0: {  	[sflag:s22] =	ssyncadd.s32 s4;
	_ =	sdelay $0x1  }
0xa1: {  	s23 =	simm.s32 $0x1B8B  }
0xa2: {  	_ =	swait.ge [sflag:s23], $0x1  }
0xa3: {  	[sflag:s23] =	ssyncset.done $0x0  }
0xa4: {  	s25 =	simm.s32 $0x1B8E;
	s24 =	sld [smem:$0x3FFE];
	[sflag:s23] =	ssyncadd.s32 $0xFFFFFFFF  }
0xa5: {  	s26 =	simm.s32 $execute0_lowered;
	[smem:$0x3FD2] =	sst s25  }
0xa6: {  	s5 =	sshll.u32 s26, $0x1;
	_ =	strace $0x8000004F;
	[dreg:$0x1] =	wrdreg $0xFFFFFFFF  }
0xa7: {  	s28 =	simm.s32 $_size_execute0_lowered;
	s3 =	sadd.s32 s3, s5;
	[dreg:$0x0] =	wrdreg $0x0  }
0xa8: {  	s5 =	sshll.u32 s28, $0x1;
	[dreg:$0x2] =	wrdreg s3  }
0xa9: {  	[dreg:$0x3] =	wrdreg s5  }
0xaa: {  	[dreg:$0x4] =	wrdreg $0xC0  }
0xab: {  	_ =	task [dreg:s7], $0x5FFFF  }
0xac: {  	[dreg:$0x1] =	wrdreg $0xFFFFFFFF  }
0xad: {  	[dreg:$0x0] =	wrdreg $0x60  }
0xae: {  	[dreg:$0x2] =	wrdreg s24  }
0xaf: {  	[dreg:$0x3] =	wrdreg s2  }
0xb0: {  	[dreg:$0x4] =	wrdreg $0x9  }
0xb1: {  	_ =	task.clear_ibuf [dreg:s7], $0x5FFFF;
	_ =	strace $0x9000004F  }
0xb2: {  	s29 =	simm.s32 $0x9;
	_ =	strace $0x80000051  }
0xb3: {  	_ =	swait.ge [sflag:s29], $0x1  }
0xb4: {  	[sflag:s29] =	ssyncadd.s32 $0xFFFFFFFF  }
0xb5: {  	_ =	strace $0x90000051  }
0xb6: {  	_ =	sfence  }
0xb7: {  	s30 =	sld [smem:$0x0];
	_ =	sdelay $0x2  }
0xb8: {  	s31 =	sshll.u32 s1, $0xD;
	s1 =	sshrl.u32 s1, $0x2  }
0xb9: {  	s3 =	sand.u32 $0x4000, s31;
	s1 =	sadd.s32 s1, s30  }
0xba: {  	s0 =	sor.u32 s3, s0;
	s1 =	sshll.u32 s1, $0x11  }
0xbb: {  	s0 =	sor.u32 s1, s0  }
0xbc: {  	s0 =	sadd.s32 $0x8F2B, s0  }
0xbd: {  	[sflag:s0] =	ssyncadd.remote.s32 $0x1  }
0xbe: {  	_ =	sfence.sel $0xFFFF  }
0xbf: {  	[dreg:$0x0] =	wrdreg $0xFFFFFFFF;
	(pc) =	sbr.abs _section_cstart, $3  }
0xc0: {  	[dreg:$0x1] =	wrdreg $0xFFFFFFFF  }
0xc1: {  	_ =	task.clear_ibuf [dreg:s7], $0x2FFFF;
	_ =	strace $0x9FFFFFFF  }
0xc2: {  	(tm) =	ssettm $0x7FFFFFFF  }
0xc3: {  	_ =	shalt  }
tec
execute0_lowered:
.L_overlay_start_1:
0x0: {  	(tag) =	ssettag $0x1  }
0x1: {  	s6 =	rddreg [dreg:$0x0]  }
0x2: {  	s1 =	rddreg [dreg:$0x1]  }
0x3: {  	s0 =	rddreg [dreg:$0x2];
	s2 =	simm.s32 $0x0;
	s3 =	srdreg.scid  }
0x4: {  	s10 =	simm.s32 $0x2;
	s11 =	simm.s32 $0x10200;
	s12 =	simm.s32 $0x1  }
0x5: {  	s13 =	simm.s32 $0x10000;
	s14 =	simm.s32 $0x0;
	[smem:$0x7FF] =	sst s2  }
.Ltmp0:
0x6: {  	s7 =	sand.u32 $0x1, s3;
	s4 =	sadd.s32 $0xC4E00, s6;
	(pc) =	sbr.rel .LBB2_1-.Ltmp0, $4  }
0x7: {  	s5 =	sadd.s32 $0xC4C00, s6;
	s3 =	stileid.u32;
	s8 =	ssub.s32 $0x2, s7  }
0x8: {  	s6 =	sadd.s32 $0x2C00, s6;
	_ =	strace $0x80000050;
	s9 =	sshrl.u32 s8, $0x1  }
0x9: {  	s7 =	sshll.u32 s7, $0x7;
	s31 =	sshll.u32 s3, $0x3;
	s8 =	ssub.s32 s8, s9  }
0xa: {  	v0 =	vimm.f32 $0.0e+00;
	v1 =	vlaneseq.u32;
	s7 =	sor.u32 s31, s7;
	s9 =	simm.s32 $0x18200;
	s8 =	smax.u32 s8, $0x1  }
.LBB2_17:
0xb: {  	s14 =	sadd.s32 $0x1, s14  }
0xc: {  	p0 =	sne.s32 s14, s8  }
.Ltmp1:
0xd: {  	_ = 	snop;
	(pc) =	sbr.rel @!p0 .LBB2_18-.Ltmp1, $1  }
0xe: {  	_ =	sdelay $0x3  }
.LBB2_1:
.Ltmp2:
0xf: {  	(pc) =	sbr.rel .LBB2_2-.Ltmp2, $4  }
0x10: {  	[tilespmem:s9], [sflag:$0x2] =	stream.linear.gather [hbm4b:s5+s2], $0x200, $0x38;
	[tilespmem:$0x18400] =	vst v63  }
0x11: {  	_ =	swait.ge [sflag:s10], $0x200  }
0x12: {  	[sflag:s10] =	ssyncset.done $0x0  }
0x13: {  	s15 =	simm.s32 $0x0;
	[sflag:s10] =	ssyncadd.s32 $0xFFFFFE00  }
.LBB2_16:
0x14: {  	s18 =	sshll.u32 s15, $0xD  }
0x15: {  	s18 =	sand.u32 $0x6000, s18  }
0x16: {  	s17 =	sshll.u32 s17, $0xF;
	s18 =	sadd.s32 s1, s18  }
0x17: {  	s17 =	sadd.s32 s17, s18  }
0x18: {  	[hbm4b:s17+s2] =	stream.linear.scatter [tilespmem:s2], [sflag:$0x2], $0x10000, $0x38;
	[tilespmem:$0x18400] =	vst v63  }
0x19: {  	s15 =	sadd.s32 $0x1, s15;
	_ =	swait.ge [sflag:s10], $0x10000  }
0x1a: {  	s16 =	sshll.u32 s16, $0x6;
	p0 =	sne.s32 s15, $0x8;
	[sflag:s10] =	ssyncset.done $0x0  }
.Ltmp3:
0x1b: {  	s16 =	sadd.s32 s6, s16;
	[sflag:s10] =	ssyncadd.s32 $0xFFFF0000;
	(pc) =	sbr.rel @!p0 .LBB2_17-.Ltmp3, $4  }
0x1c: {  	[hbm4b:s16+s2] =	stream.linear.scatter [tilespmem:s13], [sflag:$0x2], $0x200, $0x38;
	[tilespmem:$0x18400] =	vst v63  }
0x1d: {  	_ =	swait.ge [sflag:s10], $0x200  }
0x1e: {  	[sflag:s10] =	ssyncset.done $0x0  }
0x1f: {  	[sflag:s10] =	ssyncadd.s32 $0xFFFFFE00  }
.LBB2_2:
0x20: {  	s16 =	simm.s32 $0x100;
	s17 =	simm.s32 $0x0  }
.LBB2_3:
0x21: {  	p0 =	sne.s32 s16, $0x40700;
	[tilespmem:s17+$0x30] =	vst v0;
	s18 =	smov.u32 s16;
	s16 =	sadd.s32 $0x100, s16  }
.Ltmp4:
0x22: {  	[tilespmem:s17+$0x20] =	vst v0;
	(pc) =	sbr.rel @p0 .LBB2_3-.Ltmp4, $3  }
0x23: {  	[tilespmem:s17+$0x0] =	vst v0  }
0x24: {  	[tilespmem:s17+$0x10] =	vst v0;
	_ =	sdelay $0x1  }
0x25: {  	s17 =	sshra.s32 s18, $0x2  }
0x26: {  	s16 =	sadd.s32 s7, s15  }
0x27: {  	s18 =	sor.u32 $0x100, s16  }
0x28: {  	v2 =	vmov s18  }
0x29: {  	v2 =	vand.u32 $0x1FF, v2  }
0x2a: {  	v2 =	vbroadcast v2, $0x0;
	_ =	sdelay $0x1  }
0x2b: {  	[tilespmem:s17+$0x30] =	vst v0  }
0x2c: {  	[tilespmem:s17+$0x20] =	vst v0  }
0x2d: {  	[tilespmem:s17+$0x0] =	vst v0  }
0x2e: {  	[tilespmem:s17+$0x10] =	vst v0  }
0x2f: {  	v2 =	vld.idx.msk [tilespmem:v2+s9+$0x0], $0xffff;
	_ =	sdelay $0x4  }
0x30: {  	(v2sf) =	vpush v2, $0x0;
	_ =	sdelay $0xe  }
0x31: {  	p0 =	slt.u32 s16, $0xFC;
	s17 =	spop (v2sf)  }
0x32: {  	v2 =	vmov s16;
	s17 =	simm.s32 @!p0 $0x0  }
0x33: {  	v2 =	vand.u32 $0xFF, v2;
	s31 =	sadd.s32 $0x3FF, s17  }
0x34: {  	v2 =	vbroadcast v2, $0x0;
	s18 =	sshra.s32 s31, $0xA  }
0x35: {  	p0 =	slt.s32 s18, $0x1  }
.Ltmp5:
0x36: {  	_ = 	snop;
	(pc) =	sbr.rel @p0 .LBB2_10-.Ltmp5, $2  }
0x37: {  	_ =	sdelay $0x2  }
0x38: {  	v2 =	vld.idx.msk [tilespmem:v2+s9+$0x0], $0xffff  }
0x39: {  	_ =	sdelay $0x3  }
0x3a: {  	(v2sf) =	vpush v2, $0x0;
	_ =	sdelay $0xe  }
0x3b: {  	s20 =	spop (v2sf)  }
0x3c: {  	s19 =	sshll.u32 s20, $0x1  }
0x3d: {  	s19 =	sand.u32 $0x1FFFFFFE, s19  }
0x3e: {  	s21 =	sadd.s32 s4, s19;
	s19 =	simm.s32 $0x0  }
0x3f: {  	[tilespmem:s11], [sflag:$0x1] =	stream.linear.gather [hbm4b:s21+s19], $0x4000, $0x38;
	[tilespmem:$0x18400] =	vst v63  }
0x40: {  	s20 =	sshll.u32 s20, $0x4;
	s21 =	simm.s32 $0x0  }
.LBB2_7:
0x41: {  	s22 =	sand.u32 $0x1, s21  }
0x42: {  	s23 =	sshll.u32 s21, $0xA;
	v4 =	vor.u32 s19, v1;
	s21 =	sadd.s32 $0x1, s21;
	s24 =	sshll.u32 s22, $0xE  }
0x43: {  	v3 =	vshll.u32 v4, $0x4;
	p0 =	sge.s32 s21, s18;
	v2 =	vmov s24  }
0x44: {  	_ =	swait.ge [sflag:s12], $0x4000;
	s24 =	sshll.u32 @!p0 s21, $0xE;
	v3 =	vadd.s32 v2, v3  }
0x45: {  	[sflag:s12] =	ssyncset.done $0x0;
	s22 =	sshll.u32 @!p0 s22, $0xE;
	s24 =	sadd.s32 @!p0 s20, s24;
	v5 =	vor.u32 $0x2, v3  }
0x46: {  	[sflag:s12] =	ssyncadd.s32 $0xFFFFC000;
	s22 =	sxor.u32 @!p0 $0x4000, s22;
	v6 =	vor.u32 $0x3, v3;
	s24 =	sshrl.u32 @!p0 s24, $0x3  }
0x47: {  	s25 =	simm.s32 @!p0 $0x0;
	v7 =	vor.u32 $0x1, v3;
	s22 =	sor.u32 @!p0 $0x10200, s22;
	s24 =	sadd.s32 @!p0 s4, s24  }
0x48: {  	[tilespmem:s22], [sflag:$0x1] =	stream.linear.gather @!p0 [hbm4b:s24+s25], $0x4000, $0x38;
	[tilespmem:$0x18400] =	vst v63  }
0x49: {  	v13 =	vld.idx.msk [tilespmem:v3+s11+$0x0], $0xffff  }
0x4a: {  	v8 =	vld.idx.msk [tilespmem:v5+s11+$0x0], $0xffff  }
0x4b: {  	v6 =	vld.idx.msk [tilespmem:v6+s11+$0x0], $0xffff  }
0x4c: {  	v5 =	vld.idx.msk [tilespmem:v7+s11+$0x0], $0xffff  }
0x4d: {  	s30 =	ssub.s32 s17, s23  }
0x4e: {  	v3 =	vmov s30  }
0x4f: {  	s31 =	simm.s32 $0x10;
	vm0 =	vlt.s32 v4, v3;
	v7 =	vsub.f32 $1.000000000e+00, v8  }
0x50: {  	v4 =	vor.u32 s31, v1  }
0x51: {  	v14 =	vsub.f32 $1.000000000e+00, v5;
	v12 =	vmul.f32 v7, v6;
	v7 =	vadd.s32 $0x1, v13  }
0x52: {  	v9 =	vshll.u32 v4, $0x4;
	v11 =	vmul.f32 v6, v8;
	v8 =	vadd.s32 $0x200, v13  }
0x53: {  	v6 =	vadd.s32 v2, v9;
	v9 =	vadd.s32 $0x201, v13;
	v15 =	vmul.f32 v12, v14  }
0x54: {  	v10 =	vor.u32 $0x2, v6;
	v12 =	vmul.f32 v12, v5  }
0x55: {  	s22 =	simm.s32 $0x20;
	[tilespmem:v13+s2+$0x0] =	vst.idx.add.f32.msk vm0, v15;
	v13 =	vmul.f32 v11, v14  }
.LBB2_8:
0x56: {  	p0 =	seq.s32 s22, $0x3F0;
	v14 =	vor.u32 $0x3, v6;
	[tilespmem:v7+s2+$0x0] =	vst.idx.add.f32.msk vm0, v12;
	v5 =	vmul.f32 v11, v5  }
0x57: {  	v7 =	vor.u32 $0x1, v6;
	[tilespmem:v8+s2+$0x0] =	vst.idx.add.f32.msk vm0, v13  }
0x58: {  	[tilespmem:v9+s2+$0x0] =	vst.idx.add.f32.msk vm0, v5  }
0x59: {  	v9 =	vld.idx.msk [tilespmem:v10+s11+$0x0], $0xffff  }
0x5a: {  	v13 =	vld.idx.msk [tilespmem:v6+s11+$0x0], $0xffff  }
0x5b: {  	v10 =	vld.idx.msk [tilespmem:v14+s11+$0x0], $0xffff  }
0x5c: {  	v5 =	vld.idx.msk [tilespmem:v7+s11+$0x0], $0xffff;
	_ =	sdelay $0x3  }
0x5d: {  	vm0 =	vlt.s32 v4, v3;
	v4 =	vor.u32 s22, v1;
	v6 =	vsub.f32 $1.000000000e+00, v9  }
0x5e: {  	v8 =	vshll.u32 v4, $0x4  }
.Ltmp6:
0x5f: {  	v7 =	vadd.s32 $0x1, v13;
	v12 =	vmul.f32 v6, v10;
	v14 =	vsub.f32 $1.000000000e+00, v5;
	(pc) =	sbr.rel @!p0 .LBB2_8-.Ltmp6, $4  }
0x60: {  	v6 =	vadd.s32 v2, v8;
	v8 =	vadd.s32 $0x200, v13  }
0x61: {  	v11 =	vmul.f32 v10, v9;
	v9 =	vadd.s32 $0x201, v13;
	v15 =	vmul.f32 v12, v14  }
0x62: {  	v10 =	vor.u32 $0x2, v6;
	v12 =	vmul.f32 v12, v5  }
0x63: {  	s22 =	sadd.s32 $0x10, s22;
	[tilespmem:v13+s2+$0x0] =	vst.idx.add.f32.msk vm0, v15;
	v13 =	vmul.f32 v11, v14  }
0x64: {  	_ =	sdelay $0x4  }
0x65: {  	v2 =	vor.u32 $0x3, v6;
	[tilespmem:v7+s2+$0x0] =	vst.idx.add.f32.msk vm0, v12;
	v5 =	vmul.f32 v11, v5  }
0x66: {  	v57 =	vor.u32 $0x1, v6;
	[tilespmem:v8+s2+$0x0] =	vst.idx.add.f32.msk vm0, v13  }
0x67: {  	[tilespmem:v9+s2+$0x0] =	vst.idx.add.f32.msk vm0, v5  }
0x68: {  	v5 =	vld.idx.msk [tilespmem:v10+s11+$0x0], $0xffff  }
0x69: {  	v58 =	vld.idx.msk [tilespmem:v6+s11+$0x0], $0xffff  }
0x6a: {  	v2 =	vld.idx.msk [tilespmem:v2+s11+$0x0], $0xffff  }
0x6b: {  	v7 =	vld.idx.msk [tilespmem:v57+s11+$0x0], $0xffff;
	_ =	sdelay $0x2  }
0x6c: {  	vm15 =	vlt.s32 v4, v3;
	v3 =	vsub.f32 $1.000000000e+00, v5;
	_ =	sdelay $0x1  }
0x6d: {  	v60 =	vadd.s32 $0x1, v58;
	v3 =	vmul.f32 v3, v2;
	v59 =	vsub.f32 $1.000000000e+00, v7  }
0x6e: {  	v61 =	vadd.s32 $0x200, v58  }
0x6f: {  	v63 =	vadd.s32 $0x201, v58;
	v2 =	vmul.f32 v2, v5;
	v62 =	vmul.f32 v3, v59  }
0x70: {  	v3 =	vmul.f32 v3, v7  }
0x71: {  	v4 =	vmul.f32 v2, v59;
	[tilespmem:v58+s2+$0x0] =	vst.idx.add.f32.msk vm15, v62  }
0x72: {  	v2 =	vmul.f32 v2, v7;
	[tilespmem:v60+s2+$0x0] =	vst.idx.add.f32.msk vm15, v3  }
0x73: {  	[tilespmem:v61+s2+$0x0] =	vst.idx.add.f32.msk vm15, v4  }
0x74: {  	[tilespmem:v63+s2+$0x0] =	vst.idx.add.f32.msk vm15, v2  }
0x75: {  	p0 =	seq.s32 s21, s18  }
.Ltmp7:
0x76: {  	_ = 	snop;
	(pc) =	sbr.rel @!p0 .LBB2_7-.Ltmp7, $1  }
0x77: {  	_ =	sdelay $0x3  }
.LBB2_10:
0x78: {  	s17 =	sand.u32 $0xFC, s16;
	s18 =	sor.u32 $0xFFFFFFFC, s15  }
0x79: {  	s17 =	sadd.s32 s18, s17  }
0x7a: {  	p0 =	sgt.s32 s17, $0x0  }
0x7b: {  	s17 =	simm.s32 @!p0 $0x0  }
0x7c: {  	s31 =	sor.u32 $0x100, s17  }
0x7d: {  	v2 =	vmov s31  }
0x7e: {  	v2 =	vbroadcast v2, $0x0;
	_ =	sdelay $0x5  }
0x7f: {  	v2 =	vld.idx.msk [tilespmem:v2+s9+$0x0], $0xffff;
	_ =	sdelay $0x4  }
0x80: {  	(v2sf) =	vpush v2, $0x0;
	_ =	sdelay $0xd  }
0x81: {  	v2 =	vmov s17;
	s17 =	sshrl.u32 s16, $0x2  }
0x82: {  	p0 =	seq.s32 s17, $0x0;
	s18 =	spop (v2sf)  }
0x83: {  	s18 =	simm.s32 @p0 $0x0  }
0x84: {  	v2 =	vand.u32 $0xFF, v2;
	s19 =	sadd.s32 $0x3FF, s18  }
0x85: {  	v2 =	vbroadcast v2, $0x0;
	s19 =	sshra.s32 s19, $0xA  }
0x86: {  	p0 =	slt.s32 s19, $0x1  }
.Ltmp8:
0x87: {  	_ = 	snop;
	(pc) =	sbr.rel @p0 .LBB2_16-.Ltmp8, $2  }
0x88: {  	_ =	sdelay $0x2  }
0x89: {  	v2 =	vld.idx.msk [tilespmem:v2+s9+$0x0], $0xffff  }
0x8a: {  	_ =	sdelay $0x3  }
0x8b: {  	(v2sf) =	vpush v2, $0x0;
	_ =	sdelay $0xe  }
0x8c: {  	s21 =	spop (v2sf)  }
0x8d: {  	s20 =	sshll.u32 s21, $0x1  }
0x8e: {  	s20 =	sand.u32 $0x1FFFFFFE, s20  }
0x8f: {  	s22 =	sadd.s32 s4, s20;
	s20 =	simm.s32 $0x0  }
0x90: {  	[tilespmem:s11], [sflag:$0x1] =	stream.linear.gather [hbm4b:s22+s20], $0x4000, $0x38;
	[tilespmem:$0x18400] =	vst v63  }
0x91: {  	s21 =	sshll.u32 s21, $0x4;
	s22 =	simm.s32 $0x0  }
.LBB2_13:
0x92: {  	s23 =	sand.u32 $0x1, s22  }
0x93: {  	s24 =	sshll.u32 s22, $0xA;
	v4 =	vor.u32 s20, v1;
	s22 =	sadd.s32 $0x1, s22;
	s25 =	sshll.u32 s23, $0xE  }
0x94: {  	v3 =	vshll.u32 v4, $0x4;
	p0 =	sge.s32 s22, s19;
	v2 =	vmov s25  }
0x95: {  	_ =	swait.ge [sflag:s12], $0x4000;
	s25 =	sshll.u32 @!p0 s22, $0xE;
	v3 =	vadd.s32 v2, v3  }
0x96: {  	[sflag:s12] =	ssyncset.done $0x0;
	s23 =	sshll.u32 @!p0 s23, $0xE;
	s25 =	sadd.s32 @!p0 s21, s25;
	v5 =	vor.u32 $0x2, v3  }
0x97: {  	[sflag:s12] =	ssyncadd.s32 $0xFFFFC000;
	s23 =	sxor.u32 @!p0 $0x4000, s23;
	v6 =	vor.u32 $0x4, v3;
	s25 =	sshrl.u32 @!p0 s25, $0x3  }
0x98: {  	s26 =	simm.s32 @!p0 $0x0;
	v7 =	vor.u32 $0x1, v3;
	s23 =	sor.u32 @!p0 $0x10200, s23;
	s25 =	sadd.s32 @!p0 s4, s25  }
0x99: {  	[tilespmem:s23], [sflag:$0x1] =	stream.linear.gather @!p0 [hbm4b:s25+s26], $0x4000, $0x38;
	[tilespmem:$0x18400] =	vst v63  }
0x9a: {  	v13 =	vld.idx.msk [tilespmem:v3+s11+$0x0], $0xffff  }
0x9b: {  	v8 =	vld.idx.msk [tilespmem:v5+s11+$0x0], $0xffff  }
0x9c: {  	v6 =	vld.idx.msk [tilespmem:v6+s11+$0x0], $0xffff  }
0x9d: {  	v5 =	vld.idx.msk [tilespmem:v7+s11+$0x0], $0xffff  }
0x9e: {  	s30 =	ssub.s32 s18, s24  }
0x9f: {  	v3 =	vmov s30  }
0xa0: {  	s31 =	simm.s32 $0x10;
	vm0 =	vlt.s32 v4, v3;
	v7 =	vsub.f32 $1.000000000e+00, v8  }
0xa1: {  	v4 =	vor.u32 s31, v1  }
0xa2: {  	v14 =	vsub.f32 $1.000000000e+00, v5;
	v12 =	vmul.f32 v7, v6;
	v7 =	vadd.s32 $0x1, v13  }
0xa3: {  	v9 =	vshll.u32 v4, $0x4;
	v11 =	vmul.f32 v6, v8;
	v8 =	vadd.s32 $0x200, v13  }
0xa4: {  	v6 =	vadd.s32 v2, v9;
	v9 =	vadd.s32 $0x201, v13;
	v15 =	vmul.f32 v12, v14  }
0xa5: {  	v10 =	vor.u32 $0x2, v6;
	v12 =	vmul.f32 v12, v5  }
0xa6: {  	s23 =	simm.s32 $0x20;
	[tilespmem:v13+s2+$0x0] =	vst.idx.add.f32.msk vm0, v15;
	v13 =	vmul.f32 v11, v14  }
.LBB2_14:
0xa7: {  	p0 =	seq.s32 s23, $0x3F0;
	v14 =	vor.u32 $0x4, v6;
	[tilespmem:v7+s2+$0x0] =	vst.idx.add.f32.msk vm0, v12;
	v5 =	vmul.f32 v11, v5  }
0xa8: {  	v7 =	vor.u32 $0x1, v6;
	[tilespmem:v8+s2+$0x0] =	vst.idx.add.f32.msk vm0, v13  }
0xa9: {  	[tilespmem:v9+s2+$0x0] =	vst.idx.add.f32.msk vm0, v5  }
0xaa: {  	v9 =	vld.idx.msk [tilespmem:v10+s11+$0x0], $0xffff  }
0xab: {  	v13 =	vld.idx.msk [tilespmem:v6+s11+$0x0], $0xffff  }
0xac: {  	v10 =	vld.idx.msk [tilespmem:v14+s11+$0x0], $0xffff  }
0xad: {  	v5 =	vld.idx.msk [tilespmem:v7+s11+$0x0], $0xffff;
	_ =	sdelay $0x3  }
0xae: {  	vm0 =	vlt.s32 v4, v3;
	v4 =	vor.u32 s23, v1;
	v6 =	vsub.f32 $1.000000000e+00, v9  }
0xaf: {  	v8 =	vshll.u32 v4, $0x4  }
.Ltmp9:
0xb0: {  	v7 =	vadd.s32 $0x1, v13;
	v12 =	vmul.f32 v6, v10;
	v14 =	vsub.f32 $1.000000000e+00, v5;
	(pc) =	sbr.rel @!p0 .LBB2_14-.Ltmp9, $4  }
0xb1: {  	v6 =	vadd.s32 v2, v8;
	v8 =	vadd.s32 $0x200, v13  }
0xb2: {  	v11 =	vmul.f32 v10, v9;
	v9 =	vadd.s32 $0x201, v13;
	v15 =	vmul.f32 v12, v14  }
0xb3: {  	v10 =	vor.u32 $0x2, v6;
	v12 =	vmul.f32 v12, v5  }
0xb4: {  	s23 =	sadd.s32 $0x10, s23;
	[tilespmem:v13+s2+$0x0] =	vst.idx.add.f32.msk vm0, v15;
	v13 =	vmul.f32 v11, v14  }
0xb5: {  	_ =	sdelay $0x4  }
0xb6: {  	v2 =	vor.u32 $0x4, v6;
	[tilespmem:v7+s2+$0x0] =	vst.idx.add.f32.msk vm0, v12;
	v5 =	vmul.f32 v11, v5  }
0xb7: {  	v57 =	vor.u32 $0x1, v6;
	[tilespmem:v8+s2+$0x0] =	vst.idx.add.f32.msk vm0, v13  }
0xb8: {  	[tilespmem:v9+s2+$0x0] =	vst.idx.add.f32.msk vm0, v5  }
0xb9: {  	v5 =	vld.idx.msk [tilespmem:v10+s11+$0x0], $0xffff  }
0xba: {  	v58 =	vld.idx.msk [tilespmem:v6+s11+$0x0], $0xffff  }
0xbb: {  	v2 =	vld.idx.msk [tilespmem:v2+s11+$0x0], $0xffff  }
0xbc: {  	v7 =	vld.idx.msk [tilespmem:v57+s11+$0x0], $0xffff;
	_ =	sdelay $0x2  }
0xbd: {  	vm15 =	vlt.s32 v4, v3;
	v3 =	vsub.f32 $1.000000000e+00, v5;
	_ =	sdelay $0x1  }
0xbe: {  	v60 =	vadd.s32 $0x1, v58;
	v3 =	vmul.f32 v3, v2;
	v59 =	vsub.f32 $1.000000000e+00, v7  }
0xbf: {  	v61 =	vadd.s32 $0x200, v58  }
0xc0: {  	v63 =	vadd.s32 $0x201, v58;
	v2 =	vmul.f32 v2, v5;
	v62 =	vmul.f32 v3, v59  }
0xc1: {  	v3 =	vmul.f32 v3, v7  }
0xc2: {  	v4 =	vmul.f32 v2, v59;
	[tilespmem:v58+s2+$0x0] =	vst.idx.add.f32.msk vm15, v62  }
0xc3: {  	v2 =	vmul.f32 v2, v7;
	[tilespmem:v60+s2+$0x0] =	vst.idx.add.f32.msk vm15, v3  }
0xc4: {  	[tilespmem:v61+s2+$0x0] =	vst.idx.add.f32.msk vm15, v4  }
0xc5: {  	[tilespmem:v63+s2+$0x0] =	vst.idx.add.f32.msk vm15, v2  }
0xc6: {  	p0 =	seq.s32 s22, s19  }
.Ltmp10:
0xc7: {  	_ = 	snop;
	(pc) =	sbr.rel @!p0 .LBB2_13-.Ltmp10, $4  }
.Ltmp11:
0xc8: {  	_ = 	snop;
	(pc) =	sbr.rel @p0 .LBB2_16-.Ltmp11, $4  }
0xc9: {  	_ = 	snop  }
0xca: {  	_ = 	snop  }
0xcb: {  	_ = 	snop  }
0xcc: {  	_ = 	snop  }
.LBB2_18:
0xcd: {  	_ =	sfence.sel $0x180000  }
0xce: {  	[bflag:$0x0] =	sbarrier.arrive $0xFFFF  }
0xcf: {  	p0 =	sne.s32 s3, $0x0;
	_ =	strace $0x90000050  }
0xd0: {  	s0 =	sadd.s32 @!p0 $0x100000, s0;
	[bflag:$0x2] =	sbarrier.arrive $0xFFFF  }
0xd1: {  	[sflag:s0] =	ssyncadd.tile.s32 @!p0 $0x1;
	_ =	shalt  }
.Lfunc_end2:
_tile_overlayer_lowered:
.L_overlay_start_2:
0xd2: {  	(tag) =	ssettag $0x2  }
0xd3: {  	s0 =	rddreg [dreg:$0x0];
	s2 =	stileid.u32  }
0xd4: {  	s1 =	rddreg [dreg:$0x1];
	p0 =	sne.s32 s2, $0x0  }
0xd5: {  	s3 =	rddreg [dreg:$0x2];
	[bflag:$0x3] =	sbarrier.arrive $0xFFFF;
	s2 =	simm.s32 @!p0 $0x1C02  }
0xd6: {  	[timem:s3], [sflag:s2] =	dma.local @!p0 [hbm:s0], s1  }
0xd7: {  	s0 =	simm.s32 @!p0 $0x2  }
0xd8: {  	_ =	swait.ge @!p0 [sflag:s0], s1  }
0xd9: {  	s1 =	ssub.s32 @!p0 $0x0, s1;
	[sflag:s0] =	ssyncset.done @!p0 $0x0  }
0xda: {  	[sflag:s0] =	ssyncadd.s32 @!p0 s1  }
0xdb: {  	[bflag:$0x3] =	sbarrier.arrive $0xFFFF  }
0xdc: {  	_ =	shalt  }

// kernel: kernel.7.cloned.1.call-start
scs
__scs_entry_jumppad:
0x0: {  	(pc) =	sbr.rel $0x88, $3  }
0x1: {  	(tag) =	ssettag $0x0;
	lr =	simm.s32 $0x1  }
0x2: {  	[smem:$0x3F9E] =	sst lr;
	_ =	strace $0xD0000000  }
0x3: {  	_ = 	snop  }
0x4: {  	_ = 	snop  }
0x5: {  	_ = 	snop  }
0x6: {  	_ = 	snop  }
0x7: {  	_ = 	snop  }
__scs_overlays_trampoline_lowered:
0x8: {  	[smem:$0x3FAD] =	sst s0  }
0x9: {  	[smem:$0x3FAE] =	sst s1  }
0xa: {  	[smem:$0x3FAF] =	sst s2  }
0xb: {  	[smem:$0x3FB0] =	sst s3  }
0xc: {  	[smem:$0x3FB1] =	sst s4  }
0xd: {  	[smem:$0x3FB2] =	sst s5  }
0xe: {  	[smem:$0x3FB3] =	sst s6  }
0xf: {  	[smem:$0x3FB4] =	sst s7  }
0x10: {  	[smem:$0x3FB5] =	sst s8  }
0x11: {  	[smem:$0x3FB6] =	sst s9;
	s0 =	simm.s32 @!p0 $0x0  }
0x12: {  	s1 =	sld [smem:$0x3F9C];
	s0 =	simm.s32 @p0 $0x1  }
0x13: {  	[smem:$0x3FB7] =	sst s0;
	s0 =	simm.s32 @!p1 $0x0  }
0x14: {  	s2 =	sld [smem:$0x3F9B];
	s0 =	simm.s32 @p1 $0x1  }
0x15: {  	[smem:$0x3FB8] =	sst s0;
	s0 =	simm.s32 @!p2 $0x0  }
0x16: {  	s3 =	sld [smem:$0x3FDB];
	s0 =	simm.s32 @p2 $0x1  }
0x17: {  	s4 =	simm.s32 $0x1BF5;
	[smem:$0x3FBA] =	sst s0  }
0x18: {  	s0 =	sld [smem:$0x3F9D];
	_ =	swait.ge [sflag:s4], $0x0  }
0x19: {  	s7 =	sld [smem:$0x3F9E]  }
0x1a: {  	s8 =	sadd.s32 $0xFFFFE003, lr  }
0x1b: {  	s9 =	sadd.s32 $0xFFFFFEF7, lr;
	s5 =	simm.s32 $0xFFFFFFFF;
	p2 =	slt.u32 s8, $0xFFFFF086  }
0x1c: {  	p1 =	slt.u32 s9, $0xF7A;
	s5 =	simm.s32 @!p2 $0x0  }
0x1d: {  	s5 =	simm.s32 @p1 $0x1;
	p0 =	seq.s32 s7, s2  }
0x1e: {  	s7 =	smul.u32 @!p0 $0xF7A, s2;
	p2 =	seq.s32 @!p0 s5, $0x0  }
0x1f: {  	s9 =	smul.u32 $0xF7A, s1;
	s8 =	simm.s32 @!p0 $0x1BF5;
	p2 =	por !p2, p0  }
0x20: {  	[sflag:s8] =	ssyncset.s32 @!p0 $0xFFFFF086;
	s6 =	sadd.s32 @!p0 s3, s7;
	s7 =	simm.s32 @!p0 $0x108  }
0x21: {  	s3 =	sadd.s32 s3, s9;
	s6 =	sadd.s32 @!p0 $0x88, s6;
	s7 =	simm.s32 @p2 $0x1082  }
0x22: {  	[simem:s7], [sflag:s8] =	dma.local @!p0 [hbm:s6], $0xF7A  }
0x23: {  	s9 =	sor.u32 $0xD0000000, s2;
	s6 =	simm.s32 $0x108;
	_ =	swait.ge @!p0 [sflag:s8], $0x0  }
0x24: {  	s3 =	sadd.s32 $0x88, s3;
	s6 =	simm.s32 @!p1 $0x1082;
	[sflag:s4] =	ssyncset.s32 $0xFFFFF086  }
0x25: {  	[simem:s6], [sflag:s4] =	dma.local [hbm:s3], $0xF7A  }
0x26: {  	[smem:$0x3F9E] =	sst s1;
	(tag) =	ssettag s2;
	_ =	strace s9  }
0x27: {  	s1 =	sld [smem:$0x3FAE]  }
0x28: {  	s2 =	sld [smem:$0x3FAF]  }
0x29: {  	s4 =	sld [smem:$0x3FB1]  }
0x2a: {  	p0 =	seq.s32 s5, $0x0;
	s5 =	sld [smem:$0x3FB2]  }
0x2b: {  	s6 =	sld [smem:$0x3FB3]  }
0x2c: {  	s7 =	sld [smem:$0x3FB4]  }
0x2d: {  	s3 =	simm.s32 $0x108;
	s8 =	sld [smem:$0x3FB5]  }
0x2e: {  	s3 =	simm.s32 @!p0 $0x1082;
	s9 =	sld [smem:$0x3FB6]  }
0x2f: {  	lr =	sadd.s32 s0, s3;
	s0 =	sld [smem:$0x3FAD]  }
0x30: {  	s3 =	sld [smem:$0x3FB0]  }
0x31: {  	[smem:$0x3FB9] =	sst s10  }
0x32: {  	s10 =	sld [smem:$0x3FB7];
	_ =	sdelay $0x3  }
0x33: {  	p0 =	seq.s32 s10, $0x1;
	s10 =	sld [smem:$0x3FB9];
	_ =	sdelay $0x3  }
0x34: {  	[smem:$0x3FB9] =	sst s10  }
0x35: {  	s10 =	sld [smem:$0x3FB8];
	_ =	sdelay $0x3  }
0x36: {  	p1 =	seq.s32 s10, $0x1;
	s10 =	sld [smem:$0x3FB9];
	_ =	sdelay $0x3  }
0x37: {  	[smem:$0x3FB9] =	sst s10  }
0x38: {  	s10 =	sld [smem:$0x3FBA]  }
0x39: {  	_ = 	snop;
	(pc) =	sbr.ind lr, $3  }
0x3a: {  	_ = 	snop  }
0x3b: {  	_ = 	snop  }
0x3c: {  	p2 =	seq.s32 s10, $0x1;
	s10 =	sld [smem:$0x3FB9]  }
0x3d: {  	_ =	shalt  }
0x3e: {  	_ =	shalt  }
0x3f: {  	_ =	shalt  }
0x40: {  	_ =	shalt  }
0x41: {  	_ =	shalt  }
0x42: {  	_ =	shalt  }
0x43: {  	_ =	shalt  }
0x44: {  	_ =	shalt  }
0x45: {  	_ =	shalt  }
0x46: {  	_ =	shalt  }
0x47: {  	_ =	shalt  }
0x48: {  	_ =	shalt  }
0x49: {  	_ =	shalt  }
0x4a: {  	_ =	shalt  }
0x4b: {  	_ =	shalt  }
0x4c: {  	_ =	shalt  }
0x4d: {  	_ =	shalt  }
0x4e: {  	_ =	shalt  }
0x4f: {  	_ =	shalt  }
0x50: {  	_ =	shalt  }
0x51: {  	_ =	shalt  }
0x52: {  	_ =	shalt  }
0x53: {  	_ =	shalt  }
0x54: {  	_ =	shalt  }
0x55: {  	_ =	shalt  }
0x56: {  	_ =	shalt  }
0x57: {  	_ =	shalt  }
0x58: {  	_ =	shalt  }
0x59: {  	_ =	shalt  }
0x5a: {  	_ =	shalt  }
0x5b: {  	_ =	shalt  }
0x5c: {  	_ =	shalt  }
0x5d: {  	_ =	shalt  }
0x5e: {  	_ =	shalt  }
0x5f: {  	_ =	shalt  }
0x60: {  	_ =	shalt  }
0x61: {  	_ =	shalt  }
0x62: {  	_ =	shalt  }
0x63: {  	_ =	shalt  }
0x64: {  	_ =	shalt  }
0x65: {  	_ =	shalt  }
0x66: {  	_ =	shalt  }
0x67: {  	_ =	shalt  }
0x68: {  	_ =	shalt  }
0x69: {  	_ =	shalt  }
0x6a: {  	_ =	shalt  }
0x6b: {  	_ =	shalt  }
0x6c: {  	_ =	shalt  }
0x6d: {  	_ =	shalt  }
0x6e: {  	_ =	shalt  }
0x6f: {  	_ =	shalt  }
0x70: {  	_ =	shalt  }
0x71: {  	_ =	shalt  }
0x72: {  	_ =	shalt  }
0x73: {  	_ =	shalt  }
0x74: {  	_ =	shalt  }
0x75: {  	_ =	shalt  }
0x76: {  	_ =	shalt  }
0x77: {  	_ =	shalt  }
0x78: {  	_ =	shalt  }
0x79: {  	_ =	shalt  }
0x7a: {  	_ =	shalt  }
0x7b: {  	_ =	shalt  }
0x7c: {  	_ =	shalt  }
0x7d: {  	_ =	shalt  }
0x7e: {  	_ =	shalt  }
0x7f: {  	_ =	shalt  }
0x80: {  	_ =	shalt  }
0x81: {  	_ =	shalt  }
0x82: {  	_ =	shalt  }
0x83: {  	_ =	shalt  }
0x84: {  	_ =	shalt  }
0x85: {  	_ =	shalt  }
0x86: {  	_ =	shalt  }
0x87: {  	_ =	shalt  }
.Lfunc_end0:
.L_simem_size_0:
called_computation_lowered:
.L_overlay_start_0:
0x88: {  	s2 =	sld [smem:$0x3FD9]  }
0x89: {  	s3 =	sld [smem:$0x3FFE];
	_ =	sdelay $0x1  }
0x8a: {  	s1 =	srdreg.scid  }
0x8b: {  	s0 =	sand.u32 $0x1, s1  }
0x8c: {  	s17 =	sshll.u32 s0, $0xA;
	s2 =	sadd.s32 s3, s2  }
0x8d: {  	s2 =	sadd.s32 s2, s17  }
0x8e: {  	[smem:$0x3FC5] =	sst s2  }
0x8f: {  	_ = 	snop  }
0x90: {  	s2 =	sld [smem:$0x3FD0];
	(tm) =	ssettm $0x1  }
0x91: {  	s18 =	sld [smem:$0x3FFB];
	_ =	sdelay $0x3  }
0x92: {  	_ =	strace s18  }
0x93: {  	s3 =	sld [smem:$0x3FFC];
	_ =	sdelay $0x3  }
0x94: {  	_ =	strace s3  }
0x95: {  	s3 =	sld [smem:$0x3FFD];
	_ =	sdelay $0x3  }
0x96: {  	_ =	strace s3  }
0x97: {  	_ =	strace $0x8FFFFFFF  }
0x98: {  	s19 =	sld [smem:$0x3FDB];
	_ =	sdelay $0x1  }
0x99: {  	s4 =	simm.s32 $_scs_section_size  }
0x9a: {  	s5 =	simm.s32 $_size__tile_overlayer_lowered;
	s6 =	simm.s32 $_tile_overlayer_lowered  }
0x9b: {  	s22 =	simm.s32 $0x1BFF;
	s21 =	sshll.u32 s6, $0x1;
	s3 =	sadd.s32 s4, s19  }
0x9c: {  	s7 =	simm.s32 $0x0;
	s20 =	sshll.u32 s5, $0x1;
	s5 =	sadd.s32 s21, s3  }
0x9d: {  	[timem:s7], [sflag:s22] =	dma.local [hbm:s5], s20  }
0x9e: {  	_ =	swait.ge [sflag:s22], s20  }
0x9f: {  	s4 =	ssub.s32 $0x0, s20;
	[sflag:s22] =	ssyncset.done $0x0  }
0xa0: {  	[sflag:s22] =	ssyncadd.s32 s4;
	_ =	sdelay $0x1  }
0xa1: {  	s23 =	simm.s32 $0x1B8B  }
0xa2: {  	_ =	swait.ge [sflag:s23], $0x1  }
0xa3: {  	[sflag:s23] =	ssyncset.done $0x0  }
0xa4: {  	s25 =	simm.s32 $0x1B8E;
	s24 =	sld [smem:$0x3FFE];
	[sflag:s23] =	ssyncadd.s32 $0xFFFFFFFF  }
0xa5: {  	s26 =	simm.s32 $execute0_lowered;
	[smem:$0x3FD2] =	sst s25  }
0xa6: {  	s5 =	sshll.u32 s26, $0x1;
	_ =	strace $0x80000046;
	[dreg:$0x1] =	wrdreg $0xFFFFFFFF  }
0xa7: {  	s28 =	simm.s32 $_size_execute0_lowered;
	s3 =	sadd.s32 s3, s5;
	[dreg:$0x0] =	wrdreg $0x0  }
0xa8: {  	s5 =	sshll.u32 s28, $0x1;
	[dreg:$0x2] =	wrdreg s3  }
0xa9: {  	[dreg:$0x3] =	wrdreg s5  }
0xaa: {  	[dreg:$0x4] =	wrdreg $0xC0  }
0xab: {  	_ =	task [dreg:s7], $0x5FFFF  }
0xac: {  	[dreg:$0x1] =	wrdreg $0xFFFFFFFF  }
0xad: {  	[dreg:$0x0] =	wrdreg $0x60  }
0xae: {  	[dreg:$0x2] =	wrdreg s2  }
0xaf: {  	[dreg:$0x3] =	wrdreg s24  }
0xb0: {  	[dreg:$0x4] =	wrdreg $0x9  }
0xb1: {  	_ =	task.clear_ibuf [dreg:s7], $0x5FFFF;
	_ =	strace $0x90000046  }
0xb2: {  	s29 =	simm.s32 $0x9;
	_ =	strace $0x80000048  }
0xb3: {  	_ =	swait.ge [sflag:s29], $0x1  }
0xb4: {  	[sflag:s29] =	ssyncadd.s32 $0xFFFFFFFF  }
0xb5: {  	_ =	strace $0x90000048  }
0xb6: {  	_ =	sfence  }
0xb7: {  	s30 =	sld [smem:$0x0];
	_ =	sdelay $0x2  }
0xb8: {  	s31 =	sshll.u32 s1, $0xD;
	s1 =	sshrl.u32 s1, $0x2  }
0xb9: {  	s3 =	sand.u32 $0x4000, s31;
	s1 =	sadd.s32 s1, s30  }
0xba: {  	s0 =	sor.u32 s3, s0;
	s1 =	sshll.u32 s1, $0x11  }
0xbb: {  	s0 =	sor.u32 s1, s0  }
0xbc: {  	s0 =	sadd.s32 $0x8F2B, s0  }
0xbd: {  	[sflag:s0] =	ssyncadd.remote.s32 $0x1  }
0xbe: {  	_ =	sfence.sel $0xFFFF  }
0xbf: {  	[dreg:$0x0] =	wrdreg $0xFFFFFFFF;
	(pc) =	sbr.abs _section_cstart, $3  }
0xc0: {  	[dreg:$0x1] =	wrdreg $0xFFFFFFFF  }
0xc1: {  	_ =	task.clear_ibuf [dreg:s7], $0x2FFFF;
	_ =	strace $0x9FFFFFFF  }
0xc2: {  	(tm) =	ssettm $0x7FFFFFFF  }
0xc3: {  	_ =	shalt  }
tec
execute0_lowered:
.L_overlay_start_1:
0x0: {  	(tag) =	ssettag $0x1  }
0x1: {  	s1 =	rddreg [dreg:$0x0]  }
0x2: {  	s8 =	rddreg [dreg:$0x1]  }
0x3: {  	s2 =	srdreg.scid;
	s0 =	rddreg [dreg:$0x2];
	s3 =	simm.s32 $0x0  }
0x4: {  	s14 =	simm.s32 $0x4000;
	s15 =	simm.s32 $0x1000;
	s16 =	simm.s32 $0x2000  }
0x5: {  	s17 =	simm.s32 $0x3000;
	s18 =	simm.s32 $0x1;
	s19 =	simm.s32 $0x10  }
0x6: {  	s20 =	simm.s32 $0x200;
	s21 =	simm.s32 $0x2;
	s9 =	sand.u32 $0x1, s2  }
0x7: {  	[smem:$0x7FF] =	sst s3;
	s2 =	stileid.u32;
	s4 =	sshll.u32 s9, $0x4  }
0x8: {  	s5 =	sadd.s32 $0x40C00, s8;
	s7 =	sadd.s32 $0x7EC00, s8;
	s10 =	sor.u32 s2, s4  }
0x9: {  	_ =	strace $0x80000047;
	s9 =	ssub.s32 $0x2, s9;
	s6 =	smul.u32 $0xF800, s10  }
0xa: {  	s4 =	sadd.s32 $0x2C00, s8;
	s31 =	sshrl.u32 s9, $0x1;
	s10 =	sshll.u32 s10, $0x1  }
0xb: {  	s13 =	ssub.s32 s9, s31;
	s12 =	sadd.s32 s10, s8;
	s11 =	sshrl.u32 s6, $0x3  }
0xc: {  	s13 =	smax.u32 s13, $0x1;
	s12 =	sadd.s32 $0xBCC00, s12;
	s8 =	sadd.s32 s1, s11  }
0xd: {  	v0 =	vlaneseq.u32;
	v1 =	vimm.s32 $0x0;
	v2 =	vimm.s32 $0x1;
	s9 =	sadd.s32 s4, s11;
	s10 =	sadd.s32 s5, s11;
	s11 =	sadd.s32 s7, s11  }
.LBB2_1:
0xe: {  	s23 =	simm.s32 $0x0  }
0xf: {  	s22 =	simm.s32 $0x1;
	v3 =	vor.u32 s23, v0  }
.LBB2_2:
0x10: {  	p0 =	sne.s32 s22, $0xFF  }
.Ltmp0:
0x11: {  	_ = 	snop;
	(pc) =	sbr.rel @p0 .LBB2_2-.Ltmp0, $3  }
0x12: {  	_ =	sdelay $0x1  }
0x13: {  	s23 =	sshll.u32 s22, $0x4;
	s22 =	sadd.s32 $0x1, s22;
	[tilespmem:v3+s14+$0x0] =	vst.idx.msk $0xffff, v1  }
0x14: {  	v3 =	vor.u32 s23, v0  }
0x15: {  	_ =	sdelay $0x3  }
0x16: {  	[tilespmem:v3+s14+$0x0] =	vst.idx.msk $0xffff, v1;
	s22 =	simm.s32 $0x0  }
0x17: {  	[tilespmem:s22], [sflag:$0x1] =	stream.linear.gather [hbm4b:s8+s22], $0x800, $0x38;
	[tilespmem:$0x5000] =	vst v63  }
0x18: {  	_ = 	snop  }
0x19: {  	[tilespmem:s15], [sflag:$0x1] =	stream.linear.gather [hbm4b:s9+s22], $0x800, $0x38;
	[tilespmem:$0x5000] =	vst v63  }
0x1a: {  	_ = 	snop  }
0x1b: {  	[tilespmem:s16], [sflag:$0x1] =	stream.linear.gather [hbm4b:s10+s22], $0x800, $0x38;
	[tilespmem:$0x5000] =	vst v63  }
0x1c: {  	_ = 	snop  }
0x1d: {  	[tilespmem:s17], [sflag:$0x1] =	stream.linear.gather [hbm4b:s11+s22], $0x800, $0x38;
	[tilespmem:$0x5000] =	vst v63  }
.LBB2_5:
0x1e: {  	_ =	swait.ge [sflag:s18], $0x800  }
0x1f: {  	[sflag:s18] =	ssyncset.done $0x0  }
0x20: {  	[sflag:s18] =	ssyncadd.s32 $0xFFFFF800  }
0x21: {  	_ =	swait.ge [sflag:s18], $0x800  }
0x22: {  	[sflag:s18] =	ssyncset.done $0x0  }
0x23: {  	s23 =	smov.u32 s22;
	[sflag:s18] =	ssyncadd.s32 $0xFFFFF800  }
0x24: {  	s22 =	sadd.s32 $0x1, s22;
	p0 =	seq.s32 s23, $0x1E;
	_ =	swait.ge [sflag:s18], $0x800  }
0x25: {  	s24 =	sshll.u32 @!p0 s22, $0xB;
	[sflag:s18] =	ssyncset.done $0x0  }
0x26: {  	s23 =	sshll.u32 @!p0 s23, $0xB;
	s28 =	simm.s32 @!p0 $0x0;
	[sflag:s18] =	ssyncadd.s32 $0xFFFFF800  }
0x27: {  	s24 =	sadd.s32 @!p0 s6, s24;
	s23 =	sand.u32 @!p0 $0x800, s23;
	_ =	swait.ge [sflag:s18], $0x800  }
0x28: {  	s24 =	sshrl.u32 @!p0 s24, $0x3;
	s25 =	sxor.u32 @!p0 $0x800, s23;
	[sflag:s18] =	ssyncset.done $0x0  }
0x29: {  	s23 =	simm.s32 @p0 $0x0;
	s26 =	sadd.s32 @!p0 s1, s24;
	[sflag:s18] =	ssyncadd.s32 $0xFFFFF800  }
0x2a: {  	[tilespmem:s25], [sflag:$0x1] =	stream.linear.gather @!p0 [hbm4b:s26+s28], $0x800, $0x38;
	[tilespmem:$0x5000] =	vst v63  }
0x2b: {  	s29 =	sadd.s32 @!p0 s4, s24;
	s31 =	sor.u32 $0x1000, s23;
	s26 =	sor.u32 @!p0 $0x1000, s25  }
0x2c: {  	[tilespmem:s26], [sflag:$0x1] =	stream.linear.gather @!p0 [hbm4b:s29+s28], $0x800, $0x38;
	[tilespmem:$0x5000] =	vst v63  }
0x2d: {  	v3 =	vmov s31;
	s26 =	sor.u32 @!p0 $0x2000, s25;
	s29 =	sadd.s32 @!p0 s5, s24  }
0x2e: {  	[tilespmem:s26], [sflag:$0x1] =	stream.linear.gather @!p0 [hbm4b:s29+s28], $0x800, $0x38;
	[tilespmem:$0x5000] =	vst v63  }
0x2f: {  	s23 =	sor.u32 $0x2000, s23;
	s25 =	sor.u32 @!p0 $0x3000, s25;
	s24 =	sadd.s32 @!p0 s7, s24  }
0x30: {  	v4 =	vmov s23;
	[tilespmem:s25], [sflag:$0x1] =	stream.linear.gather @!p0 [hbm4b:s24+s28], $0x800, $0x38;
	[tilespmem:$0x5000] =	vst v63  }
0x31: {  	s23 =	simm.s32 $0x40;
	s24 =	simm.s32 $0x0  }
.LBB2_6:
0x32: {  	p0 =	seq.s32 s23, $0x1FC0;
	v5 =	vld.idx.msk [tilespmem:v3+s24+$0x0 ss:$0x1], $0xffff;
	_ =	sdelay $0x2  }
0x33: {  	v6 =	vld.idx.msk [tilespmem:v4+s24+$0x0 ss:$0x1], $0xffff;
	_ =	sdelay $0x2  }
0x34: {  	v5 =	vadd.f32 v5, v5;
	_ =	sdelay $0x1  }
0x35: {  	v5 =	vadd.f32 $2.555000000e+02, v5  }
0x36: {  	v6 =	vmul.f32 $1.000000010e-01, v6  }
0x37: {  	v5 =	vtrunc.f32 v5  }
0x38: {  	v5 =	vcvt.f32.s32 v5;
	v6 =	vtrunc.f32 v6  }
0x39: {  	v6 =	vcvt.f32.s32 v6  }
0x3a: {  	vm0 =	vgt.s32 v5, $0x0  }
0x3b: {  	v5 =	vnsel vm0, $0x0, v5;
	vm0 =	vgt.s32 v6, $0x0  }
0x3c: {  	v5 =	vmin.u32 v5, $0x1FE;
	v6 =	vnsel vm0, $0x0, v6  }
0x3d: {  	v6 =	vmin.u32 v6, $0x3E;
	v5 =	vshrl.u32 v5, $0x3  }
0x3e: {  	v6 =	vshll.u32 v6, $0x6;
	v5 =	vand.u32 $0x30, v5  }
0x3f: {  	v5 =	vor.u32 v6, v5  }
0x40: {  	v5 =	vor.u32 v0, v5  }
.Ltmp1:
0x41: {  	(pc) =	sbr.rel @!p0 .LBB2_6-.Ltmp1, $2  }
0x42: {  	_ =	sdelay $0x2  }
0x43: {  	s24 =	sshra.s32 s23, $0x2;
	s23 =	sadd.s32 $0x40, s23;
	[tilespmem:v5+s14+$0x0] =	vst.idx.add.s32.msk $0xffff, v2  }
0x44: {  	_ =	sdelay $0x3  }
0x45: {  	v3 =	vld.idx.msk [tilespmem:v3+s24+$0x0 ss:$0x1], $0xffff;
	_ =	sdelay $0x2  }
0x46: {  	v4 =	vld.idx.msk [tilespmem:v4+s24+$0x0 ss:$0x1], $0xffff;
	_ =	sdelay $0x1  }
0x47: {  	v3 =	vadd.f32 v3, v3;
	_ =	sdelay $0x1  }
0x48: {  	v3 =	vadd.f32 $2.555000000e+02, v3  }
0x49: {  	v4 =	vmul.f32 $1.000000010e-01, v4  }
0x4a: {  	v3 =	vtrunc.f32 v3  }
0x4b: {  	v4 =	vtrunc.f32 v4;
	v3 =	vcvt.f32.s32 v3  }
0x4c: {  	v4 =	vcvt.f32.s32 v4  }
0x4d: {  	vm0 =	vgt.s32 v3, $0x0  }
0x4e: {  	vm15 =	vgt.s32 v4, $0x0;
	v3 =	vnsel vm0, $0x0, v3  }
0x4f: {  	v4 =	vnsel vm15, $0x0, v4;
	v3 =	vmin.u32 v3, $0x1FE  }
0x50: {  	v4 =	vmin.u32 v4, $0x3E;
	v3 =	vshrl.u32 v3, $0x3  }
0x51: {  	v4 =	vshll.u32 v4, $0x6;
	v3 =	vand.u32 $0x30, v3  }
0x52: {  	v3 =	vor.u32 v4, v3  }
0x53: {  	v3 =	vor.u32 v0, v3;
	_ =	sdelay $0x4  }
0x54: {  	[tilespmem:v3+s14+$0x0] =	vst.idx.add.s32.msk $0xffff, v2  }
0x55: {  	p0 =	seq.s32 s22, $0x1F  }
.Ltmp2:
0x56: {  	_ = 	snop;
	(pc) =	sbr.rel @!p0 .LBB2_5-.Ltmp2, $1  }
0x57: {  	_ =	sdelay $0x3  }
0x58: {  	s3 =	sadd.s32 $0x1, s3  }
0x59: {  	p0 =	sne.s32 s3, s13  }
.Ltmp3:
0x5a: {  	_ = 	snop;
	(pc) =	sbr.rel @p0 .LBB2_1-.Ltmp3, $4  }
0x5b: {  	[hbm4b:s12+s19] =	stream.strided.scatter [tilespmem:s14], [sflag:$0x2], $0x1000, s20, s19, $0x38;
	[tilespmem:$0x5000] =	vst v63  }
0x5c: {  	_ =	swait.ge [sflag:s21], $0x1000  }
0x5d: {  	[sflag:s21] =	ssyncset.done $0x0  }
0x5e: {  	[sflag:s21] =	ssyncadd.s32 $0xFFFFF000  }
0x5f: {  	_ =	sfence.sel $0x180000  }
0x60: {  	[bflag:$0x0] =	sbarrier.arrive $0xFFFF  }
0x61: {  	p0 =	sne.s32 s2, $0x0;
	_ =	strace $0x90000047  }
0x62: {  	s0 =	sadd.s32 @!p0 $0x100000, s0;
	[bflag:$0x2] =	sbarrier.arrive $0xFFFF  }
0x63: {  	[sflag:s0] =	ssyncadd.tile.s32 @!p0 $0x1;
	_ =	shalt  }
.Lfunc_end2:
_tile_overlayer_lowered:
.L_overlay_start_2:
0x64: {  	(tag) =	ssettag $0x2  }
0x65: {  	s0 =	rddreg [dreg:$0x0];
	s2 =	stileid.u32  }
0x66: {  	s1 =	rddreg [dreg:$0x1];
	p0 =	sne.s32 s2, $0x0  }
0x67: {  	s3 =	rddreg [dreg:$0x2];
	[bflag:$0x3] =	sbarrier.arrive $0xFFFF;
	s2 =	simm.s32 @!p0 $0x1C02  }
0x68: {  	[timem:s3], [sflag:s2] =	dma.local @!p0 [hbm:s0], s1  }
0x69: {  	s0 =	simm.s32 @!p0 $0x2  }
0x6a: {  	_ =	swait.ge @!p0 [sflag:s0], s1  }
0x6b: {  	s1 =	ssub.s32 @!p0 $0x0, s1;
	[sflag:s0] =	ssyncset.done @!p0 $0x0  }
0x6c: {  	[sflag:s0] =	ssyncadd.s32 @!p0 s1  }
0x6d: {  	[bflag:$0x3] =	sbarrier.arrive $0xFFFF  }
0x6e: {  	_ =	shalt  }

</sc_bundles>
